<compile_context>
chip_gen: v7x
topology: tpu7x:2x2x1
jax: 0.10.2.dev20260603
libtpu: 0.0.44.dev20260713+nightly
codegen_flags: <defaults>
</compile_context>

<pallas_src>
import functools

import jax
import jax.numpy as jnp
from jax import lax
from jax.experimental import pallas as pl
from jax.experimental.pallas import tpu as pltpu
from jax.experimental.pallas import tpu_sc as plsc

K = 32


def _dpad(c):
    return ((c // 2 + 3 + 127) // 128) * 128


def _lrelu(x):
    return jnp.where(x > 0, x, 0.1 * x)


def _p1conv_body(x_ref, w1, b1, g1, e1, w2, b2, g2, e2, w3, b3, g3, e3, o_ref):
    def layer(x, wt, bt, g, e):
        y = jnp.dot(x, wt[...], preferred_element_type=jnp.float32) + bt[...]
        m = jnp.mean(y, axis=0, keepdims=True)
        v = jnp.mean((y - m) ** 2, axis=0, keepdims=True)
        return _lrelu(g[...] * (y - m) / jnp.sqrt(v + 1e-5) + e[...])

    x = layer(x_ref[...], w1, b1, g1, e1)
    x = layer(x, w2, b2, g2, e2)
    o_ref[...] = layer(x, w3, b3, g3, e3)


def _p1conv(xp, w1t, b1p, g1, e1, w2t, b2p, g2, e2, w3t, b3p, g3, e3):
    P, H = xp.shape[0], w3t.shape[1]
    return pl.pallas_call(
        _p1conv_body,
        out_shape=jax.ShapeDtypeStruct((P, H), jnp.float32),
    )(xp, w1t, b1p, g1, e1, w2t, b2p, g2, e2, w3t, b3p, g3, e3)


_LSEL = 256
_RCAP = 6
_BIG = 1e30


def _knn_body(x1_ref, x2_ref, o_ref, dsc, avsc, aisc, n2):
    b = pl.program_id(0)
    L = _LSEL
    C = n2 // L
    x1t = jnp.swapaxes(x1_ref[0], 0, 1)
    x2 = x2_ref[0]
    n1 = x1t.shape[0]
    prod = jnp.dot(x1t, x2, preferred_element_type=jnp.float32)
    sq1 = jnp.sum(x1t * x1t, axis=1, keepdims=True)
    sq2 = jnp.sum(x2 * x2, axis=0, keepdims=True)
    dsc[...] = ((-2.0 * prod) + sq1) + sq2

    lane = lax.broadcasted_iota(jnp.int32, (n1, L), 1)
    col = lax.broadcasted_iota(jnp.int32, (n1, K), 1)
    avsc[...] = jnp.full(avsc.shape, _BIG, jnp.float32)
    aisc[...] = jnp.full(aisc.shape, 2.0 * _BIG, jnp.float32)

    lm0 = jnp.full((n1, L), _BIG, jnp.float32)
    am0 = jnp.zeros((n1, L), jnp.int32)
    for c in range(C):
        d = dsc[:, c * L:(c + 1) * L]
        upd = d < lm0
        am0 = jnp.where(upd, c, am0)
        lm0 = jnp.minimum(lm0, d)

    def round_body(carry):
        r, lm, am, done = carry
        avsc[r] = lm
        aisc[r] = (am * L + lane).astype(jnp.float32)
        nlm = jnp.full((n1, L), _BIG, jnp.float32)
        nam = jnp.zeros((n1, L), jnp.int32)
        for c in range(C):
            d = dsc[:, c * L:(c + 1) * L]
            d = jnp.where(am == c, _BIG, d)
            dsc[:, c * L:(c + 1) * L] = d
            upd = d < nlm
            nam = jnp.where(upd, c, nam)
            nlm = jnp.minimum(nlm, d)
        rrow = jnp.min(nlm, axis=1, keepdims=True)
        below = (avsc[...] < rrow[None, :, :]).astype(jnp.float32)
        cnt = jnp.sum(jnp.sum(below, axis=0), axis=1)
        return r + 1, nlm, nam, jnp.min(cnt) >= K

    def round_cond(carry):
        r, _, _, done = carry
        return jnp.logical_and(r < _RCAP, jnp.logical_not(done))

    _, _, _, ok = lax.while_loop(
        round_cond, round_body, (0, lm0, am0, False))

    def fast_fn(_):
        def ex(k, carry):
            av, acc = carry
            m = jnp.min(jnp.min(av, axis=0), axis=1, keepdims=True)
            tie = av == m[None, :, :]
            cand = jnp.where(tie, aisc[...], jnp.float32(4.0 * _BIG))
            i1 = jnp.min(jnp.min(cand, axis=0), axis=1, keepdims=True)
            sel = jnp.logical_and(tie, aisc[...] == i1[None, :, :])
            av = jnp.where(sel, _BIG, av)
            acc = jnp.where(col == k, i1.astype(jnp.int32), acc)
            return av, acc
        _, acc = lax.fori_loop(0, K, ex, (avsc[...],
                                          jnp.zeros((n1, K), jnp.int32)))
        return acc

    def slow_fn(_):
        dsc[...] = ((-2.0 * prod) + sq1) + sq2
        lane2 = lax.broadcasted_iota(jnp.int32, (n1, n2), 1)

        def ex(k, acc):
            d = dsc[...]
            idx = jnp.argmin(d, axis=1).astype(jnp.int32)[:, None]
            dsc[...] = jnp.where(lane2 == idx, _BIG, d)
            return jnp.where(col == k, idx, acc)
        return lax.fori_loop(0, K, ex, jnp.zeros((n1, K), jnp.int32))

    acc = lax.cond(ok, fast_fn, slow_fn, None)
    o_ref[0] = acc + b * n2


def _knn(xyz1, xyz2):
    B, _, N1 = xyz1.shape
    N2 = xyz2.shape[2]
    return pl.pallas_call(
        functools.partial(_knn_body, n2=N2),
        grid=(B,),
        in_specs=[
            pl.BlockSpec((1, 3, N1), lambda b: (b, 0, 0)),
            pl.BlockSpec((1, 3, N2), lambda b: (b, 0, 0)),
        ],
        out_specs=pl.BlockSpec((1, N1, K), lambda b: (b, 0, 0)),
        out_shape=jax.ShapeDtypeStruct((B, N1, K), jnp.int32),
        scratch_shapes=[
            pltpu.VMEM((N1, N2), jnp.float32),
            pltpu.VMEM((_RCAP, N1, _LSEL), jnp.float32),
            pltpu.VMEM((_RCAP, N1, _LSEL), jnp.float32),
        ],
    )(xyz1, xyz2)


def _pack_bf16(t0, t1):
    i0 = lax.bitcast_convert_type(t0, jnp.int32)
    i1 = lax.bitcast_convert_type(t1, jnp.int32)
    r0 = lax.shift_right_logical(i0 + 0x8000, 16)
    r1 = lax.shift_right_logical(i1 + 0x8000, 16)
    return r0 | lax.shift_left(r1, 16)


def _table_body(p2_ref, x2_ref, o_ref, c):
    h = c // 2
    t0 = jnp.swapaxes(p2_ref[0, :, 0, :], 0, 1)
    t1 = jnp.swapaxes(p2_ref[0, :, 1, :], 0, 1)
    o_ref[:, 0:h] = _pack_bf16(t0, t1)
    o_ref[:, h:h + 3] = lax.bitcast_convert_type(
        jnp.swapaxes(x2_ref[0], 0, 1), jnp.int32)


def _build_table(points2, xyz2):
    B, C, N2 = points2.shape
    dpad = _dpad(C)
    J = 8
    W = N2 // J
    p2r = points2.reshape(B, C // 2, 2, N2)
    return pl.pallas_call(
        functools.partial(_table_body, c=C),
        grid=(B, J),
        in_specs=[
            pl.BlockSpec((1, C // 2, 2, W), lambda b, j: (b, 0, 0, j)),
            pl.BlockSpec((1, 3, W), lambda b, j: (b, 0, j)),
        ],
        out_specs=pl.BlockSpec((W, dpad), lambda b, j: (b * J + j, 0)),
        out_shape=jax.ShapeDtypeStruct((B * N2, dpad), jnp.int32),
    )(p2r, xyz2)


def _sc_gather_rows(table, idx2d):
    nsel = idx2d.shape[1]
    dpad = table.shape[1]
    W = 128
    mesh = plsc.VectorSubcoreMesh(core_axis_name="c", subcore_axis_name="s")

    @functools.partial(
        pl.kernel,
        out_type=jax.ShapeDtypeStruct((nsel, dpad), jnp.int32),
        mesh=mesh,
    )
    def k(table_hbm, i_hbm, o_hbm):
        def body(i_vmem, o_vmem):
            pltpu.sync_copy(table_hbm.at[i_vmem.at[0]], o_vmem)

        pltpu.emit_pipeline(
            body,
            grid=(nsel // W,),
            in_specs=[pl.BlockSpec((1, W), lambda i: (0, i))],
            out_specs=[pl.BlockSpec((W, dpad), lambda i: (i, 0))],
            core_axis_name=("c", "s"),
            dimension_semantics=(pltpu.PARALLEL,),
        )(i_hbm, o_hbm)

    return k(table, idx2d)


def _mlp_body(g_ref, p1_ref, x1_ref, wat, wbet, wbot, wct, bm1, w2t, bm2,
              wq1t, wq2t, wrt, br, o_ref, c):
    n1 = p1_ref.shape[0]
    h2dim = wat.shape[1]
    h = c // 2
    w = g_ref[:, 0:h]
    fe = lax.bitcast_convert_type(lax.shift_left(w, 16), jnp.float32)
    fo = lax.bitcast_convert_type(w & jnp.int32(-0x10000), jnp.float32)
    nbr = lax.bitcast_convert_type(g_ref[:, h:h + 3], jnp.float32)
    x1t = jnp.swapaxes(x1_ref[0], 0, 1)
    x1rep = jnp.broadcast_to(x1t[:, None, :], (n1, K, 3)).reshape(n1 * K, 3)
    dirn = nbr - x1rep

    z1 = jnp.dot(p1_ref[...], wat[...], preferred_element_type=jnp.float32)
    z1rep = jnp.broadcast_to(z1[:, None, :],
                             (n1, K, h2dim)).reshape(n1 * K, h2dim)
    zp2 = (jnp.dot(fe, wbet[...], preferred_element_type=jnp.float32)
           + jnp.dot(fo, wbot[...], preferred_element_type=jnp.float32))
    zdir = jnp.dot(dirn, wct[...], preferred_element_type=jnp.float32)
    h1 = _lrelu(zp2 + zdir + z1rep + bm1[...])
    h2 = _lrelu(jnp.dot(h1.astype(jnp.bfloat16), w2t[...],
                        preferred_element_type=jnp.float32)
                + bm2[...])
    pooled = jnp.max(h2.reshape(n1, K, h2dim), axis=1)
    q = _lrelu(jnp.dot(pooled, wq1t[...], preferred_element_type=jnp.float32))
    q = _lrelu(jnp.dot(q, wq2t[...], preferred_element_type=jnp.float32))
    o_ref[0] = jnp.dot(q, wrt[...], preferred_element_type=jnp.float32) + br[...]


def _mlp(grows, p1, xyz1, wat, wbet, wbot, wct, bm1, w2t, bm2, wq1t, wq2t,
         wrt, br):
    B, _, N1 = xyz1.shape
    H = wat.shape[0]
    C = 2 * wbet.shape[0]
    dpad = grows.shape[1]
    h2dim = wat.shape[1]
    return pl.pallas_call(
        functools.partial(_mlp_body, c=C),
        grid=(B,),
        in_specs=[
            pl.BlockSpec((N1 * K, dpad), lambda b: (b, 0)),
            pl.BlockSpec((N1, H), lambda b: (b, 0)),
            pl.BlockSpec((1, 3, N1), lambda b: (b, 0, 0)),
            pl.BlockSpec(wat.shape, lambda b: (0, 0)),
            pl.BlockSpec(wbet.shape, lambda b: (0, 0)),
            pl.BlockSpec(wbot.shape, lambda b: (0, 0)),
            pl.BlockSpec(wct.shape, lambda b: (0, 0)),
            pl.BlockSpec((1, h2dim), lambda b: (0, 0)),
            pl.BlockSpec(w2t.shape, lambda b: (0, 0)),
            pl.BlockSpec((1, h2dim), lambda b: (0, 0)),
            pl.BlockSpec(wq1t.shape, lambda b: (0, 0)),
            pl.BlockSpec(wq2t.shape, lambda b: (0, 0)),
            pl.BlockSpec(wrt.shape, lambda b: (0, 0)),
            pl.BlockSpec((1, 3), lambda b: (0, 0)),
        ],
        out_specs=pl.BlockSpec((1, N1, 3), lambda b: (b, 0, 0)),
        out_shape=jax.ShapeDtypeStruct((B, N1, 3), jnp.float32),
    )(grows, p1, xyz1, wat, wbet, wbot, wct, bm1, w2t, bm2, wq1t, wq2t,
      wrt, br)


def kernel(xyz1, xyz2, points1, points2, W1, b1, g1, be1, W2, b2, g2, be2,
           W3, b3, g3, be3, Wm1, bm1, Wm2, bm2, Wq1, Wq2, Wr, br):
    B, _, N1 = xyz1.shape
    N2 = xyz2.shape[2]
    LC = points1.shape[1]
    IC = points2.shape[1]
    H = W1.shape[0]

    xp = jnp.transpose(points1, (0, 2, 1)).reshape(B * N1, LC)
    b1p = jnp.tile(jnp.transpose(b1), (B, 1))
    b2p = jnp.tile(jnp.transpose(b2), (B, 1))
    b3p = jnp.tile(jnp.transpose(b3), (B, 1))
    p1 = _p1conv(xp, jnp.transpose(W1), b1p, g1[None, :], be1[None, :],
                 jnp.transpose(W2), b2p, g2[None, :], be2[None, :],
                 jnp.transpose(W3), b3p, g3[None, :], be3[None, :])

    idx = _knn(xyz1, xyz2)
    table = _build_table(points2, xyz2)
    grows = _sc_gather_rows(table, idx.reshape(1, B * N1 * K))

    wat = jnp.transpose(Wm1[:, 0:H])
    wbet = jnp.transpose(Wm1[:, H:H + IC:2])
    wbot = jnp.transpose(Wm1[:, H + 1:H + IC:2])
    wct = jnp.transpose(Wm1[:, H + IC:H + IC + 3])
    out = _mlp(grows, p1, xyz1, wat, wbet, wbot, wct,
               bm1[None, :], jnp.transpose(Wm2).astype(jnp.bfloat16),
               bm2[None, :],
               jnp.transpose(Wq1), jnp.transpose(Wq2), jnp.transpose(Wr),
               br[None, :])
    return jnp.transpose(out, (0, 2, 1))

# --- scband reference (transcript-rebuilt; emitter-appended) ---
"""Pipeline reference for scband-mapping-with-bias-42073499631906 (READ-ONLY COPY).

The authoritative reference and input builder live on the scoring server;
editing this copy changes nothing except your own understanding.
"""

import jax, jax.numpy as jnp
import numpy as np

B, N1, N2 = 32, 24, 16384
LC, IC, K = 512, 256, 32

def _lrelu(x):
    return jnp.where(x > 0, x, 0.1 * x)

def _bn1d(x, g, b):
    m = jnp.mean(x, axis=(0, 2), keepdims=True)
    v = jnp.var(x, axis=(0, 2), keepdims=True)
    return g[None, :, None] * (x - m) / jnp.sqrt(v + 1e-5) + b[None, :, None]

def _biasconv(x, W, bias, g, be):
    y = jnp.einsum('oi,bil->bol', W, x) + bias[None, :, :]
    return _lrelu(_bn1d(y, g, be))

def setup_inputs(seed: int = 0):
    key = jax.random.key(seed)
    ks = jax.random.split(key, 24)
    d = {}
    d['xyz1'] = jax.random.normal(ks[0], (B, 3, N1), dtype=jnp.float32)
    d['xyz2'] = jax.random.normal(ks[1], (B, 3, N2), dtype=jnp.float32)
    d['points1'] = jax.random.normal(ks[2], (B, LC, N1), dtype=jnp.float32)
    d['points2'] = jax.random.normal(ks[3], (B, IC, N2), dtype=jnp.float32)
    H = LC // 2
    d['W1'] = jax.random.normal(ks[4], (H, LC)) * 0.05
    d['b1'] = jax.random.normal(ks[5], (H, N1))
    d['g1'] = jnp.ones((H,)); d['be1'] = jnp.zeros((H,))
    d['W2'] = jax.random.normal(ks[6], (H, H)) * 0.05
    d['b2'] = jax.random.normal(ks[7], (H, N1))
    d['g2'] = jnp.ones((H,)); d['be2'] = jnp.zeros((H,))
    d['W3'] = jax.random.normal(ks[8], (H, H)) * 0.05
    d['b3'] = jax.random.normal(ks[9], (H, N1))
    d['g3'] = jnp.ones((H,)); d['be3'] = jnp.zeros((H,))
    Cin = IC + H + 3
    d['Wm1'] = jax.random.normal(ks[10], (512, Cin)) * 0.05
    d['bm1'] = jnp.zeros((512,))
    d['Wm2'] = jax.random.normal(ks[11], (512, 512)) * 0.05
    d['bm2'] = jnp.zeros((512,))
    d['Wq1'] = jax.random.normal(ks[12], (512, 512)) * 0.05
    d['Wq2'] = jax.random.normal(ks[13], (512, 512)) * 0.05
    d['Wr'] = jax.random.normal(ks[14], (3, 512)) * 0.05
    d['br'] = jnp.zeros((3,))
    return d

def reference(xyz1, xyz2, points1, points2, W1, b1, g1, be1, W2, b2, g2, be2, W3, b3, g3, be3, Wm1, bm1, Wm2, bm2, Wq1, Wq2, Wr, br):
    p1 = _biasconv(points1, W1, b1, g1, be1)
    p1 = _biasconv(p1, W2, b2, g2, be2)
    p1 = _biasconv(p1, W3, b3, g3, be3)
    p1 = jnp.transpose(p1, (0, 2, 1))
    p2 = jnp.transpose(points2, (0, 2, 1))
    x1 = jnp.transpose(xyz1, (0, 2, 1))
    x2 = jnp.transpose(xyz2, (0, 2, 1))
    sqr = -2.0 * jnp.einsum('bnc,bmc->bnm', x1, x2)
    sqr = sqr + jnp.sum(x1 ** 2, -1)[:, :, None] + jnp.sum(x2 ** 2, -1)[:, None, :]
    _, knn_idx = jax.lax.top_k(-sqr, K)
    gather = jax.vmap(lambda pts, idx: pts[idx])
    nbr_xyz = gather(x2, knn_idx)
    direction = nbr_xyz - x1[:, :, None, :]
    gp2 = gather(p2, knn_idx)
    gp1 = jnp.broadcast_to(p1[:, :, None, :], (p1.shape[0], p1.shape[1], K, p1.shape[2]))
    new_points = jnp.concatenate([gp1, gp2, direction], axis=-1)
    new_points = jnp.transpose(new_points, (0, 3, 2, 1))
    new_points = _lrelu(jnp.einsum('oc,bckn->bokn', Wm1, new_points) + bm1[None, :, None, None])
    new_points = _lrelu(jnp.einsum('oc,bckn->bokn', Wm2, new_points) + bm2[None, :, None, None])
    new_points = jnp.max(new_points, axis=2)
    new_points = _lrelu(jnp.einsum('oc,bcn->bon', Wq1, new_points))
    new_points = _lrelu(jnp.einsum('oc,bcn->bon', Wq2, new_points))
    joint_res = jnp.einsum('oc,bcn->bon', Wr, new_points) + br[None, :, None]
    return joint_res

if __name__ == "__main__":
    import jax
    _d = setup_inputs()
    print(jax.jit(kernel)(*tuple(_d.values())))

</pallas_src>

<mosaic_0001>
#map = affine_map<(d0, d1) -> (0, 0)>
module attributes {stable_mosaic.version = 14 : i64} {
  func.func @k(%arg0: i32, %arg1: i32, %arg2: memref<524288x256xi32, #tpu.memory_space<hbm>>, %arg3: memref<1x24576xi32, #tpu.memory_space<hbm>>, %arg4: memref<24576x256xi32, #tpu.memory_space<hbm>>) attributes {dimension_semantics = [#tpu.dimension_semantics<core_parallel>, #tpu.dimension_semantics<subcore_parallel>], iteration_bounds = array<i64: 2, 16>, scalar_prefetch = 0 : i64, scratch_operands = 0 : i64, tpu.core_type = #tpu.core_type<sc_vector_subcore>, window_params = [{transform_indices = #map}, {transform_indices = #map}, {transform_indices = #map}]} {
    %mul3A = arith.constant 1 : i32
    %mul3A_0 = arith.muli %arg1, %mul3A : i32
    %add3A = arith.constant 0 : i32
    %add3A_1 = arith.addi %add3A, %mul3A_0 : i32
    %mul3A_2 = arith.constant 16 : i32
    %mul3A_3 = arith.muli %arg0, %mul3A_2 : i32
    %add3A_4 = arith.addi %add3A_1, %mul3A_3 : i32
    %mul3A_5 = arith.constant 6 : i32
    %mul3A_6 = arith.muli %add3A_4, %mul3A_5 : i32
    "tpu.region"() ({
      %run_scoped3A = memref.alloca() : memref<2x1x128xi32, #tpu.memory_space<vmem>>
      %run_scoped3A_7 = tpu.sem_alloc : memref<2x!tpu.dma_semaphore, #tpu.memory_space<semaphore_mem>>
      %run_scoped3A_8 = memref.alloca() : memref<2x128x256xi32, #tpu.memory_space<vmem>>
      %run_scoped3A_9 = tpu.sem_alloc : memref<2x!tpu.dma_semaphore, #tpu.memory_space<semaphore_mem>>
      %add3A_10 = arith.constant 0 : i32
      %add3A_11 = arith.addi %add3A_10, %mul3A_6 : i32
      %select_n3A = arith.constant true
      %select_n3A_12 = arith.constant 0 : i32
      %select_n3A_13 = arith.constant -1 : i32
      %select_n3A_14 = arith.select %select_n3A, %select_n3A_13, %select_n3A_12 : i32
      %eq3A = arith.constant -1 : i32
      %eq3A_15 = arith.cmpi eq, %select_n3A_14, %eq3A : i32
      %select_n3A_16 = arith.constant 5 : i32
      %select_n3A_17 = arith.select %eq3A_15, %select_n3A_16, %select_n3A_14 : i32
      %add3A_18 = arith.addi %select_n3A_17, %mul3A_6 : i32
      %select_n3A_19 = arith.constant true
      %select_n3A_20 = arith.constant 0 : i32
      %select_n3A_21 = arith.constant 1 : i32
      %select_n3A_22 = arith.select %select_n3A_19, %select_n3A_21, %select_n3A_20 : i32
      %eq3A_23 = arith.constant 6 : i32
      %eq3A_24 = arith.cmpi eq, %select_n3A_22, %eq3A_23 : i32
      %select_n3A_25 = arith.constant 0 : i32
      %select_n3A_26 = arith.select %eq3A_24, %select_n3A_25, %select_n3A_22 : i32
      %add3A_27 = arith.addi %select_n3A_26, %mul3A_6 : i32
      %add3A_28 = arith.constant 1 : i32
      %add3A_29 = arith.addi %select_n3A_26, %add3A_28 : i32
      %select_n3A_30 = arith.constant true
      %select_n3A_31 = arith.select %select_n3A_30, %add3A_29, %select_n3A_26 : i32
      %eq3A_32 = arith.constant 6 : i32
      %eq3A_33 = arith.cmpi eq, %select_n3A_31, %eq3A_32 : i32
      %select_n3A_34 = arith.constant 0 : i32
      %select_n3A_35 = arith.select %eq3A_33, %select_n3A_34, %select_n3A_31 : i32
      %add3A_36 = arith.addi %select_n3A_35, %mul3A_6 : i32
      "tpu.trace_start"() <{level = 10 : i32, message = "ep_initialize_0"}> : () -> ()
      %rem3A = arith.constant 0 : i32
      %rem3A_37 = arith.constant 2 : i32
      %rem3A_38 = arith.remui %rem3A, %rem3A_37 : i32
      %mul3A_39 = arith.constant 128 : i32
      %mul3A_40 = arith.muli %mul3A_39, %add3A_11 : i32
      %dma_start3A = arith.constant 0 : i32
      %dma_start3A_41 = arith.constant 0 : i32
      %dma_start3A_42 = tpu.memref_slice %run_scoped3A[%rem3A_38, %dma_start3A, %dma_start3A_41] : memref<2x1x128xi32, #tpu.memory_space<vmem>> -> memref<1x1x128xi32, #tpu.memory_space<vmem>>
      %dma_start3A_43 = tpu.memref_squeeze %dma_start3A_42 : memref<1x1x128xi32, #tpu.memory_space<vmem>> -> memref<1x128xi32, #tpu.memory_space<vmem>>
      %dma_start3A_44 = arith.constant 0 : i32
      %dma_start3A_45 = tpu.memref_slice %arg3[%dma_start3A_44, %mul3A_40] : memref<1x24576xi32, #tpu.memory_space<hbm>> -> memref<1x128xi32, #tpu.memory_space<hbm>>
      %dma_start3A_46 = tpu.memref_slice %run_scoped3A_7[%rem3A_38] : memref<2x!tpu.dma_semaphore, #tpu.memory_space<semaphore_mem>> -> memref<1x!tpu.dma_semaphore, #tpu.memory_space<semaphore_mem>>
      %dma_start3A_47 = tpu.memref_squeeze %dma_start3A_46 : memref<1x!tpu.dma_semaphore, #tpu.memory_space<semaphore_mem>> -> memref<!tpu.dma_semaphore, #tpu.memory_space<semaphore_mem>>
      %dma_start3A_48 = arith.constant 0 : i32
      %dma_start3A_49 = arith.constant 0 : i32
      %dma_start3A_50 = tpu.memref_slice %run_scoped3A[%rem3A_38, %dma_start3A_48, %dma_start3A_49] : memref<2x1x128xi32, #tpu.memory_space<vmem>> -> memref<1x1x128xi32, #tpu.memory_space<vmem>>
      %dma_start3A_51 = tpu.memref_squeeze %dma_start3A_50 : memref<1x1x128xi32, #tpu.memory_space<vmem>> -> memref<1x128xi32, #tpu.memory_space<vmem>>
      %dma_start3A_52 = arith.constant 0 : i32
      %dma_start3A_53 = tpu.memref_slice %arg3[%dma_start3A_52, %mul3A_40] : memref<1x24576xi32, #tpu.memory_space<hbm>> -> memref<1x128xi32, #tpu.memory_space<hbm>>
      tpu.enqueue_dma source(%dma_start3A_53 : memref<1x128xi32, #tpu.memory_space<hbm>>) target(%dma_start3A_51 : memref<1x128xi32, #tpu.memory_space<vmem>>) target_semaphore(%dma_start3A_47 : memref<!tpu.dma_semaphore, #tpu.memory_space<semaphore_mem>>)
      %add3A_54 = arith.constant 0 : i32
      %add3A_55 = arith.constant 1 : i32
      %add3A_56 = arith.addi %add3A_54, %add3A_55 : i32
      %select_n3A_57 = arith.constant true
      %select_n3A_58 = arith.constant 0 : i32
      %select_n3A_59 = arith.select %select_n3A_57, %add3A_56, %select_n3A_58 : i32
      "tpu.trace_stop"() : () -> ()
      %scan3A = arith.constant 0 : i32
      %scan3A_60 = arith.constant 0 : i32
      %scan3A_61 = arith.constant 0 : i32
      %scan3A_62 = arith.constant 0 : i32
      %scan3A_63 = arith.constant 0 : i32
      %scan3A_64 = arith.constant 6 : i32
      %scan3A_65 = arith.addi %scan3A_63, %scan3A_64 : i32
      %scan3A_66 = arith.constant 1 : i32
      %scan3A_67:5 = scf.for %scan3A_121 = %scan3A_63 to %scan3A_65 step %scan3A_66 iter_args(%scan3A_122 = %select_n3A_59, %scan3A_123 = %scan3A, %scan3A_124 = %scan3A_60, %scan3A_125 = %scan3A_61, %scan3A_126 = %scan3A_62) -> (i32, i32, i32, i32, i32)  : i32 {
        %eq3A_127 = arith.constant 0 : i32
        %eq3A_128 = arith.cmpi eq, %scan3A_121, %eq3A_127 : i32
        %eq3A_129 = arith.constant 5 : i32
        %eq3A_130 = arith.cmpi eq, %scan3A_121, %eq3A_129 : i32
        %add3A_131 = arith.addi %scan3A_126, %mul3A_6 : i32
        %sub3A_132 = arith.constant 1 : i32
        %sub3A_133 = arith.subi %scan3A_126, %sub3A_132 : i32
        %select_n3A_134 = arith.constant true
        %select_n3A_135 = arith.select %select_n3A_134, %sub3A_133, %scan3A_126 : i32
        %eq3A_136 = arith.constant -1 : i32
        %eq3A_137 = arith.cmpi eq, %select_n3A_135, %eq3A_136 : i32
        %select_n3A_138 = arith.constant 5 : i32
        %select_n3A_139 = arith.select %eq3A_137, %select_n3A_138, %select_n3A_135 : i32
        %add3A_140 = arith.addi %select_n3A_139, %mul3A_6 : i32
        %add3A_141 = arith.constant 1 : i32
        %add3A_142 = arith.addi %scan3A_126, %add3A_141 : i32
        %select_n3A_143 = arith.constant true
        %select_n3A_144 = arith.select %select_n3A_143, %add3A_142, %scan3A_126 : i32
        %eq3A_145 = arith.constant 6 : i32
        %eq3A_146 = arith.cmpi eq, %select_n3A_144, %eq3A_145 : i32
        %select_n3A_147 = arith.constant 0 : i32
        %select_n3A_148 = arith.select %eq3A_146, %select_n3A_147, %select_n3A_144 : i32
        %add3A_149 = arith.addi %select_n3A_148, %mul3A_6 : i32
        %add3A_150 = arith.constant 1 : i32
        %add3A_151 = arith.addi %select_n3A_148, %add3A_150 : i32
        %select_n3A_152 = arith.constant true
        %select_n3A_153 = arith.select %select_n3A_152, %add3A_151, %select_n3A_148 : i32
        %eq3A_154 = arith.constant 6 : i32
        %eq3A_155 = arith.cmpi eq, %select_n3A_153, %eq3A_154 : i32
        %select_n3A_156 = arith.constant 0 : i32
        %select_n3A_157 = arith.select %eq3A_155, %select_n3A_156, %select_n3A_153 : i32
        %add3A_158 = arith.addi %select_n3A_157, %mul3A_6 : i32
        %ne3A = arith.cmpi ne, %add3A_131, %add3A_149 : i32
        %or3A = arith.constant false
        %or3A_159 = arith.ori %or3A, %ne3A : i1
        %ge3A = arith.constant 5 : i32
        %ge3A_160 = arith.cmpi sge, %scan3A_121, %ge3A : i32
        %not3A = arith.constant true
        %not3A_161 = arith.xori %ge3A_160, %not3A : i1
        %and3A = arith.andi %or3A_159, %not3A_161 : i1
        %convert_element_type3A = arith.extui %and3A : i1 to i32
        %cond3A = arith.constant 0 : i32
        %cond3A_162 = arith.cmpi ne, %convert_element_type3A, %cond3A : i32
        scf.if %cond3A_162 {
          "tpu.trace_start"() <{level = 10 : i32, message = "ep_copy_in"}> : () -> ()
          %rem3A_264 = arith.constant 2 : i32
          %rem3A_265 = arith.remui %scan3A_122, %rem3A_264 : i32
          %mul3A_266 = arith.constant 128 : i32
          %mul3A_267 = arith.muli %mul3A_266, %add3A_149 : i32
          %dma_start3A_268 = arith.constant 0 : i32
          %dma_start3A_269 = arith.constant 0 : i32
          %dma_start3A_270 = tpu.memref_slice %run_scoped3A[%rem3A_265, %dma_start3A_268, %dma_start3A_269] : memref<2x1x128xi32, #tpu.memory_space<vmem>> -> memref<1x1x128xi32, #tpu.memory_space<vmem>>
          %dma_start3A_271 = tpu.memref_squeeze %dma_start3A_270 : memref<1x1x128xi32, #tpu.memory_space<vmem>> -> memref<1x128xi32, #tpu.memory_space<vmem>>
          %dma_start3A_272 = arith.constant 0 : i32
          %dma_start3A_273 = tpu.memref_slice %arg3[%dma_start3A_272, %mul3A_267] : memref<1x24576xi32, #tpu.memory_space<hbm>> -> memref<1x128xi32, #tpu.memory_space<hbm>>
          %dma_start3A_274 = tpu.memref_slice %run_scoped3A_7[%rem3A_265] : memref<2x!tpu.dma_semaphore, #tpu.memory_space<semaphore_mem>> -> memref<1x!tpu.dma_semaphore, #tpu.memory_space<semaphore_mem>>
          %dma_start3A_275 = tpu.memref_squeeze %dma_start3A_274 : memref<1x!tpu.dma_semaphore, #tpu.memory_space<semaphore_mem>> -> memref<!tpu.dma_semaphore, #tpu.memory_space<semaphore_mem>>
          %dma_start3A_276 = arith.constant 0 : i32
          %dma_start3A_277 = arith.constant 0 : i32
          %dma_start3A_278 = tpu.memref_slice %run_scoped3A[%rem3A_265, %dma_start3A_276, %dma_start3A_277] : memref<2x1x128xi32, #tpu.memory_space<vmem>> -> memref<1x1x128xi32, #tpu.memory_space<vmem>>
          %dma_start3A_279 = tpu.memref_squeeze %dma_start3A_278 : memref<1x1x128xi32, #tpu.memory_space<vmem>> -> memref<1x128xi32, #tpu.memory_space<vmem>>
          %dma_start3A_280 = arith.constant 0 : i32
          %dma_start3A_281 = tpu.memref_slice %arg3[%dma_start3A_280, %mul3A_267] : memref<1x24576xi32, #tpu.memory_space<hbm>> -> memref<1x128xi32, #tpu.memory_space<hbm>>
          tpu.enqueue_dma source(%dma_start3A_281 : memref<1x128xi32, #tpu.memory_space<hbm>>) target(%dma_start3A_279 : memref<1x128xi32, #tpu.memory_space<vmem>>) target_semaphore(%dma_start3A_275 : memref<!tpu.dma_semaphore, #tpu.memory_space<semaphore_mem>>)
          "tpu.trace_stop"() : () -> ()
        } else {
        }
        %and3A_163 = arith.constant true
        %and3A_164 = arith.andi %and3A, %and3A_163 : i1
        %add3A_165 = arith.constant 1 : i32
        %add3A_166 = arith.addi %scan3A_122, %add3A_165 : i32
        %select_n3A_167 = arith.select %and3A_164, %add3A_166, %scan3A_122 : i32
        %ne3A_168 = arith.cmpi ne, %add3A_131, %add3A_149 : i32
        %or3A_169 = arith.constant false
        %or3A_170 = arith.ori %or3A_169, %ne3A_168 : i1
        %or3A_171 = arith.constant false
        %or3A_172 = arith.ori %or3A_170, %or3A_171 : i1
        %ge3A_173 = arith.constant 5 : i32
        %ge3A_174 = arith.cmpi sge, %scan3A_121, %ge3A_173 : i32
        %not3A_175 = arith.constant true
        %not3A_176 = arith.xori %ge3A_174, %not3A_175 : i1
        %and3A_177 = arith.andi %or3A_172, %not3A_176 : i1
        %ne3A_178 = arith.cmpi ne, %add3A_131, %add3A_140 : i32
        %or3A_179 = arith.constant false
        %or3A_180 = arith.ori %or3A_179, %ne3A_178 : i1
        %or3A_181 = arith.ori %or3A_180, %eq3A_128 : i1
        %convert_element_type3A_182 = arith.extui %or3A_181 : i1 to i32
        %cond3A_183 = arith.constant 0 : i32
        %cond3A_184 = arith.cmpi ne, %convert_element_type3A_182, %cond3A_183 : i32
        scf.if %cond3A_184 {
          "tpu.trace_start"() <{level = 10 : i32, message = "ep_wait_in"}> : () -> ()
          %mul3A_264 = arith.constant 128 : i32
          %mul3A_265 = arith.muli %mul3A_264, %add3A_131 : i32
          %rem3A_266 = arith.constant 2 : i32
          %rem3A_267 = arith.remui %scan3A_123, %rem3A_266 : i32
          %dma_wait3A_268 = arith.constant 0 : i32
          %dma_wait3A_269 = arith.constant 0 : i32
          %dma_wait3A_270 = tpu.memref_slice %run_scoped3A[%rem3A_267, %dma_wait3A_268, %dma_wait3A_269] : memref<2x1x128xi32, #tpu.memory_space<vmem>> -> memref<1x1x128xi32, #tpu.memory_space<vmem>>
          %dma_wait3A_271 = tpu.memref_squeeze %dma_wait3A_270 : memref<1x1x128xi32, #tpu.memory_space<vmem>> -> memref<1x128xi32, #tpu.memory_space<vmem>>
          %dma_wait3A_272 = arith.constant 0 : i32
          %dma_wait3A_273 = tpu.memref_slice %arg3[%dma_wait3A_272, %mul3A_265] : memref<1x24576xi32, #tpu.memory_space<hbm>> -> memref<1x128xi32, #tpu.memory_space<hbm>>
          %dma_wait3A_274 = tpu.memref_slice %run_scoped3A_7[%rem3A_267] : memref<2x!tpu.dma_semaphore, #tpu.memory_space<semaphore_mem>> -> memref<1x!tpu.dma_semaphore, #tpu.memory_space<semaphore_mem>>
          %dma_wait3A_275 = tpu.memref_squeeze %dma_wait3A_274 : memref<1x!tpu.dma_semaphore, #tpu.memory_space<semaphore_mem>> -> memref<!tpu.dma_semaphore, #tpu.memory_space<semaphore_mem>>
          %dma_wait3A_276 = arith.constant 0 : i32
          %dma_wait3A_277 = arith.constant 0 : i32
          %dma_wait3A_278 = tpu.memref_slice %run_scoped3A[%rem3A_267, %dma_wait3A_276, %dma_wait3A_277] : memref<2x1x128xi32, #tpu.memory_space<vmem>> -> memref<1x1x128xi32, #tpu.memory_space<vmem>>
          %dma_wait3A_279 = tpu.memref_squeeze %dma_wait3A_278 : memref<1x1x128xi32, #tpu.memory_space<vmem>> -> memref<1x128xi32, #tpu.memory_space<vmem>>
          %dma_wait3A_280 = arith.constant 0 : i32
          %dma_wait3A_281 = tpu.memref_slice %arg3[%dma_wait3A_280, %mul3A_265] : memref<1x24576xi32, #tpu.memory_space<hbm>> -> memref<1x128xi32, #tpu.memory_space<hbm>>
          tpu.wait_dma2 semaphore(%dma_wait3A_275 : memref<!tpu.dma_semaphore, #tpu.memory_space<semaphore_mem>>) src(%dma_wait3A_281 : memref<1x128xi32, #tpu.memory_space<hbm>>) dst(%dma_wait3A_279 : memref<1x128xi32, #tpu.memory_space<vmem>>)
          "tpu.trace_stop"() : () -> ()
        } else {
        }
        %ne3A_185 = arith.cmpi ne, %add3A_131, %add3A_140 : i32
        %or3A_186 = arith.constant false
        %or3A_187 = arith.ori %or3A_186, %ne3A_185 : i1
        %or3A_188 = arith.constant false
        %or3A_189 = arith.ori %or3A_187, %or3A_188 : i1
        %or3A_190 = arith.ori %or3A_189, %eq3A_128 : i1
        %convert_element_type3A_191 = arith.extui %or3A_190 : i1 to i32
        %cond3A_192 = arith.constant 0 : i32
        %cond3A_193 = arith.cmpi ne, %convert_element_type3A_191, %cond3A_192 : i32
        scf.if %cond3A_193 {
        } else {
        }
        %rem3A_194 = arith.constant 2 : i32
        %rem3A_195 = arith.remui %scan3A_123, %rem3A_194 : i32
        %rem3A_196 = arith.constant 2 : i32
        %rem3A_197 = arith.remui %scan3A_124, %rem3A_196 : i32
        %run_scoped3A_198 = arith.constant 0 : i32
        "tpu.trace_start"() <{level = 10 : i32, message = "ep_run_kernel"}> : () -> ()
        "tpu.region"() ({
          %run_scoped3A_264 = tpu.sem_alloc : memref<!tpu.dma_semaphore, #tpu.memory_space<semaphore_mem>>
          %dma_start3A_265 = arith.constant 0 : i32
          %dma_start3A_266 = arith.constant 0 : i32
          %dma_start3A_267 = tpu.memref_slice %run_scoped3A_8[%rem3A_197, %dma_start3A_265, %dma_start3A_266] : memref<2x128x256xi32, #tpu.memory_space<vmem>> -> memref<1x128x256xi32, #tpu.memory_space<vmem>>
          %dma_start3A_268 = tpu.memref_squeeze %dma_start3A_267 : memref<1x128x256xi32, #tpu.memory_space<vmem>> -> memref<128x256xi32, #tpu.memory_space<vmem>>
          %dma_start3A_269 = arith.constant 0 : i32
          %dma_start3A_270 = arith.constant 0 : i32
          %dma_start3A_271 = tpu.memref_slice %run_scoped3A[%rem3A_195, %dma_start3A_269, %dma_start3A_270] : memref<2x1x128xi32, #tpu.memory_space<vmem>> -> memref<1x1x128xi32, #tpu.memory_space<vmem>>
          %dma_start3A_272 = tpu.memref_squeeze %dma_start3A_271 : memref<1x1x128xi32, #tpu.memory_space<vmem>> -> memref<1x128xi32, #tpu.memory_space<vmem>>
          %dma_start3A_273 = arith.constant 0 : i32
          %dma_start3A_274 = tpu.memref_slice %dma_start3A_272[%run_scoped3A_198, %dma_start3A_273] : memref<1x128xi32, #tpu.memory_space<vmem>> -> memref<1x128xi32, #tpu.memory_space<vmem>>
          %dma_start3A_275 = tpu.memref_squeeze %dma_start3A_274 : memref<1x128xi32, #tpu.memory_space<vmem>> -> memref<128xi32, #tpu.memory_space<vmem>>
          %dma_start3A_276 = arith.constant 0 : i32
          %dma_start3A_277 = arith.constant 0 : i32
          %dma_start3A_278 = tpu.memref_slice %arg2[%dma_start3A_276, %dma_start3A_277] : memref<524288x256xi32, #tpu.memory_space<hbm>> -> memref<524288x256xi32, #tpu.memory_space<hbm>>
          tpu.enqueue_indirect_dma source(%dma_start3A_278 : memref<524288x256xi32, #tpu.memory_space<hbm>>) target(%dma_start3A_268 : memref<128x256xi32, #tpu.memory_space<vmem>>) offsets(%dma_start3A_275 : memref<128xi32, #tpu.memory_space<vmem>>) semaphore(%run_scoped3A_264 : memref<!tpu.dma_semaphore, #tpu.memory_space<semaphore_mem>>)
          %dma_wait3A_279 = arith.constant 0 : i32
          %dma_wait3A_280 = arith.constant 0 : i32
          %dma_wait3A_281 = tpu.memref_slice %run_scoped3A_8[%rem3A_197, %dma_wait3A_279, %dma_wait3A_280] : memref<2x128x256xi32, #tpu.memory_space<vmem>> -> memref<1x128x256xi32, #tpu.memory_space<vmem>>
          %dma_wait3A_282 = tpu.memref_squeeze %dma_wait3A_281 : memref<1x128x256xi32, #tpu.memory_space<vmem>> -> memref<128x256xi32, #tpu.memory_space<vmem>>
          %dma_wait3A_283 = arith.constant 0 : i32
          %dma_wait3A_284 = arith.constant 0 : i32
          %dma_wait3A_285 = tpu.memref_slice %run_scoped3A[%rem3A_195, %dma_wait3A_283, %dma_wait3A_284] : memref<2x1x128xi32, #tpu.memory_space<vmem>> -> memref<1x1x128xi32, #tpu.memory_space<vmem>>
          %dma_wait3A_286 = tpu.memref_squeeze %dma_wait3A_285 : memref<1x1x128xi32, #tpu.memory_space<vmem>> -> memref<1x128xi32, #tpu.memory_space<vmem>>
          %dma_wait3A_287 = arith.constant 0 : i32
          %dma_wait3A_288 = tpu.memref_slice %dma_wait3A_286[%run_scoped3A_198, %dma_wait3A_287] : memref<1x128xi32, #tpu.memory_space<vmem>> -> memref<1x128xi32, #tpu.memory_space<vmem>>
          %dma_wait3A_289 = tpu.memref_squeeze %dma_wait3A_288 : memref<1x128xi32, #tpu.memory_space<vmem>> -> memref<128xi32, #tpu.memory_space<vmem>>
          %dma_wait3A_290 = arith.constant 0 : i32
          %dma_wait3A_291 = arith.constant 0 : i32
          %dma_wait3A_292 = tpu.memref_slice %arg2[%dma_wait3A_290, %dma_wait3A_291] : memref<524288x256xi32, #tpu.memory_space<hbm>> -> memref<524288x256xi32, #tpu.memory_space<hbm>>
          tpu.wait_indirect_dma semaphore(%run_scoped3A_264 : memref<!tpu.dma_semaphore, #tpu.memory_space<semaphore_mem>>) src(%dma_wait3A_292 : memref<524288x256xi32, #tpu.memory_space<hbm>>) dst(%dma_wait3A_282 : memref<128x256xi32, #tpu.memory_space<vmem>>)
          tpu.yield
        }) : () -> ()
        "tpu.trace_stop"() : () -> ()
        %ne3A_199 = arith.cmpi ne, %add3A_131, %add3A_149 : i32
        %or3A_200 = arith.constant false
        %or3A_201 = arith.ori %or3A_200, %ne3A_199 : i1
        %or3A_202 = arith.ori %or3A_201, %eq3A_130 : i1
        %convert_element_type3A_203 = arith.extui %or3A_202 : i1 to i32
        %cond3A_204 = arith.constant 0 : i32
        %cond3A_205 = arith.cmpi ne, %convert_element_type3A_203, %cond3A_204 : i32
        scf.if %cond3A_205 {
        } else {
        }
        %and3A_206 = arith.constant false
        %and3A_207 = arith.andi %or3A_202, %and3A_206 : i1
        %ne3A_208 = arith.cmpi ne, %add3A_131, %add3A_149 : i32
        %or3A_209 = arith.constant false
        %or3A_210 = arith.ori %or3A_209, %ne3A_208 : i1
        %or3A_211 = arith.constant false
        %or3A_212 = arith.ori %or3A_210, %or3A_211 : i1
        %or3A_213 = arith.ori %or3A_212, %eq3A_130 : i1
        %convert_element_type3A_214 = arith.extui %or3A_213 : i1 to i32
        %cond3A_215 = arith.constant 0 : i32
        %cond3A_216 = arith.cmpi ne, %convert_element_type3A_214, %cond3A_215 : i32
        scf.if %cond3A_216 {
          "tpu.trace_start"() <{level = 10 : i32, message = "ep_copy_out"}> : () -> ()
          %rem3A_264 = arith.constant 2 : i32
          %rem3A_265 = arith.remui %scan3A_124, %rem3A_264 : i32
          %mul3A_266 = arith.constant 128 : i32
          %mul3A_267 = arith.muli %mul3A_266, %add3A_131 : i32
          %dma_start3A_268 = arith.constant 0 : i32
          %dma_start3A_269 = arith.constant 0 : i32
          %dma_start3A_270 = tpu.memref_slice %run_scoped3A_8[%rem3A_265, %dma_start3A_268, %dma_start3A_269] : memref<2x128x256xi32, #tpu.memory_space<vmem>> -> memref<1x128x256xi32, #tpu.memory_space<vmem>>
          %dma_start3A_271 = tpu.memref_squeeze %dma_start3A_270 : memref<1x128x256xi32, #tpu.memory_space<vmem>> -> memref<128x256xi32, #tpu.memory_space<vmem>>
          %dma_start3A_272 = arith.constant 0 : i32
          %dma_start3A_273 = tpu.memref_slice %arg4[%mul3A_267, %dma_start3A_272] : memref<24576x256xi32, #tpu.memory_space<hbm>> -> memref<128x256xi32, #tpu.memory_space<hbm>>
          %dma_start3A_274 = tpu.memref_slice %run_scoped3A_9[%rem3A_265] : memref<2x!tpu.dma_semaphore, #tpu.memory_space<semaphore_mem>> -> memref<1x!tpu.dma_semaphore, #tpu.memory_space<semaphore_mem>>
          %dma_start3A_275 = tpu.memref_squeeze %dma_start3A_274 : memref<1x!tpu.dma_semaphore, #tpu.memory_space<semaphore_mem>> -> memref<!tpu.dma_semaphore, #tpu.memory_space<semaphore_mem>>
          %dma_start3A_276 = arith.constant 0 : i32
          %dma_start3A_277 = tpu.memref_slice %arg4[%mul3A_267, %dma_start3A_276] : memref<24576x256xi32, #tpu.memory_space<hbm>> -> memref<128x256xi32, #tpu.memory_space<hbm>>
          %dma_start3A_278 = arith.constant 0 : i32
          %dma_start3A_279 = arith.constant 0 : i32
          %dma_start3A_280 = tpu.memref_slice %run_scoped3A_8[%rem3A_265, %dma_start3A_278, %dma_start3A_279] : memref<2x128x256xi32, #tpu.memory_space<vmem>> -> memref<1x128x256xi32, #tpu.memory_space<vmem>>
          %dma_start3A_281 = tpu.memref_squeeze %dma_start3A_280 : memref<1x128x256xi32, #tpu.memory_space<vmem>> -> memref<128x256xi32, #tpu.memory_space<vmem>>
          tpu.enqueue_dma source(%dma_start3A_281 : memref<128x256xi32, #tpu.memory_space<vmem>>) target(%dma_start3A_277 : memref<128x256xi32, #tpu.memory_space<hbm>>) target_semaphore(%dma_start3A_275 : memref<!tpu.dma_semaphore, #tpu.memory_space<semaphore_mem>>)
          "tpu.trace_stop"() : () -> ()
        } else {
        }
        %and3A_217 = arith.constant true
        %and3A_218 = arith.andi %or3A_213, %and3A_217 : i1
        %add3A_219 = arith.constant 1 : i32
        %add3A_220 = arith.addi %scan3A_124, %add3A_219 : i32
        %select_n3A_221 = arith.select %and3A_218, %add3A_220, %scan3A_124 : i32
        %ne3A_222 = arith.cmpi ne, %add3A_131, %add3A_140 : i32
        %or3A_223 = arith.constant false
        %or3A_224 = arith.ori %or3A_223, %ne3A_222 : i1
        %not3A_225 = arith.constant true
        %not3A_226 = arith.xori %eq3A_128, %not3A_225 : i1
        %and3A_227 = arith.andi %or3A_224, %not3A_226 : i1
        %convert_element_type3A_228 = arith.extui %and3A_227 : i1 to i32
        %cond3A_229 = arith.constant 0 : i32
        %cond3A_230 = arith.cmpi ne, %convert_element_type3A_228, %cond3A_229 : i32
        scf.if %cond3A_230 {
        } else {
        }
        %and3A_231 = arith.constant false
        %and3A_232 = arith.andi %and3A_227, %and3A_231 : i1
        %ne3A_233 = arith.cmpi ne, %add3A_131, %add3A_140 : i32
        %or3A_234 = arith.constant false
        %or3A_235 = arith.ori %or3A_234, %ne3A_233 : i1
        %or3A_236 = arith.constant false
        %or3A_237 = arith.ori %or3A_235, %or3A_236 : i1
        %not3A_238 = arith.constant true
        %not3A_239 = arith.xori %eq3A_128, %not3A_238 : i1
        %and3A_240 = arith.andi %or3A_237, %not3A_239 : i1
        %convert_element_type3A_241 = arith.extui %and3A_240 : i1 to i32
        %cond3A_242 = arith.constant 0 : i32
        %cond3A_243 = arith.cmpi ne, %convert_element_type3A_241, %cond3A_242 : i32
        scf.if %cond3A_243 {
          "tpu.trace_start"() <{level = 10 : i32, message = "ep_wait_out"}> : () -> ()
          %rem3A_264 = arith.constant 2 : i32
          %rem3A_265 = arith.remui %scan3A_125, %rem3A_264 : i32
          %mul3A_266 = arith.constant 128 : i32
          %mul3A_267 = arith.muli %mul3A_266, %add3A_140 : i32
          %dma_wait3A_268 = arith.constant 0 : i32
          %dma_wait3A_269 = arith.constant 0 : i32
          %dma_wait3A_270 = tpu.memref_slice %run_scoped3A_8[%rem3A_265, %dma_wait3A_268, %dma_wait3A_269] : memref<2x128x256xi32, #tpu.memory_space<vmem>> -> memref<1x128x256xi32, #tpu.memory_space<vmem>>
          %dma_wait3A_271 = tpu.memref_squeeze %dma_wait3A_270 : memref<1x128x256xi32, #tpu.memory_space<vmem>> -> memref<128x256xi32, #tpu.memory_space<vmem>>
          %dma_wait3A_272 = arith.constant 0 : i32
          %dma_wait3A_273 = tpu.memref_slice %arg4[%mul3A_267, %dma_wait3A_272] : memref<24576x256xi32, #tpu.memory_space<hbm>> -> memref<128x256xi32, #tpu.memory_space<hbm>>
          %dma_wait3A_274 = tpu.memref_slice %run_scoped3A_9[%rem3A_265] : memref<2x!tpu.dma_semaphore, #tpu.memory_space<semaphore_mem>> -> memref<1x!tpu.dma_semaphore, #tpu.memory_space<semaphore_mem>>
          %dma_wait3A_275 = tpu.memref_squeeze %dma_wait3A_274 : memref<1x!tpu.dma_semaphore, #tpu.memory_space<semaphore_mem>> -> memref<!tpu.dma_semaphore, #tpu.memory_space<semaphore_mem>>
          %dma_wait3A_276 = arith.constant 0 : i32
          %dma_wait3A_277 = tpu.memref_slice %arg4[%mul3A_267, %dma_wait3A_276] : memref<24576x256xi32, #tpu.memory_space<hbm>> -> memref<128x256xi32, #tpu.memory_space<hbm>>
          %dma_wait3A_278 = arith.constant 0 : i32
          %dma_wait3A_279 = arith.constant 0 : i32
          %dma_wait3A_280 = tpu.memref_slice %run_scoped3A_8[%rem3A_265, %dma_wait3A_278, %dma_wait3A_279] : memref<2x128x256xi32, #tpu.memory_space<vmem>> -> memref<1x128x256xi32, #tpu.memory_space<vmem>>
          %dma_wait3A_281 = tpu.memref_squeeze %dma_wait3A_280 : memref<1x128x256xi32, #tpu.memory_space<vmem>> -> memref<128x256xi32, #tpu.memory_space<vmem>>
          tpu.wait_dma2 semaphore(%dma_wait3A_275 : memref<!tpu.dma_semaphore, #tpu.memory_space<semaphore_mem>>) src(%dma_wait3A_281 : memref<128x256xi32, #tpu.memory_space<vmem>>) dst(%dma_wait3A_277 : memref<128x256xi32, #tpu.memory_space<hbm>>)
          "tpu.trace_stop"() : () -> ()
        } else {
        }
        %and3A_244 = arith.constant true
        %and3A_245 = arith.andi %and3A_240, %and3A_244 : i1
        %add3A_246 = arith.constant 1 : i32
        %add3A_247 = arith.addi %scan3A_125, %add3A_246 : i32
        %select_n3A_248 = arith.select %and3A_245, %add3A_247, %scan3A_125 : i32
        %ne3A_249 = arith.cmpi ne, %add3A_131, %add3A_149 : i32
        %or3A_250 = arith.constant false
        %or3A_251 = arith.ori %or3A_250, %ne3A_249 : i1
        %or3A_252 = arith.ori %or3A_251, %eq3A_130 : i1
        %add3A_253 = arith.constant 1 : i32
        %add3A_254 = arith.addi %scan3A_123, %add3A_253 : i32
        %select_n3A_255 = arith.select %or3A_252, %add3A_254, %scan3A_123 : i32
        %add3A_256 = arith.constant 1 : i32
        %add3A_257 = arith.addi %scan3A_126, %add3A_256 : i32
        %select_n3A_258 = arith.constant true
        %select_n3A_259 = arith.select %select_n3A_258, %add3A_257, %scan3A_126 : i32
        %eq3A_260 = arith.constant 6 : i32
        %eq3A_261 = arith.cmpi eq, %select_n3A_259, %eq3A_260 : i32
        %select_n3A_262 = arith.constant 0 : i32
        %select_n3A_263 = arith.select %eq3A_261, %select_n3A_262, %select_n3A_259 : i32
        scf.yield %select_n3A_167, %select_n3A_255, %select_n3A_221, %select_n3A_248, %select_n3A_263 : i32, i32, i32, i32, i32
      }
      %scan3A_68 = arith.constant 6 : i32
      %sub3A = arith.constant 1 : i32
      %sub3A_69 = arith.subi %scan3A_67#4, %sub3A : i32
      %select_n3A_70 = arith.constant true
      %select_n3A_71 = arith.select %select_n3A_70, %sub3A_69, %scan3A_67#4 : i32
      %eq3A_72 = arith.constant -1 : i32
      %eq3A_73 = arith.cmpi eq, %select_n3A_71, %eq3A_72 : i32
      %select_n3A_74 = arith.constant 5 : i32
      %select_n3A_75 = arith.select %eq3A_73, %select_n3A_74, %select_n3A_71 : i32
      %add3A_76 = arith.addi %select_n3A_75, %mul3A_6 : i32
      %sub3A_77 = arith.constant 1 : i32
      %sub3A_78 = arith.subi %select_n3A_75, %sub3A_77 : i32
      %select_n3A_79 = arith.constant true
      %select_n3A_80 = arith.select %select_n3A_79, %sub3A_78, %select_n3A_75 : i32
      %eq3A_81 = arith.constant -1 : i32
      %eq3A_82 = arith.cmpi eq, %select_n3A_80, %eq3A_81 : i32
      %select_n3A_83 = arith.constant 5 : i32
      %select_n3A_84 = arith.select %eq3A_82, %select_n3A_83, %select_n3A_80 : i32
      %add3A_85 = arith.addi %select_n3A_84, %mul3A_6 : i32
      %add3A_86 = arith.constant 1 : i32
      %add3A_87 = arith.addi %select_n3A_75, %add3A_86 : i32
      %select_n3A_88 = arith.constant true
      %select_n3A_89 = arith.select %select_n3A_88, %add3A_87, %select_n3A_75 : i32
      %eq3A_90 = arith.constant 6 : i32
      %eq3A_91 = arith.cmpi eq, %select_n3A_89, %eq3A_90 : i32
      %select_n3A_92 = arith.constant 0 : i32
      %select_n3A_93 = arith.select %eq3A_91, %select_n3A_92, %select_n3A_89 : i32
      %add3A_94 = arith.addi %select_n3A_93, %mul3A_6 : i32
      %add3A_95 = arith.constant 1 : i32
      %add3A_96 = arith.addi %select_n3A_93, %add3A_95 : i32
      %select_n3A_97 = arith.constant true
      %select_n3A_98 = arith.select %select_n3A_97, %add3A_96, %select_n3A_93 : i32
      %eq3A_99 = arith.constant 6 : i32
      %eq3A_100 = arith.cmpi eq, %select_n3A_98, %eq3A_99 : i32
      %select_n3A_101 = arith.constant 0 : i32
      %select_n3A_102 = arith.select %eq3A_100, %select_n3A_101, %select_n3A_98 : i32
      %add3A_103 = arith.addi %select_n3A_102, %mul3A_6 : i32
      "tpu.trace_start"() <{level = 10 : i32, message = "ep_finalize"}> : () -> ()
      %rem3A_104 = arith.constant 2 : i32
      %rem3A_105 = arith.remui %scan3A_67#3, %rem3A_104 : i32
      %mul3A_106 = arith.constant 128 : i32
      %mul3A_107 = arith.muli %mul3A_106, %add3A_76 : i32
      %dma_wait3A = arith.constant 0 : i32
      %dma_wait3A_108 = arith.constant 0 : i32
      %dma_wait3A_109 = tpu.memref_slice %run_scoped3A_8[%rem3A_105, %dma_wait3A, %dma_wait3A_108] : memref<2x128x256xi32, #tpu.memory_space<vmem>> -> memref<1x128x256xi32, #tpu.memory_space<vmem>>
      %dma_wait3A_110 = tpu.memref_squeeze %dma_wait3A_109 : memref<1x128x256xi32, #tpu.memory_space<vmem>> -> memref<128x256xi32, #tpu.memory_space<vmem>>
      %dma_wait3A_111 = arith.constant 0 : i32
      %dma_wait3A_112 = tpu.memref_slice %arg4[%mul3A_107, %dma_wait3A_111] : memref<24576x256xi32, #tpu.memory_space<hbm>> -> memref<128x256xi32, #tpu.memory_space<hbm>>
      %dma_wait3A_113 = tpu.memref_slice %run_scoped3A_9[%rem3A_105] : memref<2x!tpu.dma_semaphore, #tpu.memory_space<semaphore_mem>> -> memref<1x!tpu.dma_semaphore, #tpu.memory_space<semaphore_mem>>
      %dma_wait3A_114 = tpu.memref_squeeze %dma_wait3A_113 : memref<1x!tpu.dma_semaphore, #tpu.memory_space<semaphore_mem>> -> memref<!tpu.dma_semaphore, #tpu.memory_space<semaphore_mem>>
      %dma_wait3A_115 = arith.constant 0 : i32
      %dma_wait3A_116 = tpu.memref_slice %arg4[%mul3A_107, %dma_wait3A_115] : memref<24576x256xi32, #tpu.memory_space<hbm>> -> memref<128x256xi32, #tpu.memory_space<hbm>>
      %dma_wait3A_117 = arith.constant 0 : i32
      %dma_wait3A_118 = arith.constant 0 : i32
      %dma_wait3A_119 = tpu.memref_slice %run_scoped3A_8[%rem3A_105, %dma_wait3A_117, %dma_wait3A_118] : memref<2x128x256xi32, #tpu.memory_space<vmem>> -> memref<1x128x256xi32, #tpu.memory_space<vmem>>
      %dma_wait3A_120 = tpu.memref_squeeze %dma_wait3A_119 : memref<1x128x256xi32, #tpu.memory_space<vmem>> -> memref<128x256xi32, #tpu.memory_space<vmem>>
      tpu.wait_dma2 semaphore(%dma_wait3A_114 : memref<!tpu.dma_semaphore, #tpu.memory_space<semaphore_mem>>) src(%dma_wait3A_120 : memref<128x256xi32, #tpu.memory_space<vmem>>) dst(%dma_wait3A_116 : memref<128x256xi32, #tpu.memory_space<hbm>>)
      "tpu.trace_stop"() : () -> ()
      tpu.yield
    }) : () -> ()
    return
  }
}

module attributes {stable_mosaic.version = 14 : i64} {
  func.func @_table_body(%arg0: i32, %arg1: i32, %arg2: memref<1x128x2x2048xf32, #tpu.memory_space<vmem>>, %arg3: memref<1x3x2048xf32, #tpu.memory_space<vmem>>, %arg4: memref<2048x256xi32, #tpu.memory_space<vmem>>) attributes {dimension_semantics = [#tpu.dimension_semantics<arbitrary>, #tpu.dimension_semantics<arbitrary>], iteration_bounds = array<i64: 32, 8>, scalar_prefetch = 0 : i64, scratch_operands = 0 : i64, tpu.core_type = #tpu.core_type<tc>, window_params = [{transform_indices = @transform_0, window_bounds = array<i64: 1, 128, 2, 2048>}, {transform_indices = @transform_1, window_bounds = array<i64: 1, 3, 2048>}, {transform_indices = @transform_2, window_bounds = array<i64: 2048, 256>}]} {
    %get3A = arith.constant 0 : index
    %get3A_0 = arith.constant 0 : index
    %get3A_1 = arith.constant 0 : index
    %get3A_2 = arith.constant 0 : index
    %get3A_3 = vector.load %arg2[%get3A, %get3A_0, %get3A_1, %get3A_2] : memref<1x128x2x2048xf32, #tpu.memory_space<vmem>>, vector<1x128x1x2048xf32>
    %get3A_4 = vector.shape_cast %get3A_3 : vector<1x128x1x2048xf32> to vector<128x2048xf32>
    %transpose3A = tpu.transpose %get3A_4, [1, 0] : vector<128x2048xf32> -> vector<2048x128xf32>
    %get3A_5 = arith.constant 0 : index
    %get3A_6 = arith.constant 0 : index
    %get3A_7 = arith.constant 1 : index
    %get3A_8 = arith.constant 0 : index
    %get3A_9 = vector.load %arg2[%get3A_5, %get3A_6, %get3A_7, %get3A_8] : memref<1x128x2x2048xf32, #tpu.memory_space<vmem>>, vector<1x128x1x2048xf32>
    %get3A_10 = vector.shape_cast %get3A_9 : vector<1x128x1x2048xf32> to vector<128x2048xf32>
    %transpose3A_11 = tpu.transpose %get3A_10, [1, 0] : vector<128x2048xf32> -> vector<2048x128xf32>
    %bitcast_convert_type3A = tpu.bitcast %transpose3A : vector<2048x128xf32> -> vector<2048x128xi32>
    %bitcast_convert_type3A_12 = tpu.bitcast %transpose3A_11 : vector<2048x128xf32> -> vector<2048x128xi32>
    %add3A = arith.constant 32768 : i32
    %add3A_13 = vector.broadcast %add3A : i32 to vector<2048x128xi32>
    %add3A_14 = arith.addi %bitcast_convert_type3A, %add3A_13 : vector<2048x128xi32>
    %shift_right_logical3A = arith.constant 16 : i32
    %shift_right_logical3A_15 = vector.broadcast %shift_right_logical3A : i32 to vector<2048x128xi32>
    %shift_right_logical3A_16 = arith.shrui %add3A_14, %shift_right_logical3A_15 : vector<2048x128xi32>
    %add3A_17 = arith.constant 32768 : i32
    %add3A_18 = vector.broadcast %add3A_17 : i32 to vector<2048x128xi32>
    %add3A_19 = arith.addi %bitcast_convert_type3A_12, %add3A_18 : vector<2048x128xi32>
    %shift_right_logical3A_20 = arith.constant 16 : i32
    %shift_right_logical3A_21 = vector.broadcast %shift_right_logical3A_20 : i32 to vector<2048x128xi32>
    %shift_right_logical3A_22 = arith.shrui %add3A_19, %shift_right_logical3A_21 : vector<2048x128xi32>
    %shift_left3A = arith.constant 16 : i32
    %shift_left3A_23 = vector.broadcast %shift_left3A : i32 to vector<2048x128xi32>
    %shift_left3A_24 = arith.shli %shift_right_logical3A_22, %shift_left3A_23 : vector<2048x128xi32>
    %or3A = arith.ori %shift_right_logical3A_16, %shift_left3A_24 : vector<2048x128xi32>
    %swap3A = arith.constant 0 : index
    %swap3A_25 = arith.constant 0 : index
    %swap3A_26 = vector.load %arg4[%swap3A, %swap3A_25] : memref<2048x256xi32, #tpu.memory_space<vmem>>, vector<2048x128xi32>
    tpu.vector_store %arg4[%swap3A, %swap3A_25], %or3A {strides = array<i32>} : memref<2048x256xi32, #tpu.memory_space<vmem>>, vector<2048x128xi32>,
    %get3A_27 = arith.constant 0 : index
    %get3A_28 = arith.constant 0 : index
    %get3A_29 = arith.constant 0 : index
    %get3A_30 = vector.load %arg3[%get3A_27, %get3A_28, %get3A_29] : memref<1x3x2048xf32, #tpu.memory_space<vmem>>, vector<1x3x2048xf32>
    %get3A_31 = vector.shape_cast %get3A_30 : vector<1x3x2048xf32> to vector<3x2048xf32>
    %transpose3A_32 = tpu.transpose %get3A_31, [1, 0] : vector<3x2048xf32> -> vector<2048x3xf32>
    %bitcast_convert_type3A_33 = tpu.bitcast %transpose3A_32 : vector<2048x3xf32> -> vector<2048x3xi32>
    %swap3A_34 = arith.constant 0 : index
    %swap3A_35 = arith.constant 128 : index
    %swap3A_36 = vector.load %arg4[%swap3A_34, %swap3A_35] : memref<2048x256xi32, #tpu.memory_space<vmem>>, vector<2048x3xi32>
    tpu.vector_store %arg4[%swap3A_34, %swap3A_35], %bitcast_convert_type3A_33 {strides = array<i32>} : memref<2048x256xi32, #tpu.memory_space<vmem>>, vector<2048x3xi32>,
    return
  }
  func.func @transform_0(%arg0: i32, %arg1: i32) -> (i32, i32, i32, i32) {
    %c0_i32 = arith.constant 0 : i32
    %c0_i32_0 = arith.constant 0 : i32
    %c0_i32_1 = arith.constant 0 : i32
    return %arg0, %c0_i32, %c0_i32_0, %arg1 : i32, i32, i32, i32
  }
  func.func @transform_1(%arg0: i32, %arg1: i32) -> (i32, i32, i32) {
    %c0_i32 = arith.constant 0 : i32
    %c0_i32_0 = arith.constant 0 : i32
    return %arg0, %c0_i32, %arg1 : i32, i32, i32
  }
  func.func @transform_2(%arg0: i32, %arg1: i32) -> (i32, i32) {
    %mul3A = arith.constant 8 : i32
    %mul3A_0 = arith.muli %arg0, %mul3A : i32
    %add3A = arith.addi %mul3A_0, %arg1 : i32
    %c0_i32 = arith.constant 0 : i32
    %c0_i32_1 = arith.constant 0 : i32
    return %add3A, %c0_i32 : i32, i32
  }
}

module attributes {stable_mosaic.version = 14 : i64} {
  func.func @_knn_body(%arg0: i32, %arg1: memref<1x3x24xf32, #tpu.memory_space<vmem>>, %arg2: memref<1x3x16384xf32, #tpu.memory_space<vmem>>, %arg3: memref<1x24x32xi32, #tpu.memory_space<vmem>>, %arg4: memref<24x16384xf32, #tpu.memory_space<vmem>>, %arg5: memref<6x24x256xf32, #tpu.memory_space<vmem>>, %arg6: memref<6x24x256xf32, #tpu.memory_space<vmem>>) attributes {dimension_semantics = [#tpu.dimension_semantics<arbitrary>], iteration_bounds = array<i64: 32>, scalar_prefetch = 0 : i64, scratch_operands = 3 : i64, tpu.core_type = #tpu.core_type<tc>, window_params = [{transform_indices = @transform_0, window_bounds = array<i64: 1, 3, 24>}, {transform_indices = @transform_1, window_bounds = array<i64: 1, 3, 16384>}, {transform_indices = @transform_2, window_bounds = array<i64: 1, 24, 32>}]} {
    %get3A = arith.constant 0 : index
    %get3A_0 = arith.constant 0 : index
    %get3A_1 = arith.constant 0 : index
    %get3A_2 = vector.load %arg1[%get3A, %get3A_0, %get3A_1] : memref<1x3x24xf32, #tpu.memory_space<vmem>>, vector<1x3x24xf32>
    %get3A_3 = vector.shape_cast %get3A_2 : vector<1x3x24xf32> to vector<3x24xf32>
    %transpose3A = tpu.transpose %get3A_3, [1, 0] : vector<3x24xf32> -> vector<24x3xf32>
    %get3A_4 = arith.constant 0 : index
    %get3A_5 = arith.constant 0 : index
    %get3A_6 = arith.constant 0 : index
    %get3A_7 = vector.load %arg2[%get3A_4, %get3A_5, %get3A_6] : memref<1x3x16384xf32, #tpu.memory_space<vmem>>, vector<1x3x16384xf32>
    %get3A_8 = vector.shape_cast %get3A_7 : vector<1x3x16384xf32> to vector<3x16384xf32>
    %dot_general3A = arith.constant dense<0.000000e+00> : vector<24x16384xf32>
    %dot_general3A_9 = tpu.matmul %transpose3A, %get3A_8, %dot_general3A {dimension_numbers = #tpu.dot_dimension_numbers<[1], [0], [0], [1], [0, 0, 1, 1], [], []>, transpose_lhs_hint = false} : vector<24x3xf32>, vector<3x16384xf32>, vector<24x16384xf32> -> vector<24x16384xf32>
    %mul3A = arith.mulf %transpose3A, %transpose3A : vector<24x3xf32>
    %reduce_sum3A = arith.constant dense<0.000000e+00> : vector<24xf32>
    %reduce_sum3A_10 = vector.multi_reduction <add>, %mul3A, %reduce_sum3A [1] : vector<24x3xf32> to vector<24xf32>
    %broadcast_in_dim3A = vector.shape_cast %reduce_sum3A_10 : vector<24xf32> to vector<24x1xf32>
    %mul3A_11 = arith.mulf %get3A_8, %get3A_8 : vector<3x16384xf32>
    %reduce_sum3A_12 = arith.constant dense<0.000000e+00> : vector<16384xf32>
    %reduce_sum3A_13 = vector.multi_reduction <add>, %mul3A_11, %reduce_sum3A_12 [0] : vector<3x16384xf32> to vector<16384xf32>
    %broadcast_in_dim3A_14 = vector.shape_cast %reduce_sum3A_13 : vector<16384xf32> to vector<1x16384xf32>
    %mul3A_15 = arith.constant -2.000000e+00 : f32
    %mul3A_16 = vector.broadcast %mul3A_15 : f32 to vector<24x16384xf32>
    %mul3A_17 = arith.mulf %mul3A_16, %dot_general3A_9 : vector<24x16384xf32>
    %add3A = vector.broadcast %broadcast_in_dim3A : vector<24x1xf32> to vector<24x16384xf32>
    %add3A_18 = arith.addf %mul3A_17, %add3A : vector<24x16384xf32>
    %add3A_19 = vector.broadcast %broadcast_in_dim3A_14 : vector<1x16384xf32> to vector<24x16384xf32>
    %add3A_20 = arith.addf %add3A_18, %add3A_19 : vector<24x16384xf32>
    %swap3A = arith.constant 0 : index
    %swap3A_21 = arith.constant 0 : index
    %swap3A_22 = vector.load %arg4[%swap3A, %swap3A_21] : memref<24x16384xf32, #tpu.memory_space<vmem>>, vector<24x16384xf32>
    tpu.vector_store %arg4[%swap3A, %swap3A_21], %add3A_20 {strides = array<i32>} : memref<24x16384xf32, #tpu.memory_space<vmem>>, vector<24x16384xf32>,
    %iota3A = tpu.iota {dimensions = array<i32: 1>} : vector<24x256xi32>
    %iota3A_23 = tpu.iota {dimensions = array<i32: 1>} : vector<24x32xi32>
    %broadcast_in_dim3A_24 = arith.constant 1.000000e+30 : f32
    %broadcast_in_dim3A_25 = vector.broadcast %broadcast_in_dim3A_24 : f32 to vector<6x24x256xf32>
    %swap3A_26 = arith.constant 0 : index
    %swap3A_27 = arith.constant 0 : index
    %swap3A_28 = arith.constant 0 : index
    %swap3A_29 = vector.load %arg5[%swap3A_26, %swap3A_27, %swap3A_28] : memref<6x24x256xf32, #tpu.memory_space<vmem>>, vector<6x24x256xf32>
    tpu.vector_store %arg5[%swap3A_26, %swap3A_27, %swap3A_28], %broadcast_in_dim3A_25 {strides = array<i32>} : memref<6x24x256xf32, #tpu.memory_space<vmem>>, vector<6x24x256xf32>,
    %broadcast_in_dim3A_30 = arith.constant 2.000000e+30 : f32
    %broadcast_in_dim3A_31 = vector.broadcast %broadcast_in_dim3A_30 : f32 to vector<6x24x256xf32>
    %swap3A_32 = arith.constant 0 : index
    %swap3A_33 = arith.constant 0 : index
    %swap3A_34 = arith.constant 0 : index
    %swap3A_35 = vector.load %arg6[%swap3A_32, %swap3A_33, %swap3A_34] : memref<6x24x256xf32, #tpu.memory_space<vmem>>, vector<6x24x256xf32>
    tpu.vector_store %arg6[%swap3A_32, %swap3A_33, %swap3A_34], %broadcast_in_dim3A_31 {strides = array<i32>} : memref<6x24x256xf32, #tpu.memory_space<vmem>>, vector<6x24x256xf32>,
    %broadcast_in_dim3A_36 = arith.constant 1.000000e+30 : f32
    %broadcast_in_dim3A_37 = vector.broadcast %broadcast_in_dim3A_36 : f32 to vector<24x256xf32>
    %broadcast_in_dim3A_38 = arith.constant 0 : i32
    %broadcast_in_dim3A_39 = vector.broadcast %broadcast_in_dim3A_38 : i32 to vector<24x256xi32>
    %get3A_40 = arith.constant 0 : index
    %get3A_41 = arith.constant 0 : index
    %get3A_42 = vector.load %arg4[%get3A_40, %get3A_41] : memref<24x16384xf32, #tpu.memory_space<vmem>>, vector<24x256xf32>
    %lt3A = arith.cmpf olt, %get3A_42, %broadcast_in_dim3A_37 : vector<24x256xf32>
    %jit3A = arith.constant 0 : i32
    %broadcast_in_dim3A_43 = vector.broadcast %jit3A : i32 to vector<24x256xi32>
    %select_n3A = arith.select %lt3A, %broadcast_in_dim3A_43, %broadcast_in_dim3A_39 : vector<24x256xi1>, vector<24x256xi32>
    %min3A = arith.minimumf %broadcast_in_dim3A_37, %get3A_42 : vector<24x256xf32>
    %get3A_44 = arith.constant 0 : index
    %get3A_45 = arith.constant 256 : index
    %get3A_46 = vector.load %arg4[%get3A_44, %get3A_45] : memref<24x16384xf32, #tpu.memory_space<vmem>>, vector<24x256xf32>
    %lt3A_47 = arith.cmpf olt, %get3A_46, %min3A : vector<24x256xf32>
    %jit3A_48 = arith.constant 1 : i32
    %broadcast_in_dim3A_49 = vector.broadcast %jit3A_48 : i32 to vector<24x256xi32>
    %select_n3A_50 = arith.select %lt3A_47, %broadcast_in_dim3A_49, %select_n3A : vector<24x256xi1>, vector<24x256xi32>
    %min3A_51 = arith.minimumf %min3A, %get3A_46 : vector<24x256xf32>
    %get3A_52 = arith.constant 0 : index
    %get3A_53 = arith.constant 512 : index
    %get3A_54 = vector.load %arg4[%get3A_52, %get3A_53] : memref<24x16384xf32, #tpu.memory_space<vmem>>, vector<24x256xf32>
    %lt3A_55 = arith.cmpf olt, %get3A_54, %min3A_51 : vector<24x256xf32>
    %jit3A_56 = arith.constant 2 : i32
    %broadcast_in_dim3A_57 = vector.broadcast %jit3A_56 : i32 to vector<24x256xi32>
    %select_n3A_58 = arith.select %lt3A_55, %broadcast_in_dim3A_57, %select_n3A_50 : vector<24x256xi1>, vector<24x256xi32>
    %min3A_59 = arith.minimumf %min3A_51, %get3A_54 : vector<24x256xf32>
    %get3A_60 = arith.constant 0 : index
    %get3A_61 = arith.constant 768 : index
    %get3A_62 = vector.load %arg4[%get3A_60, %get3A_61] : memref<24x16384xf32, #tpu.memory_space<vmem>>, vector<24x256xf32>
    %lt3A_63 = arith.cmpf olt, %get3A_62, %min3A_59 : vector<24x256xf32>
    %jit3A_64 = arith.constant 3 : i32
    %broadcast_in_dim3A_65 = vector.broadcast %jit3A_64 : i32 to vector<24x256xi32>
    %select_n3A_66 = arith.select %lt3A_63, %broadcast_in_dim3A_65, %select_n3A_58 : vector<24x256xi1>, vector<24x256xi32>
    %min3A_67 = arith.minimumf %min3A_59, %get3A_62 : vector<24x256xf32>
    %get3A_68 = arith.constant 0 : index
    %get3A_69 = arith.constant 1024 : index
    %get3A_70 = vector.load %arg4[%get3A_68, %get3A_69] : memref<24x16384xf32, #tpu.memory_space<vmem>>, vector<24x256xf32>
    %lt3A_71 = arith.cmpf olt, %get3A_70, %min3A_67 : vector<24x256xf32>
    %jit3A_72 = arith.constant 4 : i32
    %broadcast_in_dim3A_73 = vector.broadcast %jit3A_72 : i32 to vector<24x256xi32>
    %select_n3A_74 = arith.select %lt3A_71, %broadcast_in_dim3A_73, %select_n3A_66 : vector<24x256xi1>, vector<24x256xi32>
    %min3A_75 = arith.minimumf %min3A_67, %get3A_70 : vector<24x256xf32>
    %get3A_76 = arith.constant 0 : index
    %get3A_77 = arith.constant 1280 : index
    %get3A_78 = vector.load %arg4[%get3A_76, %get3A_77] : memref<24x16384xf32, #tpu.memory_space<vmem>>, vector<24x256xf32>
    %lt3A_79 = arith.cmpf olt, %get3A_78, %min3A_75 : vector<24x256xf32>
    %jit3A_80 = arith.constant 5 : i32
    %broadcast_in_dim3A_81 = vector.broadcast %jit3A_80 : i32 to vector<24x256xi32>
    %select_n3A_82 = arith.select %lt3A_79, %broadcast_in_dim3A_81, %select_n3A_74 : vector<24x256xi1>, vector<24x256xi32>
    %min3A_83 = arith.minimumf %min3A_75, %get3A_78 : vector<24x256xf32>
    %get3A_84 = arith.constant 0 : index
    %get3A_85 = arith.constant 1536 : index
    %get3A_86 = vector.load %arg4[%get3A_84, %get3A_85] : memref<24x16384xf32, #tpu.memory_space<vmem>>, vector<24x256xf32>
    %lt3A_87 = arith.cmpf olt, %get3A_86, %min3A_83 : vector<24x256xf32>
    %jit3A_88 = arith.constant 6 : i32
    %broadcast_in_dim3A_89 = vector.broadcast %jit3A_88 : i32 to vector<24x256xi32>
    %select_n3A_90 = arith.select %lt3A_87, %broadcast_in_dim3A_89, %select_n3A_82 : vector<24x256xi1>, vector<24x256xi32>
    %min3A_91 = arith.minimumf %min3A_83, %get3A_86 : vector<24x256xf32>
    %get3A_92 = arith.constant 0 : index
    %get3A_93 = arith.constant 1792 : index
    %get3A_94 = vector.load %arg4[%get3A_92, %get3A_93] : memref<24x16384xf32, #tpu.memory_space<vmem>>, vector<24x256xf32>
    %lt3A_95 = arith.cmpf olt, %get3A_94, %min3A_91 : vector<24x256xf32>
    %jit3A_96 = arith.constant 7 : i32
    %broadcast_in_dim3A_97 = vector.broadcast %jit3A_96 : i32 to vector<24x256xi32>
    %select_n3A_98 = arith.select %lt3A_95, %broadcast_in_dim3A_97, %select_n3A_90 : vector<24x256xi1>, vector<24x256xi32>
    %min3A_99 = arith.minimumf %min3A_91, %get3A_94 : vector<24x256xf32>
    %get3A_100 = arith.constant 0 : index
    %get3A_101 = arith.constant 2048 : index
    %get3A_102 = vector.load %arg4[%get3A_100, %get3A_101] : memref<24x16384xf32, #tpu.memory_space<vmem>>, vector<24x256xf32>
    %lt3A_103 = arith.cmpf olt, %get3A_102, %min3A_99 : vector<24x256xf32>
    %jit3A_104 = arith.constant 8 : i32
    %broadcast_in_dim3A_105 = vector.broadcast %jit3A_104 : i32 to vector<24x256xi32>
    %select_n3A_106 = arith.select %lt3A_103, %broadcast_in_dim3A_105, %select_n3A_98 : vector<24x256xi1>, vector<24x256xi32>
    %min3A_107 = arith.minimumf %min3A_99, %get3A_102 : vector<24x256xf32>
    %get3A_108 = arith.constant 0 : index
    %get3A_109 = arith.constant 2304 : index
    %get3A_110 = vector.load %arg4[%get3A_108, %get3A_109] : memref<24x16384xf32, #tpu.memory_space<vmem>>, vector<24x256xf32>
    %lt3A_111 = arith.cmpf olt, %get3A_110, %min3A_107 : vector<24x256xf32>
    %jit3A_112 = arith.constant 9 : i32
    %broadcast_in_dim3A_113 = vector.broadcast %jit3A_112 : i32 to vector<24x256xi32>
    %select_n3A_114 = arith.select %lt3A_111, %broadcast_in_dim3A_113, %select_n3A_106 : vector<24x256xi1>, vector<24x256xi32>
    %min3A_115 = arith.minimumf %min3A_107, %get3A_110 : vector<24x256xf32>
    %get3A_116 = arith.constant 0 : index
    %get3A_117 = arith.constant 2560 : index
    %get3A_118 = vector.load %arg4[%get3A_116, %get3A_117] : memref<24x16384xf32, #tpu.memory_space<vmem>>, vector<24x256xf32>
    %lt3A_119 = arith.cmpf olt, %get3A_118, %min3A_115 : vector<24x256xf32>
    %jit3A_120 = arith.constant 10 : i32
    %broadcast_in_dim3A_121 = vector.broadcast %jit3A_120 : i32 to vector<24x256xi32>
    %select_n3A_122 = arith.select %lt3A_119, %broadcast_in_dim3A_121, %select_n3A_114 : vector<24x256xi1>, vector<24x256xi32>
    %min3A_123 = arith.minimumf %min3A_115, %get3A_118 : vector<24x256xf32>
    %get3A_124 = arith.constant 0 : index
    %get3A_125 = arith.constant 2816 : index
    %get3A_126 = vector.load %arg4[%get3A_124, %get3A_125] : memref<24x16384xf32, #tpu.memory_space<vmem>>, vector<24x256xf32>
    %lt3A_127 = arith.cmpf olt, %get3A_126, %min3A_123 : vector<24x256xf32>
    %jit3A_128 = arith.constant 11 : i32
    %broadcast_in_dim3A_129 = vector.broadcast %jit3A_128 : i32 to vector<24x256xi32>
    %select_n3A_130 = arith.select %lt3A_127, %broadcast_in_dim3A_129, %select_n3A_122 : vector<24x256xi1>, vector<24x256xi32>
    %min3A_131 = arith.minimumf %min3A_123, %get3A_126 : vector<24x256xf32>
    %get3A_132 = arith.constant 0 : index
    %get3A_133 = arith.constant 3072 : index
    %get3A_134 = vector.load %arg4[%get3A_132, %get3A_133] : memref<24x16384xf32, #tpu.memory_space<vmem>>, vector<24x256xf32>
    %lt3A_135 = arith.cmpf olt, %get3A_134, %min3A_131 : vector<24x256xf32>
    %jit3A_136 = arith.constant 12 : i32
    %broadcast_in_dim3A_137 = vector.broadcast %jit3A_136 : i32 to vector<24x256xi32>
    %select_n3A_138 = arith.select %lt3A_135, %broadcast_in_dim3A_137, %select_n3A_130 : vector<24x256xi1>, vector<24x256xi32>
    %min3A_139 = arith.minimumf %min3A_131, %get3A_134 : vector<24x256xf32>
    %get3A_140 = arith.constant 0 : index
    %get3A_141 = arith.constant 3328 : index
    %get3A_142 = vector.load %arg4[%get3A_140, %get3A_141] : memref<24x16384xf32, #tpu.memory_space<vmem>>, vector<24x256xf32>
    %lt3A_143 = arith.cmpf olt, %get3A_142, %min3A_139 : vector<24x256xf32>
    %jit3A_144 = arith.constant 13 : i32
    %broadcast_in_dim3A_145 = vector.broadcast %jit3A_144 : i32 to vector<24x256xi32>
    %select_n3A_146 = arith.select %lt3A_143, %broadcast_in_dim3A_145, %select_n3A_138 : vector<24x256xi1>, vector<24x256xi32>
    %min3A_147 = arith.minimumf %min3A_139, %get3A_142 : vector<24x256xf32>
    %get3A_148 = arith.constant 0 : index
    %get3A_149 = arith.constant 3584 : index
    %get3A_150 = vector.load %arg4[%get3A_148, %get3A_149] : memref<24x16384xf32, #tpu.memory_space<vmem>>, vector<24x256xf32>
    %lt3A_151 = arith.cmpf olt, %get3A_150, %min3A_147 : vector<24x256xf32>
    %jit3A_152 = arith.constant 14 : i32
    %broadcast_in_dim3A_153 = vector.broadcast %jit3A_152 : i32 to vector<24x256xi32>
    %select_n3A_154 = arith.select %lt3A_151, %broadcast_in_dim3A_153, %select_n3A_146 : vector<24x256xi1>, vector<24x256xi32>
    %min3A_155 = arith.minimumf %min3A_147, %get3A_150 : vector<24x256xf32>
    %get3A_156 = arith.constant 0 : index
    %get3A_157 = arith.constant 3840 : index
    %get3A_158 = vector.load %arg4[%get3A_156, %get3A_157] : memref<24x16384xf32, #tpu.memory_space<vmem>>, vector<24x256xf32>
    %lt3A_159 = arith.cmpf olt, %get3A_158, %min3A_155 : vector<24x256xf32>
    %jit3A_160 = arith.constant 15 : i32
    %broadcast_in_dim3A_161 = vector.broadcast %jit3A_160 : i32 to vector<24x256xi32>
    %select_n3A_162 = arith.select %lt3A_159, %broadcast_in_dim3A_161, %select_n3A_154 : vector<24x256xi1>, vector<24x256xi32>
    %min3A_163 = arith.minimumf %min3A_155, %get3A_158 : vector<24x256xf32>
    %get3A_164 = arith.constant 0 : index
    %get3A_165 = arith.constant 4096 : index
    %get3A_166 = vector.load %arg4[%get3A_164, %get3A_165] : memref<24x16384xf32, #tpu.memory_space<vmem>>, vector<24x256xf32>
    %lt3A_167 = arith.cmpf olt, %get3A_166, %min3A_163 : vector<24x256xf32>
    %jit3A_168 = arith.constant 16 : i32
    %broadcast_in_dim3A_169 = vector.broadcast %jit3A_168 : i32 to vector<24x256xi32>
    %select_n3A_170 = arith.select %lt3A_167, %broadcast_in_dim3A_169, %select_n3A_162 : vector<24x256xi1>, vector<24x256xi32>
    %min3A_171 = arith.minimumf %min3A_163, %get3A_166 : vector<24x256xf32>
    %get3A_172 = arith.constant 0 : index
    %get3A_173 = arith.constant 4352 : index
    %get3A_174 = vector.load %arg4[%get3A_172, %get3A_173] : memref<24x16384xf32, #tpu.memory_space<vmem>>, vector<24x256xf32>
    %lt3A_175 = arith.cmpf olt, %get3A_174, %min3A_171 : vector<24x256xf32>
    %jit3A_176 = arith.constant 17 : i32
    %broadcast_in_dim3A_177 = vector.broadcast %jit3A_176 : i32 to vector<24x256xi32>
    %select_n3A_178 = arith.select %lt3A_175, %broadcast_in_dim3A_177, %select_n3A_170 : vector<24x256xi1>, vector<24x256xi32>
    %min3A_179 = arith.minimumf %min3A_171, %get3A_174 : vector<24x256xf32>
    %get3A_180 = arith.constant 0 : index
    %get3A_181 = arith.constant 4608 : index
    %get3A_182 = vector.load %arg4[%get3A_180, %get3A_181] : memref<24x16384xf32, #tpu.memory_space<vmem>>, vector<24x256xf32>
    %lt3A_183 = arith.cmpf olt, %get3A_182, %min3A_179 : vector<24x256xf32>
    %jit3A_184 = arith.constant 18 : i32
    %broadcast_in_dim3A_185 = vector.broadcast %jit3A_184 : i32 to vector<24x256xi32>
    %select_n3A_186 = arith.select %lt3A_183, %broadcast_in_dim3A_185, %select_n3A_178 : vector<24x256xi1>, vector<24x256xi32>
    %min3A_187 = arith.minimumf %min3A_179, %get3A_182 : vector<24x256xf32>
    %get3A_188 = arith.constant 0 : index
    %get3A_189 = arith.constant 4864 : index
    %get3A_190 = vector.load %arg4[%get3A_188, %get3A_189] : memref<24x16384xf32, #tpu.memory_space<vmem>>, vector<24x256xf32>
    %lt3A_191 = arith.cmpf olt, %get3A_190, %min3A_187 : vector<24x256xf32>
    %jit3A_192 = arith.constant 19 : i32
    %broadcast_in_dim3A_193 = vector.broadcast %jit3A_192 : i32 to vector<24x256xi32>
    %select_n3A_194 = arith.select %lt3A_191, %broadcast_in_dim3A_193, %select_n3A_186 : vector<24x256xi1>, vector<24x256xi32>
    %min3A_195 = arith.minimumf %min3A_187, %get3A_190 : vector<24x256xf32>
    %get3A_196 = arith.constant 0 : index
    %get3A_197 = arith.constant 5120 : index
    %get3A_198 = vector.load %arg4[%get3A_196, %get3A_197] : memref<24x16384xf32, #tpu.memory_space<vmem>>, vector<24x256xf32>
    %lt3A_199 = arith.cmpf olt, %get3A_198, %min3A_195 : vector<24x256xf32>
    %jit3A_200 = arith.constant 20 : i32
    %broadcast_in_dim3A_201 = vector.broadcast %jit3A_200 : i32 to vector<24x256xi32>
    %select_n3A_202 = arith.select %lt3A_199, %broadcast_in_dim3A_201, %select_n3A_194 : vector<24x256xi1>, vector<24x256xi32>
    %min3A_203 = arith.minimumf %min3A_195, %get3A_198 : vector<24x256xf32>
    %get3A_204 = arith.constant 0 : index
    %get3A_205 = arith.constant 5376 : index
    %get3A_206 = vector.load %arg4[%get3A_204, %get3A_205] : memref<24x16384xf32, #tpu.memory_space<vmem>>, vector<24x256xf32>
    %lt3A_207 = arith.cmpf olt, %get3A_206, %min3A_203 : vector<24x256xf32>
    %jit3A_208 = arith.constant 21 : i32
    %broadcast_in_dim3A_209 = vector.broadcast %jit3A_208 : i32 to vector<24x256xi32>
    %select_n3A_210 = arith.select %lt3A_207, %broadcast_in_dim3A_209, %select_n3A_202 : vector<24x256xi1>, vector<24x256xi32>
    %min3A_211 = arith.minimumf %min3A_203, %get3A_206 : vector<24x256xf32>
    %get3A_212 = arith.constant 0 : index
    %get3A_213 = arith.constant 5632 : index
    %get3A_214 = vector.load %arg4[%get3A_212, %get3A_213] : memref<24x16384xf32, #tpu.memory_space<vmem>>, vector<24x256xf32>
    %lt3A_215 = arith.cmpf olt, %get3A_214, %min3A_211 : vector<24x256xf32>
    %jit3A_216 = arith.constant 22 : i32
    %broadcast_in_dim3A_217 = vector.broadcast %jit3A_216 : i32 to vector<24x256xi32>
    %select_n3A_218 = arith.select %lt3A_215, %broadcast_in_dim3A_217, %select_n3A_210 : vector<24x256xi1>, vector<24x256xi32>
    %min3A_219 = arith.minimumf %min3A_211, %get3A_214 : vector<24x256xf32>
    %get3A_220 = arith.constant 0 : index
    %get3A_221 = arith.constant 5888 : index
    %get3A_222 = vector.load %arg4[%get3A_220, %get3A_221] : memref<24x16384xf32, #tpu.memory_space<vmem>>, vector<24x256xf32>
    %lt3A_223 = arith.cmpf olt, %get3A_222, %min3A_219 : vector<24x256xf32>
    %jit3A_224 = arith.constant 23 : i32
    %broadcast_in_dim3A_225 = vector.broadcast %jit3A_224 : i32 to vector<24x256xi32>
    %select_n3A_226 = arith.select %lt3A_223, %broadcast_in_dim3A_225, %select_n3A_218 : vector<24x256xi1>, vector<24x256xi32>
    %min3A_227 = arith.minimumf %min3A_219, %get3A_222 : vector<24x256xf32>
    %get3A_228 = arith.constant 0 : index
    %get3A_229 = arith.constant 6144 : index
    %get3A_230 = vector.load %arg4[%get3A_228, %get3A_229] : memref<24x16384xf32, #tpu.memory_space<vmem>>, vector<24x256xf32>
    %lt3A_231 = arith.cmpf olt, %get3A_230, %min3A_227 : vector<24x256xf32>
    %jit3A_232 = arith.constant 24 : i32
    %broadcast_in_dim3A_233 = vector.broadcast %jit3A_232 : i32 to vector<24x256xi32>
    %select_n3A_234 = arith.select %lt3A_231, %broadcast_in_dim3A_233, %select_n3A_226 : vector<24x256xi1>, vector<24x256xi32>
    %min3A_235 = arith.minimumf %min3A_227, %get3A_230 : vector<24x256xf32>
    %get3A_236 = arith.constant 0 : index
    %get3A_237 = arith.constant 6400 : index
    %get3A_238 = vector.load %arg4[%get3A_236, %get3A_237] : memref<24x16384xf32, #tpu.memory_space<vmem>>, vector<24x256xf32>
    %lt3A_239 = arith.cmpf olt, %get3A_238, %min3A_235 : vector<24x256xf32>
    %jit3A_240 = arith.constant 25 : i32
    %broadcast_in_dim3A_241 = vector.broadcast %jit3A_240 : i32 to vector<24x256xi32>
    %select_n3A_242 = arith.select %lt3A_239, %broadcast_in_dim3A_241, %select_n3A_234 : vector<24x256xi1>, vector<24x256xi32>
    %min3A_243 = arith.minimumf %min3A_235, %get3A_238 : vector<24x256xf32>
    %get3A_244 = arith.constant 0 : index
    %get3A_245 = arith.constant 6656 : index
    %get3A_246 = vector.load %arg4[%get3A_244, %get3A_245] : memref<24x16384xf32, #tpu.memory_space<vmem>>, vector<24x256xf32>
    %lt3A_247 = arith.cmpf olt, %get3A_246, %min3A_243 : vector<24x256xf32>
    %jit3A_248 = arith.constant 26 : i32
    %broadcast_in_dim3A_249 = vector.broadcast %jit3A_248 : i32 to vector<24x256xi32>
    %select_n3A_250 = arith.select %lt3A_247, %broadcast_in_dim3A_249, %select_n3A_242 : vector<24x256xi1>, vector<24x256xi32>
    %min3A_251 = arith.minimumf %min3A_243, %get3A_246 : vector<24x256xf32>
    %get3A_252 = arith.constant 0 : index
    %get3A_253 = arith.constant 6912 : index
    %get3A_254 = vector.load %arg4[%get3A_252, %get3A_253] : memref<24x16384xf32, #tpu.memory_space<vmem>>, vector<24x256xf32>
    %lt3A_255 = arith.cmpf olt, %get3A_254, %min3A_251 : vector<24x256xf32>
    %jit3A_256 = arith.constant 27 : i32
    %broadcast_in_dim3A_257 = vector.broadcast %jit3A_256 : i32 to vector<24x256xi32>
    %select_n3A_258 = arith.select %lt3A_255, %broadcast_in_dim3A_257, %select_n3A_250 : vector<24x256xi1>, vector<24x256xi32>
    %min3A_259 = arith.minimumf %min3A_251, %get3A_254 : vector<24x256xf32>
    %get3A_260 = arith.constant 0 : index
    %get3A_261 = arith.constant 7168 : index
    %get3A_262 = vector.load %arg4[%get3A_260, %get3A_261] : memref<24x16384xf32, #tpu.memory_space<vmem>>, vector<24x256xf32>
    %lt3A_263 = arith.cmpf olt, %get3A_262, %min3A_259 : vector<24x256xf32>
    %jit3A_264 = arith.constant 28 : i32
    %broadcast_in_dim3A_265 = vector.broadcast %jit3A_264 : i32 to vector<24x256xi32>
    %select_n3A_266 = arith.select %lt3A_263, %broadcast_in_dim3A_265, %select_n3A_258 : vector<24x256xi1>, vector<24x256xi32>
    %min3A_267 = arith.minimumf %min3A_259, %get3A_262 : vector<24x256xf32>
    %get3A_268 = arith.constant 0 : index
    %get3A_269 = arith.constant 7424 : index
    %get3A_270 = vector.load %arg4[%get3A_268, %get3A_269] : memref<24x16384xf32, #tpu.memory_space<vmem>>, vector<24x256xf32>
    %lt3A_271 = arith.cmpf olt, %get3A_270, %min3A_267 : vector<24x256xf32>
    %jit3A_272 = arith.constant 29 : i32
    %broadcast_in_dim3A_273 = vector.broadcast %jit3A_272 : i32 to vector<24x256xi32>
    %select_n3A_274 = arith.select %lt3A_271, %broadcast_in_dim3A_273, %select_n3A_266 : vector<24x256xi1>, vector<24x256xi32>
    %min3A_275 = arith.minimumf %min3A_267, %get3A_270 : vector<24x256xf32>
    %get3A_276 = arith.constant 0 : index
    %get3A_277 = arith.constant 7680 : index
    %get3A_278 = vector.load %arg4[%get3A_276, %get3A_277] : memref<24x16384xf32, #tpu.memory_space<vmem>>, vector<24x256xf32>
    %lt3A_279 = arith.cmpf olt, %get3A_278, %min3A_275 : vector<24x256xf32>
    %jit3A_280 = arith.constant 30 : i32
    %broadcast_in_dim3A_281 = vector.broadcast %jit3A_280 : i32 to vector<24x256xi32>
    %select_n3A_282 = arith.select %lt3A_279, %broadcast_in_dim3A_281, %select_n3A_274 : vector<24x256xi1>, vector<24x256xi32>
    %min3A_283 = arith.minimumf %min3A_275, %get3A_278 : vector<24x256xf32>
    %get3A_284 = arith.constant 0 : index
    %get3A_285 = arith.constant 7936 : index
    %get3A_286 = vector.load %arg4[%get3A_284, %get3A_285] : memref<24x16384xf32, #tpu.memory_space<vmem>>, vector<24x256xf32>
    %lt3A_287 = arith.cmpf olt, %get3A_286, %min3A_283 : vector<24x256xf32>
    %jit3A_288 = arith.constant 31 : i32
    %broadcast_in_dim3A_289 = vector.broadcast %jit3A_288 : i32 to vector<24x256xi32>
    %select_n3A_290 = arith.select %lt3A_287, %broadcast_in_dim3A_289, %select_n3A_282 : vector<24x256xi1>, vector<24x256xi32>
    %min3A_291 = arith.minimumf %min3A_283, %get3A_286 : vector<24x256xf32>
    %get3A_292 = arith.constant 0 : index
    %get3A_293 = arith.constant 8192 : index
    %get3A_294 = vector.load %arg4[%get3A_292, %get3A_293] : memref<24x16384xf32, #tpu.memory_space<vmem>>, vector<24x256xf32>
    %lt3A_295 = arith.cmpf olt, %get3A_294, %min3A_291 : vector<24x256xf32>
    %jit3A_296 = arith.constant 32 : i32
    %broadcast_in_dim3A_297 = vector.broadcast %jit3A_296 : i32 to vector<24x256xi32>
    %select_n3A_298 = arith.select %lt3A_295, %broadcast_in_dim3A_297, %select_n3A_290 : vector<24x256xi1>, vector<24x256xi32>
    %min3A_299 = arith.minimumf %min3A_291, %get3A_294 : vector<24x256xf32>
    %get3A_300 = arith.constant 0 : index
    %get3A_301 = arith.constant 8448 : index
    %get3A_302 = vector.load %arg4[%get3A_300, %get3A_301] : memref<24x16384xf32, #tpu.memory_space<vmem>>, vector<24x256xf32>
    %lt3A_303 = arith.cmpf olt, %get3A_302, %min3A_299 : vector<24x256xf32>
    %jit3A_304 = arith.constant 33 : i32
    %broadcast_in_dim3A_305 = vector.broadcast %jit3A_304 : i32 to vector<24x256xi32>
    %select_n3A_306 = arith.select %lt3A_303, %broadcast_in_dim3A_305, %select_n3A_298 : vector<24x256xi1>, vector<24x256xi32>
    %min3A_307 = arith.minimumf %min3A_299, %get3A_302 : vector<24x256xf32>
    %get3A_308 = arith.constant 0 : index
    %get3A_309 = arith.constant 8704 : index
    %get3A_310 = vector.load %arg4[%get3A_308, %get3A_309] : memref<24x16384xf32, #tpu.memory_space<vmem>>, vector<24x256xf32>
    %lt3A_311 = arith.cmpf olt, %get3A_310, %min3A_307 : vector<24x256xf32>
    %jit3A_312 = arith.constant 34 : i32
    %broadcast_in_dim3A_313 = vector.broadcast %jit3A_312 : i32 to vector<24x256xi32>
    %select_n3A_314 = arith.select %lt3A_311, %broadcast_in_dim3A_313, %select_n3A_306 : vector<24x256xi1>, vector<24x256xi32>
    %min3A_315 = arith.minimumf %min3A_307, %get3A_310 : vector<24x256xf32>
    %get3A_316 = arith.constant 0 : index
    %get3A_317 = arith.constant 8960 : index
    %get3A_318 = vector.load %arg4[%get3A_316, %get3A_317] : memref<24x16384xf32, #tpu.memory_space<vmem>>, vector<24x256xf32>
    %lt3A_319 = arith.cmpf olt, %get3A_318, %min3A_315 : vector<24x256xf32>
    %jit3A_320 = arith.constant 35 : i32
    %broadcast_in_dim3A_321 = vector.broadcast %jit3A_320 : i32 to vector<24x256xi32>
    %select_n3A_322 = arith.select %lt3A_319, %broadcast_in_dim3A_321, %select_n3A_314 : vector<24x256xi1>, vector<24x256xi32>
    %min3A_323 = arith.minimumf %min3A_315, %get3A_318 : vector<24x256xf32>
    %get3A_324 = arith.constant 0 : index
    %get3A_325 = arith.constant 9216 : index
    %get3A_326 = vector.load %arg4[%get3A_324, %get3A_325] : memref<24x16384xf32, #tpu.memory_space<vmem>>, vector<24x256xf32>
    %lt3A_327 = arith.cmpf olt, %get3A_326, %min3A_323 : vector<24x256xf32>
    %jit3A_328 = arith.constant 36 : i32
    %broadcast_in_dim3A_329 = vector.broadcast %jit3A_328 : i32 to vector<24x256xi32>
    %select_n3A_330 = arith.select %lt3A_327, %broadcast_in_dim3A_329, %select_n3A_322 : vector<24x256xi1>, vector<24x256xi32>
    %min3A_331 = arith.minimumf %min3A_323, %get3A_326 : vector<24x256xf32>
    %get3A_332 = arith.constant 0 : index
    %get3A_333 = arith.constant 9472 : index
    %get3A_334 = vector.load %arg4[%get3A_332, %get3A_333] : memref<24x16384xf32, #tpu.memory_space<vmem>>, vector<24x256xf32>
    %lt3A_335 = arith.cmpf olt, %get3A_334, %min3A_331 : vector<24x256xf32>
    %jit3A_336 = arith.constant 37 : i32
    %broadcast_in_dim3A_337 = vector.broadcast %jit3A_336 : i32 to vector<24x256xi32>
    %select_n3A_338 = arith.select %lt3A_335, %broadcast_in_dim3A_337, %select_n3A_330 : vector<24x256xi1>, vector<24x256xi32>
    %min3A_339 = arith.minimumf %min3A_331, %get3A_334 : vector<24x256xf32>
    %get3A_340 = arith.constant 0 : index
    %get3A_341 = arith.constant 9728 : index
    %get3A_342 = vector.load %arg4[%get3A_340, %get3A_341] : memref<24x16384xf32, #tpu.memory_space<vmem>>, vector<24x256xf32>
    %lt3A_343 = arith.cmpf olt, %get3A_342, %min3A_339 : vector<24x256xf32>
    %jit3A_344 = arith.constant 38 : i32
    %broadcast_in_dim3A_345 = vector.broadcast %jit3A_344 : i32 to vector<24x256xi32>
    %select_n3A_346 = arith.select %lt3A_343, %broadcast_in_dim3A_345, %select_n3A_338 : vector<24x256xi1>, vector<24x256xi32>
    %min3A_347 = arith.minimumf %min3A_339, %get3A_342 : vector<24x256xf32>
    %get3A_348 = arith.constant 0 : index
    %get3A_349 = arith.constant 9984 : index
    %get3A_350 = vector.load %arg4[%get3A_348, %get3A_349] : memref<24x16384xf32, #tpu.memory_space<vmem>>, vector<24x256xf32>
    %lt3A_351 = arith.cmpf olt, %get3A_350, %min3A_347 : vector<24x256xf32>
    %jit3A_352 = arith.constant 39 : i32
    %broadcast_in_dim3A_353 = vector.broadcast %jit3A_352 : i32 to vector<24x256xi32>
    %select_n3A_354 = arith.select %lt3A_351, %broadcast_in_dim3A_353, %select_n3A_346 : vector<24x256xi1>, vector<24x256xi32>
    %min3A_355 = arith.minimumf %min3A_347, %get3A_350 : vector<24x256xf32>
    %get3A_356 = arith.constant 0 : index
    %get3A_357 = arith.constant 10240 : index
    %get3A_358 = vector.load %arg4[%get3A_356, %get3A_357] : memref<24x16384xf32, #tpu.memory_space<vmem>>, vector<24x256xf32>
    %lt3A_359 = arith.cmpf olt, %get3A_358, %min3A_355 : vector<24x256xf32>
    %jit3A_360 = arith.constant 40 : i32
    %broadcast_in_dim3A_361 = vector.broadcast %jit3A_360 : i32 to vector<24x256xi32>
    %select_n3A_362 = arith.select %lt3A_359, %broadcast_in_dim3A_361, %select_n3A_354 : vector<24x256xi1>, vector<24x256xi32>
    %min3A_363 = arith.minimumf %min3A_355, %get3A_358 : vector<24x256xf32>
    %get3A_364 = arith.constant 0 : index
    %get3A_365 = arith.constant 10496 : index
    %get3A_366 = vector.load %arg4[%get3A_364, %get3A_365] : memref<24x16384xf32, #tpu.memory_space<vmem>>, vector<24x256xf32>
    %lt3A_367 = arith.cmpf olt, %get3A_366, %min3A_363 : vector<24x256xf32>
    %jit3A_368 = arith.constant 41 : i32
    %broadcast_in_dim3A_369 = vector.broadcast %jit3A_368 : i32 to vector<24x256xi32>
    %select_n3A_370 = arith.select %lt3A_367, %broadcast_in_dim3A_369, %select_n3A_362 : vector<24x256xi1>, vector<24x256xi32>
    %min3A_371 = arith.minimumf %min3A_363, %get3A_366 : vector<24x256xf32>
    %get3A_372 = arith.constant 0 : index
    %get3A_373 = arith.constant 10752 : index
    %get3A_374 = vector.load %arg4[%get3A_372, %get3A_373] : memref<24x16384xf32, #tpu.memory_space<vmem>>, vector<24x256xf32>
    %lt3A_375 = arith.cmpf olt, %get3A_374, %min3A_371 : vector<24x256xf32>
    %jit3A_376 = arith.constant 42 : i32
    %broadcast_in_dim3A_377 = vector.broadcast %jit3A_376 : i32 to vector<24x256xi32>
    %select_n3A_378 = arith.select %lt3A_375, %broadcast_in_dim3A_377, %select_n3A_370 : vector<24x256xi1>, vector<24x256xi32>
    %min3A_379 = arith.minimumf %min3A_371, %get3A_374 : vector<24x256xf32>
    %get3A_380 = arith.constant 0 : index
    %get3A_381 = arith.constant 11008 : index
    %get3A_382 = vector.load %arg4[%get3A_380, %get3A_381] : memref<24x16384xf32, #tpu.memory_space<vmem>>, vector<24x256xf32>
    %lt3A_383 = arith.cmpf olt, %get3A_382, %min3A_379 : vector<24x256xf32>
    %jit3A_384 = arith.constant 43 : i32
    %broadcast_in_dim3A_385 = vector.broadcast %jit3A_384 : i32 to vector<24x256xi32>
    %select_n3A_386 = arith.select %lt3A_383, %broadcast_in_dim3A_385, %select_n3A_378 : vector<24x256xi1>, vector<24x256xi32>
    %min3A_387 = arith.minimumf %min3A_379, %get3A_382 : vector<24x256xf32>
    %get3A_388 = arith.constant 0 : index
    %get3A_389 = arith.constant 11264 : index
    %get3A_390 = vector.load %arg4[%get3A_388, %get3A_389] : memref<24x16384xf32, #tpu.memory_space<vmem>>, vector<24x256xf32>
    %lt3A_391 = arith.cmpf olt, %get3A_390, %min3A_387 : vector<24x256xf32>
    %jit3A_392 = arith.constant 44 : i32
    %broadcast_in_dim3A_393 = vector.broadcast %jit3A_392 : i32 to vector<24x256xi32>
    %select_n3A_394 = arith.select %lt3A_391, %broadcast_in_dim3A_393, %select_n3A_386 : vector<24x256xi1>, vector<24x256xi32>
    %min3A_395 = arith.minimumf %min3A_387, %get3A_390 : vector<24x256xf32>
    %get3A_396 = arith.constant 0 : index
    %get3A_397 = arith.constant 11520 : index
    %get3A_398 = vector.load %arg4[%get3A_396, %get3A_397] : memref<24x16384xf32, #tpu.memory_space<vmem>>, vector<24x256xf32>
    %lt3A_399 = arith.cmpf olt, %get3A_398, %min3A_395 : vector<24x256xf32>
    %jit3A_400 = arith.constant 45 : i32
    %broadcast_in_dim3A_401 = vector.broadcast %jit3A_400 : i32 to vector<24x256xi32>
    %select_n3A_402 = arith.select %lt3A_399, %broadcast_in_dim3A_401, %select_n3A_394 : vector<24x256xi1>, vector<24x256xi32>
    %min3A_403 = arith.minimumf %min3A_395, %get3A_398 : vector<24x256xf32>
    %get3A_404 = arith.constant 0 : index
    %get3A_405 = arith.constant 11776 : index
    %get3A_406 = vector.load %arg4[%get3A_404, %get3A_405] : memref<24x16384xf32, #tpu.memory_space<vmem>>, vector<24x256xf32>
    %lt3A_407 = arith.cmpf olt, %get3A_406, %min3A_403 : vector<24x256xf32>
    %jit3A_408 = arith.constant 46 : i32
    %broadcast_in_dim3A_409 = vector.broadcast %jit3A_408 : i32 to vector<24x256xi32>
    %select_n3A_410 = arith.select %lt3A_407, %broadcast_in_dim3A_409, %select_n3A_402 : vector<24x256xi1>, vector<24x256xi32>
    %min3A_411 = arith.minimumf %min3A_403, %get3A_406 : vector<24x256xf32>
    %get3A_412 = arith.constant 0 : index
    %get3A_413 = arith.constant 12032 : index
    %get3A_414 = vector.load %arg4[%get3A_412, %get3A_413] : memref<24x16384xf32, #tpu.memory_space<vmem>>, vector<24x256xf32>
    %lt3A_415 = arith.cmpf olt, %get3A_414, %min3A_411 : vector<24x256xf32>
    %jit3A_416 = arith.constant 47 : i32
    %broadcast_in_dim3A_417 = vector.broadcast %jit3A_416 : i32 to vector<24x256xi32>
    %select_n3A_418 = arith.select %lt3A_415, %broadcast_in_dim3A_417, %select_n3A_410 : vector<24x256xi1>, vector<24x256xi32>
    %min3A_419 = arith.minimumf %min3A_411, %get3A_414 : vector<24x256xf32>
    %get3A_420 = arith.constant 0 : index
    %get3A_421 = arith.constant 12288 : index
    %get3A_422 = vector.load %arg4[%get3A_420, %get3A_421] : memref<24x16384xf32, #tpu.memory_space<vmem>>, vector<24x256xf32>
    %lt3A_423 = arith.cmpf olt, %get3A_422, %min3A_419 : vector<24x256xf32>
    %jit3A_424 = arith.constant 48 : i32
    %broadcast_in_dim3A_425 = vector.broadcast %jit3A_424 : i32 to vector<24x256xi32>
    %select_n3A_426 = arith.select %lt3A_423, %broadcast_in_dim3A_425, %select_n3A_418 : vector<24x256xi1>, vector<24x256xi32>
    %min3A_427 = arith.minimumf %min3A_419, %get3A_422 : vector<24x256xf32>
    %get3A_428 = arith.constant 0 : index
    %get3A_429 = arith.constant 12544 : index
    %get3A_430 = vector.load %arg4[%get3A_428, %get3A_429] : memref<24x16384xf32, #tpu.memory_space<vmem>>, vector<24x256xf32>
    %lt3A_431 = arith.cmpf olt, %get3A_430, %min3A_427 : vector<24x256xf32>
    %jit3A_432 = arith.constant 49 : i32
    %broadcast_in_dim3A_433 = vector.broadcast %jit3A_432 : i32 to vector<24x256xi32>
    %select_n3A_434 = arith.select %lt3A_431, %broadcast_in_dim3A_433, %select_n3A_426 : vector<24x256xi1>, vector<24x256xi32>
    %min3A_435 = arith.minimumf %min3A_427, %get3A_430 : vector<24x256xf32>
    %get3A_436 = arith.constant 0 : index
    %get3A_437 = arith.constant 12800 : index
    %get3A_438 = vector.load %arg4[%get3A_436, %get3A_437] : memref<24x16384xf32, #tpu.memory_space<vmem>>, vector<24x256xf32>
    %lt3A_439 = arith.cmpf olt, %get3A_438, %min3A_435 : vector<24x256xf32>
    %jit3A_440 = arith.constant 50 : i32
    %broadcast_in_dim3A_441 = vector.broadcast %jit3A_440 : i32 to vector<24x256xi32>
    %select_n3A_442 = arith.select %lt3A_439, %broadcast_in_dim3A_441, %select_n3A_434 : vector<24x256xi1>, vector<24x256xi32>
    %min3A_443 = arith.minimumf %min3A_435, %get3A_438 : vector<24x256xf32>
    %get3A_444 = arith.constant 0 : index
    %get3A_445 = arith.constant 13056 : index
    %get3A_446 = vector.load %arg4[%get3A_444, %get3A_445] : memref<24x16384xf32, #tpu.memory_space<vmem>>, vector<24x256xf32>
    %lt3A_447 = arith.cmpf olt, %get3A_446, %min3A_443 : vector<24x256xf32>
    %jit3A_448 = arith.constant 51 : i32
    %broadcast_in_dim3A_449 = vector.broadcast %jit3A_448 : i32 to vector<24x256xi32>
    %select_n3A_450 = arith.select %lt3A_447, %broadcast_in_dim3A_449, %select_n3A_442 : vector<24x256xi1>, vector<24x256xi32>
    %min3A_451 = arith.minimumf %min3A_443, %get3A_446 : vector<24x256xf32>
    %get3A_452 = arith.constant 0 : index
    %get3A_453 = arith.constant 13312 : index
    %get3A_454 = vector.load %arg4[%get3A_452, %get3A_453] : memref<24x16384xf32, #tpu.memory_space<vmem>>, vector<24x256xf32>
    %lt3A_455 = arith.cmpf olt, %get3A_454, %min3A_451 : vector<24x256xf32>
    %jit3A_456 = arith.constant 52 : i32
    %broadcast_in_dim3A_457 = vector.broadcast %jit3A_456 : i32 to vector<24x256xi32>
    %select_n3A_458 = arith.select %lt3A_455, %broadcast_in_dim3A_457, %select_n3A_450 : vector<24x256xi1>, vector<24x256xi32>
    %min3A_459 = arith.minimumf %min3A_451, %get3A_454 : vector<24x256xf32>
    %get3A_460 = arith.constant 0 : index
    %get3A_461 = arith.constant 13568 : index
    %get3A_462 = vector.load %arg4[%get3A_460, %get3A_461] : memref<24x16384xf32, #tpu.memory_space<vmem>>, vector<24x256xf32>
    %lt3A_463 = arith.cmpf olt, %get3A_462, %min3A_459 : vector<24x256xf32>
    %jit3A_464 = arith.constant 53 : i32
    %broadcast_in_dim3A_465 = vector.broadcast %jit3A_464 : i32 to vector<24x256xi32>
    %select_n3A_466 = arith.select %lt3A_463, %broadcast_in_dim3A_465, %select_n3A_458 : vector<24x256xi1>, vector<24x256xi32>
    %min3A_467 = arith.minimumf %min3A_459, %get3A_462 : vector<24x256xf32>
    %get3A_468 = arith.constant 0 : index
    %get3A_469 = arith.constant 13824 : index
    %get3A_470 = vector.load %arg4[%get3A_468, %get3A_469] : memref<24x16384xf32, #tpu.memory_space<vmem>>, vector<24x256xf32>
    %lt3A_471 = arith.cmpf olt, %get3A_470, %min3A_467 : vector<24x256xf32>
    %jit3A_472 = arith.constant 54 : i32
    %broadcast_in_dim3A_473 = vector.broadcast %jit3A_472 : i32 to vector<24x256xi32>
    %select_n3A_474 = arith.select %lt3A_471, %broadcast_in_dim3A_473, %select_n3A_466 : vector<24x256xi1>, vector<24x256xi32>
    %min3A_475 = arith.minimumf %min3A_467, %get3A_470 : vector<24x256xf32>
    %get3A_476 = arith.constant 0 : index
    %get3A_477 = arith.constant 14080 : index
    %get3A_478 = vector.load %arg4[%get3A_476, %get3A_477] : memref<24x16384xf32, #tpu.memory_space<vmem>>, vector<24x256xf32>
    %lt3A_479 = arith.cmpf olt, %get3A_478, %min3A_475 : vector<24x256xf32>
    %jit3A_480 = arith.constant 55 : i32
    %broadcast_in_dim3A_481 = vector.broadcast %jit3A_480 : i32 to vector<24x256xi32>
    %select_n3A_482 = arith.select %lt3A_479, %broadcast_in_dim3A_481, %select_n3A_474 : vector<24x256xi1>, vector<24x256xi32>
    %min3A_483 = arith.minimumf %min3A_475, %get3A_478 : vector<24x256xf32>
    %get3A_484 = arith.constant 0 : index
    %get3A_485 = arith.constant 14336 : index
    %get3A_486 = vector.load %arg4[%get3A_484, %get3A_485] : memref<24x16384xf32, #tpu.memory_space<vmem>>, vector<24x256xf32>
    %lt3A_487 = arith.cmpf olt, %get3A_486, %min3A_483 : vector<24x256xf32>
    %jit3A_488 = arith.constant 56 : i32
    %broadcast_in_dim3A_489 = vector.broadcast %jit3A_488 : i32 to vector<24x256xi32>
    %select_n3A_490 = arith.select %lt3A_487, %broadcast_in_dim3A_489, %select_n3A_482 : vector<24x256xi1>, vector<24x256xi32>
    %min3A_491 = arith.minimumf %min3A_483, %get3A_486 : vector<24x256xf32>
    %get3A_492 = arith.constant 0 : index
    %get3A_493 = arith.constant 14592 : index
    %get3A_494 = vector.load %arg4[%get3A_492, %get3A_493] : memref<24x16384xf32, #tpu.memory_space<vmem>>, vector<24x256xf32>
    %lt3A_495 = arith.cmpf olt, %get3A_494, %min3A_491 : vector<24x256xf32>
    %jit3A_496 = arith.constant 57 : i32
    %broadcast_in_dim3A_497 = vector.broadcast %jit3A_496 : i32 to vector<24x256xi32>
    %select_n3A_498 = arith.select %lt3A_495, %broadcast_in_dim3A_497, %select_n3A_490 : vector<24x256xi1>, vector<24x256xi32>
    %min3A_499 = arith.minimumf %min3A_491, %get3A_494 : vector<24x256xf32>
    %get3A_500 = arith.constant 0 : index
    %get3A_501 = arith.constant 14848 : index
    %get3A_502 = vector.load %arg4[%get3A_500, %get3A_501] : memref<24x16384xf32, #tpu.memory_space<vmem>>, vector<24x256xf32>
    %lt3A_503 = arith.cmpf olt, %get3A_502, %min3A_499 : vector<24x256xf32>
    %jit3A_504 = arith.constant 58 : i32
    %broadcast_in_dim3A_505 = vector.broadcast %jit3A_504 : i32 to vector<24x256xi32>
    %select_n3A_506 = arith.select %lt3A_503, %broadcast_in_dim3A_505, %select_n3A_498 : vector<24x256xi1>, vector<24x256xi32>
    %min3A_507 = arith.minimumf %min3A_499, %get3A_502 : vector<24x256xf32>
    %get3A_508 = arith.constant 0 : index
    %get3A_509 = arith.constant 15104 : index
    %get3A_510 = vector.load %arg4[%get3A_508, %get3A_509] : memref<24x16384xf32, #tpu.memory_space<vmem>>, vector<24x256xf32>
    %lt3A_511 = arith.cmpf olt, %get3A_510, %min3A_507 : vector<24x256xf32>
    %jit3A_512 = arith.constant 59 : i32
    %broadcast_in_dim3A_513 = vector.broadcast %jit3A_512 : i32 to vector<24x256xi32>
    %select_n3A_514 = arith.select %lt3A_511, %broadcast_in_dim3A_513, %select_n3A_506 : vector<24x256xi1>, vector<24x256xi32>
    %min3A_515 = arith.minimumf %min3A_507, %get3A_510 : vector<24x256xf32>
    %get3A_516 = arith.constant 0 : index
    %get3A_517 = arith.constant 15360 : index
    %get3A_518 = vector.load %arg4[%get3A_516, %get3A_517] : memref<24x16384xf32, #tpu.memory_space<vmem>>, vector<24x256xf32>
    %lt3A_519 = arith.cmpf olt, %get3A_518, %min3A_515 : vector<24x256xf32>
    %jit3A_520 = arith.constant 60 : i32
    %broadcast_in_dim3A_521 = vector.broadcast %jit3A_520 : i32 to vector<24x256xi32>
    %select_n3A_522 = arith.select %lt3A_519, %broadcast_in_dim3A_521, %select_n3A_514 : vector<24x256xi1>, vector<24x256xi32>
    %min3A_523 = arith.minimumf %min3A_515, %get3A_518 : vector<24x256xf32>
    %get3A_524 = arith.constant 0 : index
    %get3A_525 = arith.constant 15616 : index
    %get3A_526 = vector.load %arg4[%get3A_524, %get3A_525] : memref<24x16384xf32, #tpu.memory_space<vmem>>, vector<24x256xf32>
    %lt3A_527 = arith.cmpf olt, %get3A_526, %min3A_523 : vector<24x256xf32>
    %jit3A_528 = arith.constant 61 : i32
    %broadcast_in_dim3A_529 = vector.broadcast %jit3A_528 : i32 to vector<24x256xi32>
    %select_n3A_530 = arith.select %lt3A_527, %broadcast_in_dim3A_529, %select_n3A_522 : vector<24x256xi1>, vector<24x256xi32>
    %min3A_531 = arith.minimumf %min3A_523, %get3A_526 : vector<24x256xf32>
    %get3A_532 = arith.constant 0 : index
    %get3A_533 = arith.constant 15872 : index
    %get3A_534 = vector.load %arg4[%get3A_532, %get3A_533] : memref<24x16384xf32, #tpu.memory_space<vmem>>, vector<24x256xf32>
    %lt3A_535 = arith.cmpf olt, %get3A_534, %min3A_531 : vector<24x256xf32>
    %jit3A_536 = arith.constant 62 : i32
    %broadcast_in_dim3A_537 = vector.broadcast %jit3A_536 : i32 to vector<24x256xi32>
    %select_n3A_538 = arith.select %lt3A_535, %broadcast_in_dim3A_537, %select_n3A_530 : vector<24x256xi1>, vector<24x256xi32>
    %min3A_539 = arith.minimumf %min3A_531, %get3A_534 : vector<24x256xf32>
    %get3A_540 = arith.constant 0 : index
    %get3A_541 = arith.constant 16128 : index
    %get3A_542 = vector.load %arg4[%get3A_540, %get3A_541] : memref<24x16384xf32, #tpu.memory_space<vmem>>, vector<24x256xf32>
    %lt3A_543 = arith.cmpf olt, %get3A_542, %min3A_539 : vector<24x256xf32>
    %jit3A_544 = arith.constant 63 : i32
    %broadcast_in_dim3A_545 = vector.broadcast %jit3A_544 : i32 to vector<24x256xi32>
    %select_n3A_546 = arith.select %lt3A_543, %broadcast_in_dim3A_545, %select_n3A_538 : vector<24x256xi1>, vector<24x256xi32>
    %min3A_547 = arith.minimumf %min3A_539, %get3A_542 : vector<24x256xf32>
    %while3A = arith.constant 0 : i32
    %while3A_548 = arith.constant false
    %while3A_549:4 = scf.while (%while3A_562 = %while3A, %while3A_563 = %min3A_547, %while3A_564 = %select_n3A_546, %while3A_565 = %while3A_548) : (i32, vector<24x256xf32>, vector<24x256xi32>, i1) -> (i32, vector<24x256xf32>, vector<24x256xi32>, i1) {
      %lt3A_566 = arith.constant 6 : i32
      %lt3A_567 = arith.cmpi slt, %while3A_562, %lt3A_566 : i32
      %not3A = arith.constant true
      %not3A_568 = arith.xori %while3A_565, %not3A : i1
      %and3A = arith.andi %lt3A_567, %not3A_568 : i1
      scf.condition(%and3A) %while3A_562, %while3A_563, %while3A_564, %while3A_565 : i32, vector<24x256xf32>, vector<24x256xi32>, i1
    } do {
    ^bb0(%while3A_562: i32, %while3A_563: vector<24x256xf32>, %while3A_564: vector<24x256xi32>, %while3A_565: i1):
      %swap3A_566 = arith.index_cast %while3A_562 : i32 to index
      %swap3A_567 = arith.constant 0 : index
      %swap3A_568 = arith.constant 0 : index
      %swap3A_569 = vector.load %arg5[%swap3A_566, %swap3A_567, %swap3A_568] : memref<6x24x256xf32, #tpu.memory_space<vmem>>, vector<1x24x256xf32>
      %swap3A_570 = vector.shape_cast %swap3A_569 : vector<1x24x256xf32> to vector<24x256xf32>
      %swap3A_571 = vector.shape_cast %while3A_563 : vector<24x256xf32> to vector<1x24x256xf32>
      tpu.vector_store %arg5[%swap3A_566, %swap3A_567, %swap3A_568], %swap3A_571 {strides = array<i32>} : memref<6x24x256xf32, #tpu.memory_space<vmem>>, vector<1x24x256xf32>,
      %mul3A_572 = arith.constant 256 : i32
      %mul3A_573 = vector.broadcast %mul3A_572 : i32 to vector<24x256xi32>
      %mul3A_574 = arith.muli %while3A_564, %mul3A_573 : vector<24x256xi32>
      %add3A_575 = arith.addi %mul3A_574, %iota3A : vector<24x256xi32>
      %convert_element_type3A_576 = arith.sitofp %add3A_575 : vector<24x256xi32> to vector<24x256xf32>
      %swap3A_577 = arith.index_cast %while3A_562 : i32 to index
      %swap3A_578 = arith.constant 0 : index
      %swap3A_579 = arith.constant 0 : index
      %swap3A_580 = vector.load %arg6[%swap3A_577, %swap3A_578, %swap3A_579] : memref<6x24x256xf32, #tpu.memory_space<vmem>>, vector<1x24x256xf32>
      %swap3A_581 = vector.shape_cast %swap3A_580 : vector<1x24x256xf32> to vector<24x256xf32>
      %swap3A_582 = vector.shape_cast %convert_element_type3A_576 : vector<24x256xf32> to vector<1x24x256xf32>
      tpu.vector_store %arg6[%swap3A_577, %swap3A_578, %swap3A_579], %swap3A_582 {strides = array<i32>} : memref<6x24x256xf32, #tpu.memory_space<vmem>>, vector<1x24x256xf32>,
      %broadcast_in_dim3A_583 = arith.constant 1.000000e+30 : f32
      %broadcast_in_dim3A_584 = vector.broadcast %broadcast_in_dim3A_583 : f32 to vector<24x256xf32>
      %broadcast_in_dim3A_585 = arith.constant 0 : i32
      %broadcast_in_dim3A_586 = vector.broadcast %broadcast_in_dim3A_585 : i32 to vector<24x256xi32>
      %get3A_587 = arith.constant 0 : index
      %get3A_588 = arith.constant 0 : index
      %get3A_589 = vector.load %arg4[%get3A_587, %get3A_588] : memref<24x16384xf32, #tpu.memory_space<vmem>>, vector<24x256xf32>
      %eq3A = arith.constant 0 : i32
      %eq3A_590 = vector.broadcast %eq3A : i32 to vector<24x256xi32>
      %eq3A_591 = arith.cmpi eq, %while3A_564, %eq3A_590 : vector<24x256xi32>
      %jit3A_592 = arith.constant 1.000000e+30 : f32
      %broadcast_in_dim3A_593 = vector.broadcast %jit3A_592 : f32 to vector<24x256xf32>
      %select_n3A_594 = arith.select %eq3A_591, %broadcast_in_dim3A_593, %get3A_589 : vector<24x256xi1>, vector<24x256xf32>
      %swap3A_595 = arith.constant 0 : index
      %swap3A_596 = arith.constant 0 : index
      %swap3A_597 = vector.load %arg4[%swap3A_595, %swap3A_596] : memref<24x16384xf32, #tpu.memory_space<vmem>>, vector<24x256xf32>
      tpu.vector_store %arg4[%swap3A_595, %swap3A_596], %select_n3A_594 {strides = array<i32>} : memref<24x16384xf32, #tpu.memory_space<vmem>>, vector<24x256xf32>,
      %lt3A_598 = arith.cmpf olt, %select_n3A_594, %broadcast_in_dim3A_584 : vector<24x256xf32>
      %jit3A_599 = arith.constant 0 : i32
      %broadcast_in_dim3A_600 = vector.broadcast %jit3A_599 : i32 to vector<24x256xi32>
      %select_n3A_601 = arith.select %lt3A_598, %broadcast_in_dim3A_600, %broadcast_in_dim3A_586 : vector<24x256xi1>, vector<24x256xi32>
      %min3A_602 = arith.minimumf %broadcast_in_dim3A_584, %select_n3A_594 : vector<24x256xf32>
      %get3A_603 = arith.constant 0 : index
      %get3A_604 = arith.constant 256 : index
      %get3A_605 = vector.load %arg4[%get3A_603, %get3A_604] : memref<24x16384xf32, #tpu.memory_space<vmem>>, vector<24x256xf32>
      %eq3A_606 = arith.constant 1 : i32
      %eq3A_607 = vector.broadcast %eq3A_606 : i32 to vector<24x256xi32>
      %eq3A_608 = arith.cmpi eq, %while3A_564, %eq3A_607 : vector<24x256xi32>
      %jit3A_609 = arith.constant 1.000000e+30 : f32
      %broadcast_in_dim3A_610 = vector.broadcast %jit3A_609 : f32 to vector<24x256xf32>
      %select_n3A_611 = arith.select %eq3A_608, %broadcast_in_dim3A_610, %get3A_605 : vector<24x256xi1>, vector<24x256xf32>
      %swap3A_612 = arith.constant 0 : index
      %swap3A_613 = arith.constant 256 : index
      %swap3A_614 = vector.load %arg4[%swap3A_612, %swap3A_613] : memref<24x16384xf32, #tpu.memory_space<vmem>>, vector<24x256xf32>
      tpu.vector_store %arg4[%swap3A_612, %swap3A_613], %select_n3A_611 {strides = array<i32>} : memref<24x16384xf32, #tpu.memory_space<vmem>>, vector<24x256xf32>,
      %lt3A_615 = arith.cmpf olt, %select_n3A_611, %min3A_602 : vector<24x256xf32>
      %jit3A_616 = arith.constant 1 : i32
      %broadcast_in_dim3A_617 = vector.broadcast %jit3A_616 : i32 to vector<24x256xi32>
      %select_n3A_618 = arith.select %lt3A_615, %broadcast_in_dim3A_617, %select_n3A_601 : vector<24x256xi1>, vector<24x256xi32>
      %min3A_619 = arith.minimumf %min3A_602, %select_n3A_611 : vector<24x256xf32>
      %get3A_620 = arith.constant 0 : index
      %get3A_621 = arith.constant 512 : index
      %get3A_622 = vector.load %arg4[%get3A_620, %get3A_621] : memref<24x16384xf32, #tpu.memory_space<vmem>>, vector<24x256xf32>
      %eq3A_623 = arith.constant 2 : i32
      %eq3A_624 = vector.broadcast %eq3A_623 : i32 to vector<24x256xi32>
      %eq3A_625 = arith.cmpi eq, %while3A_564, %eq3A_624 : vector<24x256xi32>
      %jit3A_626 = arith.constant 1.000000e+30 : f32
      %broadcast_in_dim3A_627 = vector.broadcast %jit3A_626 : f32 to vector<24x256xf32>
      %select_n3A_628 = arith.select %eq3A_625, %broadcast_in_dim3A_627, %get3A_622 : vector<24x256xi1>, vector<24x256xf32>
      %swap3A_629 = arith.constant 0 : index
      %swap3A_630 = arith.constant 512 : index
      %swap3A_631 = vector.load %arg4[%swap3A_629, %swap3A_630] : memref<24x16384xf32, #tpu.memory_space<vmem>>, vector<24x256xf32>
      tpu.vector_store %arg4[%swap3A_629, %swap3A_630], %select_n3A_628 {strides = array<i32>} : memref<24x16384xf32, #tpu.memory_space<vmem>>, vector<24x256xf32>,
      %lt3A_632 = arith.cmpf olt, %select_n3A_628, %min3A_619 : vector<24x256xf32>
      %jit3A_633 = arith.constant 2 : i32
      %broadcast_in_dim3A_634 = vector.broadcast %jit3A_633 : i32 to vector<24x256xi32>
      %select_n3A_635 = arith.select %lt3A_632, %broadcast_in_dim3A_634, %select_n3A_618 : vector<24x256xi1>, vector<24x256xi32>
      %min3A_636 = arith.minimumf %min3A_619, %select_n3A_628 : vector<24x256xf32>
      %get3A_637 = arith.constant 0 : index
      %get3A_638 = arith.constant 768 : index
      %get3A_639 = vector.load %arg4[%get3A_637, %get3A_638] : memref<24x16384xf32, #tpu.memory_space<vmem>>, vector<24x256xf32>
      %eq3A_640 = arith.constant 3 : i32
      %eq3A_641 = vector.broadcast %eq3A_640 : i32 to vector<24x256xi32>
      %eq3A_642 = arith.cmpi eq, %while3A_564, %eq3A_641 : vector<24x256xi32>
      %jit3A_643 = arith.constant 1.000000e+30 : f32
      %broadcast_in_dim3A_644 = vector.broadcast %jit3A_643 : f32 to vector<24x256xf32>
      %select_n3A_645 = arith.select %eq3A_642, %broadcast_in_dim3A_644, %get3A_639 : vector<24x256xi1>, vector<24x256xf32>
      %swap3A_646 = arith.constant 0 : index
      %swap3A_647 = arith.constant 768 : index
      %swap3A_648 = vector.load %arg4[%swap3A_646, %swap3A_647] : memref<24x16384xf32, #tpu.memory_space<vmem>>, vector<24x256xf32>
      tpu.vector_store %arg4[%swap3A_646, %swap3A_647], %select_n3A_645 {strides = array<i32>} : memref<24x16384xf32, #tpu.memory_space<vmem>>, vector<24x256xf32>,
      %lt3A_649 = arith.cmpf olt, %select_n3A_645, %min3A_636 : vector<24x256xf32>
      %jit3A_650 = arith.constant 3 : i32
      %broadcast_in_dim3A_651 = vector.broadcast %jit3A_650 : i32 to vector<24x256xi32>
      %select_n3A_652 = arith.select %lt3A_649, %broadcast_in_dim3A_651, %select_n3A_635 : vector<24x256xi1>, vector<24x256xi32>
      %min3A_653 = arith.minimumf %min3A_636, %select_n3A_645 : vector<24x256xf32>
      %get3A_654 = arith.constant 0 : index
      %get3A_655 = arith.constant 1024 : index
      %get3A_656 = vector.load %arg4[%get3A_654, %get3A_655] : memref<24x16384xf32, #tpu.memory_space<vmem>>, vector<24x256xf32>
      %eq3A_657 = arith.constant 4 : i32
      %eq3A_658 = vector.broadcast %eq3A_657 : i32 to vector<24x256xi32>
      %eq3A_659 = arith.cmpi eq, %while3A_564, %eq3A_658 : vector<24x256xi32>
      %jit3A_660 = arith.constant 1.000000e+30 : f32
      %broadcast_in_dim3A_661 = vector.broadcast %jit3A_660 : f32 to vector<24x256xf32>
      %select_n3A_662 = arith.select %eq3A_659, %broadcast_in_dim3A_661, %get3A_656 : vector<24x256xi1>, vector<24x256xf32>
      %swap3A_663 = arith.constant 0 : index
      %swap3A_664 = arith.constant 1024 : index
      %swap3A_665 = vector.load %arg4[%swap3A_663, %swap3A_664] : memref<24x16384xf32, #tpu.memory_space<vmem>>, vector<24x256xf32>
      tpu.vector_store %arg4[%swap3A_663, %swap3A_664], %select_n3A_662 {strides = array<i32>} : memref<24x16384xf32, #tpu.memory_space<vmem>>, vector<24x256xf32>,
      %lt3A_666 = arith.cmpf olt, %select_n3A_662, %min3A_653 : vector<24x256xf32>
      %jit3A_667 = arith.constant 4 : i32
      %broadcast_in_dim3A_668 = vector.broadcast %jit3A_667 : i32 to vector<24x256xi32>
      %select_n3A_669 = arith.select %lt3A_666, %broadcast_in_dim3A_668, %select_n3A_652 : vector<24x256xi1>, vector<24x256xi32>
      %min3A_670 = arith.minimumf %min3A_653, %select_n3A_662 : vector<24x256xf32>
      %get3A_671 = arith.constant 0 : index
      %get3A_672 = arith.constant 1280 : index
      %get3A_673 = vector.load %arg4[%get3A_671, %get3A_672] : memref<24x16384xf32, #tpu.memory_space<vmem>>, vector<24x256xf32>
      %eq3A_674 = arith.constant 5 : i32
      %eq3A_675 = vector.broadcast %eq3A_674 : i32 to vector<24x256xi32>
      %eq3A_676 = arith.cmpi eq, %while3A_564, %eq3A_675 : vector<24x256xi32>
      %jit3A_677 = arith.constant 1.000000e+30 : f32
      %broadcast_in_dim3A_678 = vector.broadcast %jit3A_677 : f32 to vector<24x256xf32>
      %select_n3A_679 = arith.select %eq3A_676, %broadcast_in_dim3A_678, %get3A_673 : vector<24x256xi1>, vector<24x256xf32>
      %swap3A_680 = arith.constant 0 : index
      %swap3A_681 = arith.constant 1280 : index
      %swap3A_682 = vector.load %arg4[%swap3A_680, %swap3A_681] : memref<24x16384xf32, #tpu.memory_space<vmem>>, vector<24x256xf32>
      tpu.vector_store %arg4[%swap3A_680, %swap3A_681], %select_n3A_679 {strides = array<i32>} : memref<24x16384xf32, #tpu.memory_space<vmem>>, vector<24x256xf32>,
      %lt3A_683 = arith.cmpf olt, %select_n3A_679, %min3A_670 : vector<24x256xf32>
      %jit3A_684 = arith.constant 5 : i32
      %broadcast_in_dim3A_685 = vector.broadcast %jit3A_684 : i32 to vector<24x256xi32>
      %select_n3A_686 = arith.select %lt3A_683, %broadcast_in_dim3A_685, %select_n3A_669 : vector<24x256xi1>, vector<24x256xi32>
      %min3A_687 = arith.minimumf %min3A_670, %select_n3A_679 : vector<24x256xf32>
      %get3A_688 = arith.constant 0 : index
      %get3A_689 = arith.constant 1536 : index
      %get3A_690 = vector.load %arg4[%get3A_688, %get3A_689] : memref<24x16384xf32, #tpu.memory_space<vmem>>, vector<24x256xf32>
      %eq3A_691 = arith.constant 6 : i32
      %eq3A_692 = vector.broadcast %eq3A_691 : i32 to vector<24x256xi32>
      %eq3A_693 = arith.cmpi eq, %while3A_564, %eq3A_692 : vector<24x256xi32>
      %jit3A_694 = arith.constant 1.000000e+30 : f32
      %broadcast_in_dim3A_695 = vector.broadcast %jit3A_694 : f32 to vector<24x256xf32>
      %select_n3A_696 = arith.select %eq3A_693, %broadcast_in_dim3A_695, %get3A_690 : vector<24x256xi1>, vector<24x256xf32>
      %swap3A_697 = arith.constant 0 : index
      %swap3A_698 = arith.constant 1536 : index
      %swap3A_699 = vector.load %arg4[%swap3A_697, %swap3A_698] : memref<24x16384xf32, #tpu.memory_space<vmem>>, vector<24x256xf32>
      tpu.vector_store %arg4[%swap3A_697, %swap3A_698], %select_n3A_696 {strides = array<i32>} : memref<24x16384xf32, #tpu.memory_space<vmem>>, vector<24x256xf32>,
      %lt3A_700 = arith.cmpf olt, %select_n3A_696, %min3A_687 : vector<24x256xf32>
      %jit3A_701 = arith.constant 6 : i32
      %broadcast_in_dim3A_702 = vector.broadcast %jit3A_701 : i32 to vector<24x256xi32>
      %select_n3A_703 = arith.select %lt3A_700, %broadcast_in_dim3A_702, %select_n3A_686 : vector<24x256xi1>, vector<24x256xi32>
      %min3A_704 = arith.minimumf %min3A_687, %select_n3A_696 : vector<24x256xf32>
      %get3A_705 = arith.constant 0 : index
      %get3A_706 = arith.constant 1792 : index
      %get3A_707 = vector.load %arg4[%get3A_705, %get3A_706] : memref<24x16384xf32, #tpu.memory_space<vmem>>, vector<24x256xf32>
      %eq3A_708 = arith.constant 7 : i32
      %eq3A_709 = vector.broadcast %eq3A_708 : i32 to vector<24x256xi32>
      %eq3A_710 = arith.cmpi eq, %while3A_564, %eq3A_709 : vector<24x256xi32>
      %jit3A_711 = arith.constant 1.000000e+30 : f32
      %broadcast_in_dim3A_712 = vector.broadcast %jit3A_711 : f32 to vector<24x256xf32>
      %select_n3A_713 = arith.select %eq3A_710, %broadcast_in_dim3A_712, %get3A_707 : vector<24x256xi1>, vector<24x256xf32>
      %swap3A_714 = arith.constant 0 : index
      %swap3A_715 = arith.constant 1792 : index
      %swap3A_716 = vector.load %arg4[%swap3A_714, %swap3A_715] : memref<24x16384xf32, #tpu.memory_space<vmem>>, vector<24x256xf32>
      tpu.vector_store %arg4[%swap3A_714, %swap3A_715], %select_n3A_713 {strides = array<i32>} : memref<24x16384xf32, #tpu.memory_space<vmem>>, vector<24x256xf32>,
      %lt3A_717 = arith.cmpf olt, %select_n3A_713, %min3A_704 : vector<24x256xf32>
      %jit3A_718 = arith.constant 7 : i32
      %broadcast_in_dim3A_719 = vector.broadcast %jit3A_718 : i32 to vector<24x256xi32>
      %select_n3A_720 = arith.select %lt3A_717, %broadcast_in_dim3A_719, %select_n3A_703 : vector<24x256xi1>, vector<24x256xi32>
      %min3A_721 = arith.minimumf %min3A_704, %select_n3A_713 : vector<24x256xf32>
      %get3A_722 = arith.constant 0 : index
      %get3A_723 = arith.constant 2048 : index
      %get3A_724 = vector.load %arg4[%get3A_722, %get3A_723] : memref<24x16384xf32, #tpu.memory_space<vmem>>, vector<24x256xf32>
      %eq3A_725 = arith.constant 8 : i32
      %eq3A_726 = vector.broadcast %eq3A_725 : i32 to vector<24x256xi32>
      %eq3A_727 = arith.cmpi eq, %while3A_564, %eq3A_726 : vector<24x256xi32>
      %jit3A_728 = arith.constant 1.000000e+30 : f32
      %broadcast_in_dim3A_729 = vector.broadcast %jit3A_728 : f32 to vector<24x256xf32>
      %select_n3A_730 = arith.select %eq3A_727, %broadcast_in_dim3A_729, %get3A_724 : vector<24x256xi1>, vector<24x256xf32>
      %swap3A_731 = arith.constant 0 : index
      %swap3A_732 = arith.constant 2048 : index
      %swap3A_733 = vector.load %arg4[%swap3A_731, %swap3A_732] : memref<24x16384xf32, #tpu.memory_space<vmem>>, vector<24x256xf32>
      tpu.vector_store %arg4[%swap3A_731, %swap3A_732], %select_n3A_730 {strides = array<i32>} : memref<24x16384xf32, #tpu.memory_space<vmem>>, vector<24x256xf32>,
      %lt3A_734 = arith.cmpf olt, %select_n3A_730, %min3A_721 : vector<24x256xf32>
      %jit3A_735 = arith.constant 8 : i32
      %broadcast_in_dim3A_736 = vector.broadcast %jit3A_735 : i32 to vector<24x256xi32>
      %select_n3A_737 = arith.select %lt3A_734, %broadcast_in_dim3A_736, %select_n3A_720 : vector<24x256xi1>, vector<24x256xi32>
      %min3A_738 = arith.minimumf %min3A_721, %select_n3A_730 : vector<24x256xf32>
      %get3A_739 = arith.constant 0 : index
      %get3A_740 = arith.constant 2304 : index
      %get3A_741 = vector.load %arg4[%get3A_739, %get3A_740] : memref<24x16384xf32, #tpu.memory_space<vmem>>, vector<24x256xf32>
      %eq3A_742 = arith.constant 9 : i32
      %eq3A_743 = vector.broadcast %eq3A_742 : i32 to vector<24x256xi32>
      %eq3A_744 = arith.cmpi eq, %while3A_564, %eq3A_743 : vector<24x256xi32>
      %jit3A_745 = arith.constant 1.000000e+30 : f32
      %broadcast_in_dim3A_746 = vector.broadcast %jit3A_745 : f32 to vector<24x256xf32>
      %select_n3A_747 = arith.select %eq3A_744, %broadcast_in_dim3A_746, %get3A_741 : vector<24x256xi1>, vector<24x256xf32>
      %swap3A_748 = arith.constant 0 : index
      %swap3A_749 = arith.constant 2304 : index
      %swap3A_750 = vector.load %arg4[%swap3A_748, %swap3A_749] : memref<24x16384xf32, #tpu.memory_space<vmem>>, vector<24x256xf32>
      tpu.vector_store %arg4[%swap3A_748, %swap3A_749], %select_n3A_747 {strides = array<i32>} : memref<24x16384xf32, #tpu.memory_space<vmem>>, vector<24x256xf32>,
      %lt3A_751 = arith.cmpf olt, %select_n3A_747, %min3A_738 : vector<24x256xf32>
      %jit3A_752 = arith.constant 9 : i32
      %broadcast_in_dim3A_753 = vector.broadcast %jit3A_752 : i32 to vector<24x256xi32>
      %select_n3A_754 = arith.select %lt3A_751, %broadcast_in_dim3A_753, %select_n3A_737 : vector<24x256xi1>, vector<24x256xi32>
      %min3A_755 = arith.minimumf %min3A_738, %select_n3A_747 : vector<24x256xf32>
      %get3A_756 = arith.constant 0 : index
      %get3A_757 = arith.constant 2560 : index
      %get3A_758 = vector.load %arg4[%get3A_756, %get3A_757] : memref<24x16384xf32, #tpu.memory_space<vmem>>, vector<24x256xf32>
      %eq3A_759 = arith.constant 10 : i32
      %eq3A_760 = vector.broadcast %eq3A_759 : i32 to vector<24x256xi32>
      %eq3A_761 = arith.cmpi eq, %while3A_564, %eq3A_760 : vector<24x256xi32>
      %jit3A_762 = arith.constant 1.000000e+30 : f32
      %broadcast_in_dim3A_763 = vector.broadcast %jit3A_762 : f32 to vector<24x256xf32>
      %select_n3A_764 = arith.select %eq3A_761, %broadcast_in_dim3A_763, %get3A_758 : vector<24x256xi1>, vector<24x256xf32>
      %swap3A_765 = arith.constant 0 : index
      %swap3A_766 = arith.constant 2560 : index
      %swap3A_767 = vector.load %arg4[%swap3A_765, %swap3A_766] : memref<24x16384xf32, #tpu.memory_space<vmem>>, vector<24x256xf32>
      tpu.vector_store %arg4[%swap3A_765, %swap3A_766], %select_n3A_764 {strides = array<i32>} : memref<24x16384xf32, #tpu.memory_space<vmem>>, vector<24x256xf32>,
      %lt3A_768 = arith.cmpf olt, %select_n3A_764, %min3A_755 : vector<24x256xf32>
      %jit3A_769 = arith.constant 10 : i32
      %broadcast_in_dim3A_770 = vector.broadcast %jit3A_769 : i32 to vector<24x256xi32>
      %select_n3A_771 = arith.select %lt3A_768, %broadcast_in_dim3A_770, %select_n3A_754 : vector<24x256xi1>, vector<24x256xi32>
      %min3A_772 = arith.minimumf %min3A_755, %select_n3A_764 : vector<24x256xf32>
      %get3A_773 = arith.constant 0 : index
      %get3A_774 = arith.constant 2816 : index
      %get3A_775 = vector.load %arg4[%get3A_773, %get3A_774] : memref<24x16384xf32, #tpu.memory_space<vmem>>, vector<24x256xf32>
      %eq3A_776 = arith.constant 11 : i32
      %eq3A_777 = vector.broadcast %eq3A_776 : i32 to vector<24x256xi32>
      %eq3A_778 = arith.cmpi eq, %while3A_564, %eq3A_777 : vector<24x256xi32>
      %jit3A_779 = arith.constant 1.000000e+30 : f32
      %broadcast_in_dim3A_780 = vector.broadcast %jit3A_779 : f32 to vector<24x256xf32>
      %select_n3A_781 = arith.select %eq3A_778, %broadcast_in_dim3A_780, %get3A_775 : vector<24x256xi1>, vector<24x256xf32>
      %swap3A_782 = arith.constant 0 : index
      %swap3A_783 = arith.constant 2816 : index
      %swap3A_784 = vector.load %arg4[%swap3A_782, %swap3A_783] : memref<24x16384xf32, #tpu.memory_space<vmem>>, vector<24x256xf32>
      tpu.vector_store %arg4[%swap3A_782, %swap3A_783], %select_n3A_781 {strides = array<i32>} : memref<24x16384xf32, #tpu.memory_space<vmem>>, vector<24x256xf32>,
      %lt3A_785 = arith.cmpf olt, %select_n3A_781, %min3A_772 : vector<24x256xf32>
      %jit3A_786 = arith.constant 11 : i32
      %broadcast_in_dim3A_787 = vector.broadcast %jit3A_786 : i32 to vector<24x256xi32>
      %select_n3A_788 = arith.select %lt3A_785, %broadcast_in_dim3A_787, %select_n3A_771 : vector<24x256xi1>, vector<24x256xi32>
      %min3A_789 = arith.minimumf %min3A_772, %select_n3A_781 : vector<24x256xf32>
      %get3A_790 = arith.constant 0 : index
      %get3A_791 = arith.constant 3072 : index
      %get3A_792 = vector.load %arg4[%get3A_790, %get3A_791] : memref<24x16384xf32, #tpu.memory_space<vmem>>, vector<24x256xf32>
      %eq3A_793 = arith.constant 12 : i32
      %eq3A_794 = vector.broadcast %eq3A_793 : i32 to vector<24x256xi32>
      %eq3A_795 = arith.cmpi eq, %while3A_564, %eq3A_794 : vector<24x256xi32>
      %jit3A_796 = arith.constant 1.000000e+30 : f32
      %broadcast_in_dim3A_797 = vector.broadcast %jit3A_796 : f32 to vector<24x256xf32>
      %select_n3A_798 = arith.select %eq3A_795, %broadcast_in_dim3A_797, %get3A_792 : vector<24x256xi1>, vector<24x256xf32>
      %swap3A_799 = arith.constant 0 : index
      %swap3A_800 = arith.constant 3072 : index
      %swap3A_801 = vector.load %arg4[%swap3A_799, %swap3A_800] : memref<24x16384xf32, #tpu.memory_space<vmem>>, vector<24x256xf32>
      tpu.vector_store %arg4[%swap3A_799, %swap3A_800], %select_n3A_798 {strides = array<i32>} : memref<24x16384xf32, #tpu.memory_space<vmem>>, vector<24x256xf32>,
      %lt3A_802 = arith.cmpf olt, %select_n3A_798, %min3A_789 : vector<24x256xf32>
      %jit3A_803 = arith.constant 12 : i32
      %broadcast_in_dim3A_804 = vector.broadcast %jit3A_803 : i32 to vector<24x256xi32>
      %select_n3A_805 = arith.select %lt3A_802, %broadcast_in_dim3A_804, %select_n3A_788 : vector<24x256xi1>, vector<24x256xi32>
      %min3A_806 = arith.minimumf %min3A_789, %select_n3A_798 : vector<24x256xf32>
      %get3A_807 = arith.constant 0 : index
      %get3A_808 = arith.constant 3328 : index
      %get3A_809 = vector.load %arg4[%get3A_807, %get3A_808] : memref<24x16384xf32, #tpu.memory_space<vmem>>, vector<24x256xf32>
      %eq3A_810 = arith.constant 13 : i32
      %eq3A_811 = vector.broadcast %eq3A_810 : i32 to vector<24x256xi32>
      %eq3A_812 = arith.cmpi eq, %while3A_564, %eq3A_811 : vector<24x256xi32>
      %jit3A_813 = arith.constant 1.000000e+30 : f32
      %broadcast_in_dim3A_814 = vector.broadcast %jit3A_813 : f32 to vector<24x256xf32>
      %select_n3A_815 = arith.select %eq3A_812, %broadcast_in_dim3A_814, %get3A_809 : vector<24x256xi1>, vector<24x256xf32>
      %swap3A_816 = arith.constant 0 : index
      %swap3A_817 = arith.constant 3328 : index
      %swap3A_818 = vector.load %arg4[%swap3A_816, %swap3A_817] : memref<24x16384xf32, #tpu.memory_space<vmem>>, vector<24x256xf32>
      tpu.vector_store %arg4[%swap3A_816, %swap3A_817], %select_n3A_815 {strides = array<i32>} : memref<24x16384xf32, #tpu.memory_space<vmem>>, vector<24x256xf32>,
      %lt3A_819 = arith.cmpf olt, %select_n3A_815, %min3A_806 : vector<24x256xf32>
      %jit3A_820 = arith.constant 13 : i32
      %broadcast_in_dim3A_821 = vector.broadcast %jit3A_820 : i32 to vector<24x256xi32>
      %select_n3A_822 = arith.select %lt3A_819, %broadcast_in_dim3A_821, %select_n3A_805 : vector<24x256xi1>, vector<24x256xi32>
      %min3A_823 = arith.minimumf %min3A_806, %select_n3A_815 : vector<24x256xf32>
      %get3A_824 = arith.constant 0 : index
      %get3A_825 = arith.constant 3584 : index
      %get3A_826 = vector.load %arg4[%get3A_824, %get3A_825] : memref<24x16384xf32, #tpu.memory_space<vmem>>, vector<24x256xf32>
      %eq3A_827 = arith.constant 14 : i32
      %eq3A_828 = vector.broadcast %eq3A_827 : i32 to vector<24x256xi32>
      %eq3A_829 = arith.cmpi eq, %while3A_564, %eq3A_828 : vector<24x256xi32>
      %jit3A_830 = arith.constant 1.000000e+30 : f32
      %broadcast_in_dim3A_831 = vector.broadcast %jit3A_830 : f32 to vector<24x256xf32>
      %select_n3A_832 = arith.select %eq3A_829, %broadcast_in_dim3A_831, %get3A_826 : vector<24x256xi1>, vector<24x256xf32>
      %swap3A_833 = arith.constant 0 : index
      %swap3A_834 = arith.constant 3584 : index
      %swap3A_835 = vector.load %arg4[%swap3A_833, %swap3A_834] : memref<24x16384xf32, #tpu.memory_space<vmem>>, vector<24x256xf32>
      tpu.vector_store %arg4[%swap3A_833, %swap3A_834], %select_n3A_832 {strides = array<i32>} : memref<24x16384xf32, #tpu.memory_space<vmem>>, vector<24x256xf32>,
      %lt3A_836 = arith.cmpf olt, %select_n3A_832, %min3A_823 : vector<24x256xf32>
      %jit3A_837 = arith.constant 14 : i32
      %broadcast_in_dim3A_838 = vector.broadcast %jit3A_837 : i32 to vector<24x256xi32>
      %select_n3A_839 = arith.select %lt3A_836, %broadcast_in_dim3A_838, %select_n3A_822 : vector<24x256xi1>, vector<24x256xi32>
      %min3A_840 = arith.minimumf %min3A_823, %select_n3A_832 : vector<24x256xf32>
      %get3A_841 = arith.constant 0 : index
      %get3A_842 = arith.constant 3840 : index
      %get3A_843 = vector.load %arg4[%get3A_841, %get3A_842] : memref<24x16384xf32, #tpu.memory_space<vmem>>, vector<24x256xf32>
      %eq3A_844 = arith.constant 15 : i32
      %eq3A_845 = vector.broadcast %eq3A_844 : i32 to vector<24x256xi32>
      %eq3A_846 = arith.cmpi eq, %while3A_564, %eq3A_845 : vector<24x256xi32>
      %jit3A_847 = arith.constant 1.000000e+30 : f32
      %broadcast_in_dim3A_848 = vector.broadcast %jit3A_847 : f32 to vector<24x256xf32>
      %select_n3A_849 = arith.select %eq3A_846, %broadcast_in_dim3A_848, %get3A_843 : vector<24x256xi1>, vector<24x256xf32>
      %swap3A_850 = arith.constant 0 : index
      %swap3A_851 = arith.constant 3840 : index
      %swap3A_852 = vector.load %arg4[%swap3A_850, %swap3A_851] : memref<24x16384xf32, #tpu.memory_space<vmem>>, vector<24x256xf32>
      tpu.vector_store %arg4[%swap3A_850, %swap3A_851], %select_n3A_849 {strides = array<i32>} : memref<24x16384xf32, #tpu.memory_space<vmem>>, vector<24x256xf32>,
      %lt3A_853 = arith.cmpf olt, %select_n3A_849, %min3A_840 : vector<24x256xf32>
      %jit3A_854 = arith.constant 15 : i32
      %broadcast_in_dim3A_855 = vector.broadcast %jit3A_854 : i32 to vector<24x256xi32>
      %select_n3A_856 = arith.select %lt3A_853, %broadcast_in_dim3A_855, %select_n3A_839 : vector<24x256xi1>, vector<24x256xi32>
      %min3A_857 = arith.minimumf %min3A_840, %select_n3A_849 : vector<24x256xf32>
      %get3A_858 = arith.constant 0 : index
      %get3A_859 = arith.constant 4096 : index
      %get3A_860 = vector.load %arg4[%get3A_858, %get3A_859] : memref<24x16384xf32, #tpu.memory_space<vmem>>, vector<24x256xf32>
      %eq3A_861 = arith.constant 16 : i32
      %eq3A_862 = vector.broadcast %eq3A_861 : i32 to vector<24x256xi32>
      %eq3A_863 = arith.cmpi eq, %while3A_564, %eq3A_862 : vector<24x256xi32>
      %jit3A_864 = arith.constant 1.000000e+30 : f32
      %broadcast_in_dim3A_865 = vector.broadcast %jit3A_864 : f32 to vector<24x256xf32>
      %select_n3A_866 = arith.select %eq3A_863, %broadcast_in_dim3A_865, %get3A_860 : vector<24x256xi1>, vector<24x256xf32>
      %swap3A_867 = arith.constant 0 : index
      %swap3A_868 = arith.constant 4096 : index
      %swap3A_869 = vector.load %arg4[%swap3A_867, %swap3A_868] : memref<24x16384xf32, #tpu.memory_space<vmem>>, vector<24x256xf32>
      tpu.vector_store %arg4[%swap3A_867, %swap3A_868], %select_n3A_866 {strides = array<i32>} : memref<24x16384xf32, #tpu.memory_space<vmem>>, vector<24x256xf32>,
      %lt3A_870 = arith.cmpf olt, %select_n3A_866, %min3A_857 : vector<24x256xf32>
      %jit3A_871 = arith.constant 16 : i32
      %broadcast_in_dim3A_872 = vector.broadcast %jit3A_871 : i32 to vector<24x256xi32>
      %select_n3A_873 = arith.select %lt3A_870, %broadcast_in_dim3A_872, %select_n3A_856 : vector<24x256xi1>, vector<24x256xi32>
      %min3A_874 = arith.minimumf %min3A_857, %select_n3A_866 : vector<24x256xf32>
      %get3A_875 = arith.constant 0 : index
      %get3A_876 = arith.constant 4352 : index
      %get3A_877 = vector.load %arg4[%get3A_875, %get3A_876] : memref<24x16384xf32, #tpu.memory_space<vmem>>, vector<24x256xf32>
      %eq3A_878 = arith.constant 17 : i32
      %eq3A_879 = vector.broadcast %eq3A_878 : i32 to vector<24x256xi32>
      %eq3A_880 = arith.cmpi eq, %while3A_564, %eq3A_879 : vector<24x256xi32>
      %jit3A_881 = arith.constant 1.000000e+30 : f32
      %broadcast_in_dim3A_882 = vector.broadcast %jit3A_881 : f32 to vector<24x256xf32>
      %select_n3A_883 = arith.select %eq3A_880, %broadcast_in_dim3A_882, %get3A_877 : vector<24x256xi1>, vector<24x256xf32>
      %swap3A_884 = arith.constant 0 : index
      %swap3A_885 = arith.constant 4352 : index
      %swap3A_886 = vector.load %arg4[%swap3A_884, %swap3A_885] : memref<24x16384xf32, #tpu.memory_space<vmem>>, vector<24x256xf32>
      tpu.vector_store %arg4[%swap3A_884, %swap3A_885], %select_n3A_883 {strides = array<i32>} : memref<24x16384xf32, #tpu.memory_space<vmem>>, vector<24x256xf32>,
      %lt3A_887 = arith.cmpf olt, %select_n3A_883, %min3A_874 : vector<24x256xf32>
      %jit3A_888 = arith.constant 17 : i32
      %broadcast_in_dim3A_889 = vector.broadcast %jit3A_888 : i32 to vector<24x256xi32>
      %select_n3A_890 = arith.select %lt3A_887, %broadcast_in_dim3A_889, %select_n3A_873 : vector<24x256xi1>, vector<24x256xi32>
      %min3A_891 = arith.minimumf %min3A_874, %select_n3A_883 : vector<24x256xf32>
      %get3A_892 = arith.constant 0 : index
      %get3A_893 = arith.constant 4608 : index
      %get3A_894 = vector.load %arg4[%get3A_892, %get3A_893] : memref<24x16384xf32, #tpu.memory_space<vmem>>, vector<24x256xf32>
      %eq3A_895 = arith.constant 18 : i32
      %eq3A_896 = vector.broadcast %eq3A_895 : i32 to vector<24x256xi32>
      %eq3A_897 = arith.cmpi eq, %while3A_564, %eq3A_896 : vector<24x256xi32>
      %jit3A_898 = arith.constant 1.000000e+30 : f32
      %broadcast_in_dim3A_899 = vector.broadcast %jit3A_898 : f32 to vector<24x256xf32>
      %select_n3A_900 = arith.select %eq3A_897, %broadcast_in_dim3A_899, %get3A_894 : vector<24x256xi1>, vector<24x256xf32>
      %swap3A_901 = arith.constant 0 : index
      %swap3A_902 = arith.constant 4608 : index
      %swap3A_903 = vector.load %arg4[%swap3A_901, %swap3A_902] : memref<24x16384xf32, #tpu.memory_space<vmem>>, vector<24x256xf32>
      tpu.vector_store %arg4[%swap3A_901, %swap3A_902], %select_n3A_900 {strides = array<i32>} : memref<24x16384xf32, #tpu.memory_space<vmem>>, vector<24x256xf32>,
      %lt3A_904 = arith.cmpf olt, %select_n3A_900, %min3A_891 : vector<24x256xf32>
      %jit3A_905 = arith.constant 18 : i32
      %broadcast_in_dim3A_906 = vector.broadcast %jit3A_905 : i32 to vector<24x256xi32>
      %select_n3A_907 = arith.select %lt3A_904, %broadcast_in_dim3A_906, %select_n3A_890 : vector<24x256xi1>, vector<24x256xi32>
      %min3A_908 = arith.minimumf %min3A_891, %select_n3A_900 : vector<24x256xf32>
      %get3A_909 = arith.constant 0 : index
      %get3A_910 = arith.constant 4864 : index
      %get3A_911 = vector.load %arg4[%get3A_909, %get3A_910] : memref<24x16384xf32, #tpu.memory_space<vmem>>, vector<24x256xf32>
      %eq3A_912 = arith.constant 19 : i32
      %eq3A_913 = vector.broadcast %eq3A_912 : i32 to vector<24x256xi32>
      %eq3A_914 = arith.cmpi eq, %while3A_564, %eq3A_913 : vector<24x256xi32>
      %jit3A_915 = arith.constant 1.000000e+30 : f32
      %broadcast_in_dim3A_916 = vector.broadcast %jit3A_915 : f32 to vector<24x256xf32>
      %select_n3A_917 = arith.select %eq3A_914, %broadcast_in_dim3A_916, %get3A_911 : vector<24x256xi1>, vector<24x256xf32>
      %swap3A_918 = arith.constant 0 : index
      %swap3A_919 = arith.constant 4864 : index
      %swap3A_920 = vector.load %arg4[%swap3A_918, %swap3A_919] : memref<24x16384xf32, #tpu.memory_space<vmem>>, vector<24x256xf32>
      tpu.vector_store %arg4[%swap3A_918, %swap3A_919], %select_n3A_917 {strides = array<i32>} : memref<24x16384xf32, #tpu.memory_space<vmem>>, vector<24x256xf32>,
      %lt3A_921 = arith.cmpf olt, %select_n3A_917, %min3A_908 : vector<24x256xf32>
      %jit3A_922 = arith.constant 19 : i32
      %broadcast_in_dim3A_923 = vector.broadcast %jit3A_922 : i32 to vector<24x256xi32>
      %select_n3A_924 = arith.select %lt3A_921, %broadcast_in_dim3A_923, %select_n3A_907 : vector<24x256xi1>, vector<24x256xi32>
      %min3A_925 = arith.minimumf %min3A_908, %select_n3A_917 : vector<24x256xf32>
      %get3A_926 = arith.constant 0 : index
      %get3A_927 = arith.constant 5120 : index
      %get3A_928 = vector.load %arg4[%get3A_926, %get3A_927] : memref<24x16384xf32, #tpu.memory_space<vmem>>, vector<24x256xf32>
      %eq3A_929 = arith.constant 20 : i32
      %eq3A_930 = vector.broadcast %eq3A_929 : i32 to vector<24x256xi32>
      %eq3A_931 = arith.cmpi eq, %while3A_564, %eq3A_930 : vector<24x256xi32>
      %jit3A_932 = arith.constant 1.000000e+30 : f32
      %broadcast_in_dim3A_933 = vector.broadcast %jit3A_932 : f32 to vector<24x256xf32>
      %select_n3A_934 = arith.select %eq3A_931, %broadcast_in_dim3A_933, %get3A_928 : vector<24x256xi1>, vector<24x256xf32>
      %swap3A_935 = arith.constant 0 : index
      %swap3A_936 = arith.constant 5120 : index
      %swap3A_937 = vector.load %arg4[%swap3A_935, %swap3A_936] : memref<24x16384xf32, #tpu.memory_space<vmem>>, vector<24x256xf32>
      tpu.vector_store %arg4[%swap3A_935, %swap3A_936], %select_n3A_934 {strides = array<i32>} : memref<24x16384xf32, #tpu.memory_space<vmem>>, vector<24x256xf32>,
      %lt3A_938 = arith.cmpf olt, %select_n3A_934, %min3A_925 : vector<24x256xf32>
      %jit3A_939 = arith.constant 20 : i32
      %broadcast_in_dim3A_940 = vector.broadcast %jit3A_939 : i32 to vector<24x256xi32>
      %select_n3A_941 = arith.select %lt3A_938, %broadcast_in_dim3A_940, %select_n3A_924 : vector<24x256xi1>, vector<24x256xi32>
      %min3A_942 = arith.minimumf %min3A_925, %select_n3A_934 : vector<24x256xf32>
      %get3A_943 = arith.constant 0 : index
      %get3A_944 = arith.constant 5376 : index
      %get3A_945 = vector.load %arg4[%get3A_943, %get3A_944] : memref<24x16384xf32, #tpu.memory_space<vmem>>, vector<24x256xf32>
      %eq3A_946 = arith.constant 21 : i32
      %eq3A_947 = vector.broadcast %eq3A_946 : i32 to vector<24x256xi32>
      %eq3A_948 = arith.cmpi eq, %while3A_564, %eq3A_947 : vector<24x256xi32>
      %jit3A_949 = arith.constant 1.000000e+30 : f32
      %broadcast_in_dim3A_950 = vector.broadcast %jit3A_949 : f32 to vector<24x256xf32>
      %select_n3A_951 = arith.select %eq3A_948, %broadcast_in_dim3A_950, %get3A_945 : vector<24x256xi1>, vector<24x256xf32>
      %swap3A_952 = arith.constant 0 : index
      %swap3A_953 = arith.constant 5376 : index
      %swap3A_954 = vector.load %arg4[%swap3A_952, %swap3A_953] : memref<24x16384xf32, #tpu.memory_space<vmem>>, vector<24x256xf32>
      tpu.vector_store %arg4[%swap3A_952, %swap3A_953], %select_n3A_951 {strides = array<i32>} : memref<24x16384xf32, #tpu.memory_space<vmem>>, vector<24x256xf32>,
      %lt3A_955 = arith.cmpf olt, %select_n3A_951, %min3A_942 : vector<24x256xf32>
      %jit3A_956 = arith.constant 21 : i32
      %broadcast_in_dim3A_957 = vector.broadcast %jit3A_956 : i32 to vector<24x256xi32>
      %select_n3A_958 = arith.select %lt3A_955, %broadcast_in_dim3A_957, %select_n3A_941 : vector<24x256xi1>, vector<24x256xi32>
      %min3A_959 = arith.minimumf %min3A_942, %select_n3A_951 : vector<24x256xf32>
      %get3A_960 = arith.constant 0 : index
      %get3A_961 = arith.constant 5632 : index
      %get3A_962 = vector.load %arg4[%get3A_960, %get3A_961] : memref<24x16384xf32, #tpu.memory_space<vmem>>, vector<24x256xf32>
      %eq3A_963 = arith.constant 22 : i32
      %eq3A_964 = vector.broadcast %eq3A_963 : i32 to vector<24x256xi32>
      %eq3A_965 = arith.cmpi eq, %while3A_564, %eq3A_964 : vector<24x256xi32>
      %jit3A_966 = arith.constant 1.000000e+30 : f32
      %broadcast_in_dim3A_967 = vector.broadcast %jit3A_966 : f32 to vector<24x256xf32>
      %select_n3A_968 = arith.select %eq3A_965, %broadcast_in_dim3A_967, %get3A_962 : vector<24x256xi1>, vector<24x256xf32>
      %swap3A_969 = arith.constant 0 : index
      %swap3A_970 = arith.constant 5632 : index
      %swap3A_971 = vector.load %arg4[%swap3A_969, %swap3A_970] : memref<24x16384xf32, #tpu.memory_space<vmem>>, vector<24x256xf32>
      tpu.vector_store %arg4[%swap3A_969, %swap3A_970], %select_n3A_968 {strides = array<i32>} : memref<24x16384xf32, #tpu.memory_space<vmem>>, vector<24x256xf32>,
      %lt3A_972 = arith.cmpf olt, %select_n3A_968, %min3A_959 : vector<24x256xf32>
      %jit3A_973 = arith.constant 22 : i32
      %broadcast_in_dim3A_974 = vector.broadcast %jit3A_973 : i32 to vector<24x256xi32>
      %select_n3A_975 = arith.select %lt3A_972, %broadcast_in_dim3A_974, %select_n3A_958 : vector<24x256xi1>, vector<24x256xi32>
      %min3A_976 = arith.minimumf %min3A_959, %select_n3A_968 : vector<24x256xf32>
      %get3A_977 = arith.constant 0 : index
      %get3A_978 = arith.constant 5888 : index
      %get3A_979 = vector.load %arg4[%get3A_977, %get3A_978] : memref<24x16384xf32, #tpu.memory_space<vmem>>, vector<24x256xf32>
      %eq3A_980 = arith.constant 23 : i32
      %eq3A_981 = vector.broadcast %eq3A_980 : i32 to vector<24x256xi32>
      %eq3A_982 = arith.cmpi eq, %while3A_564, %eq3A_981 : vector<24x256xi32>
      %jit3A_983 = arith.constant 1.000000e+30 : f32
      %broadcast_in_dim3A_984 = vector.broadcast %jit3A_983 : f32 to vector<24x256xf32>
      %select_n3A_985 = arith.select %eq3A_982, %broadcast_in_dim3A_984, %get3A_979 : vector<24x256xi1>, vector<24x256xf32>
      %swap3A_986 = arith.constant 0 : index
      %swap3A_987 = arith.constant 5888 : index
      %swap3A_988 = vector.load %arg4[%swap3A_986, %swap3A_987] : memref<24x16384xf32, #tpu.memory_space<vmem>>, vector<24x256xf32>
      tpu.vector_store %arg4[%swap3A_986, %swap3A_987], %select_n3A_985 {strides = array<i32>} : memref<24x16384xf32, #tpu.memory_space<vmem>>, vector<24x256xf32>,
      %lt3A_989 = arith.cmpf olt, %select_n3A_985, %min3A_976 : vector<24x256xf32>
      %jit3A_990 = arith.constant 23 : i32
      %broadcast_in_dim3A_991 = vector.broadcast %jit3A_990 : i32 to vector<24x256xi32>
      %select_n3A_992 = arith.select %lt3A_989, %broadcast_in_dim3A_991, %select_n3A_975 : vector<24x256xi1>, vector<24x256xi32>
      %min3A_993 = arith.minimumf %min3A_976, %select_n3A_985 : vector<24x256xf32>
      %get3A_994 = arith.constant 0 : index
      %get3A_995 = arith.constant 6144 : index
      %get3A_996 = vector.load %arg4[%get3A_994, %get3A_995] : memref<24x16384xf32, #tpu.memory_space<vmem>>, vector<24x256xf32>
      %eq3A_997 = arith.constant 24 : i32
      %eq3A_998 = vector.broadcast %eq3A_997 : i32 to vector<24x256xi32>
      %eq3A_999 = arith.cmpi eq, %while3A_564, %eq3A_998 : vector<24x256xi32>
      %jit3A_1000 = arith.constant 1.000000e+30 : f32
      %broadcast_in_dim3A_1001 = vector.broadcast %jit3A_1000 : f32 to vector<24x256xf32>
      %select_n3A_1002 = arith.select %eq3A_999, %broadcast_in_dim3A_1001, %get3A_996 : vector<24x256xi1>, vector<24x256xf32>
      %swap3A_1003 = arith.constant 0 : index
      %swap3A_1004 = arith.constant 6144 : index
      %swap3A_1005 = vector.load %arg4[%swap3A_1003, %swap3A_1004] : memref<24x16384xf32, #tpu.memory_space<vmem>>, vector<24x256xf32>
      tpu.vector_store %arg4[%swap3A_1003, %swap3A_1004], %select_n3A_1002 {strides = array<i32>} : memref<24x16384xf32, #tpu.memory_space<vmem>>, vector<24x256xf32>,
      %lt3A_1006 = arith.cmpf olt, %select_n3A_1002, %min3A_993 : vector<24x256xf32>
      %jit3A_1007 = arith.constant 24 : i32
      %broadcast_in_dim3A_1008 = vector.broadcast %jit3A_1007 : i32 to vector<24x256xi32>
      %select_n3A_1009 = arith.select %lt3A_1006, %broadcast_in_dim3A_1008, %select_n3A_992 : vector<24x256xi1>, vector<24x256xi32>
      %min3A_1010 = arith.minimumf %min3A_993, %select_n3A_1002 : vector<24x256xf32>
      %get3A_1011 = arith.constant 0 : index
      %get3A_1012 = arith.constant 6400 : index
      %get3A_1013 = vector.load %arg4[%get3A_1011, %get3A_1012] : memref<24x16384xf32, #tpu.memory_space<vmem>>, vector<24x256xf32>
      %eq3A_1014 = arith.constant 25 : i32
      %eq3A_1015 = vector.broadcast %eq3A_1014 : i32 to vector<24x256xi32>
      %eq3A_1016 = arith.cmpi eq, %while3A_564, %eq3A_1015 : vector<24x256xi32>
      %jit3A_1017 = arith.constant 1.000000e+30 : f32
      %broadcast_in_dim3A_1018 = vector.broadcast %jit3A_1017 : f32 to vector<24x256xf32>
      %select_n3A_1019 = arith.select %eq3A_1016, %broadcast_in_dim3A_1018, %get3A_1013 : vector<24x256xi1>, vector<24x256xf32>
      %swap3A_1020 = arith.constant 0 : index
      %swap3A_1021 = arith.constant 6400 : index
      %swap3A_1022 = vector.load %arg4[%swap3A_1020, %swap3A_1021] : memref<24x16384xf32, #tpu.memory_space<vmem>>, vector<24x256xf32>
      tpu.vector_store %arg4[%swap3A_1020, %swap3A_1021], %select_n3A_1019 {strides = array<i32>} : memref<24x16384xf32, #tpu.memory_space<vmem>>, vector<24x256xf32>,
      %lt3A_1023 = arith.cmpf olt, %select_n3A_1019, %min3A_1010 : vector<24x256xf32>
      %jit3A_1024 = arith.constant 25 : i32
      %broadcast_in_dim3A_1025 = vector.broadcast %jit3A_1024 : i32 to vector<24x256xi32>
      %select_n3A_1026 = arith.select %lt3A_1023, %broadcast_in_dim3A_1025, %select_n3A_1009 : vector<24x256xi1>, vector<24x256xi32>
      %min3A_1027 = arith.minimumf %min3A_1010, %select_n3A_1019 : vector<24x256xf32>
      %get3A_1028 = arith.constant 0 : index
      %get3A_1029 = arith.constant 6656 : index
      %get3A_1030 = vector.load %arg4[%get3A_1028, %get3A_1029] : memref<24x16384xf32, #tpu.memory_space<vmem>>, vector<24x256xf32>
      %eq3A_1031 = arith.constant 26 : i32
      %eq3A_1032 = vector.broadcast %eq3A_1031 : i32 to vector<24x256xi32>
      %eq3A_1033 = arith.cmpi eq, %while3A_564, %eq3A_1032 : vector<24x256xi32>
      %jit3A_1034 = arith.constant 1.000000e+30 : f32
      %broadcast_in_dim3A_1035 = vector.broadcast %jit3A_1034 : f32 to vector<24x256xf32>
      %select_n3A_1036 = arith.select %eq3A_1033, %broadcast_in_dim3A_1035, %get3A_1030 : vector<24x256xi1>, vector<24x256xf32>
      %swap3A_1037 = arith.constant 0 : index
      %swap3A_1038 = arith.constant 6656 : index
      %swap3A_1039 = vector.load %arg4[%swap3A_1037, %swap3A_1038] : memref<24x16384xf32, #tpu.memory_space<vmem>>, vector<24x256xf32>
      tpu.vector_store %arg4[%swap3A_1037, %swap3A_1038], %select_n3A_1036 {strides = array<i32>} : memref<24x16384xf32, #tpu.memory_space<vmem>>, vector<24x256xf32>,
      %lt3A_1040 = arith.cmpf olt, %select_n3A_1036, %min3A_1027 : vector<24x256xf32>
      %jit3A_1041 = arith.constant 26 : i32
      %broadcast_in_dim3A_1042 = vector.broadcast %jit3A_1041 : i32 to vector<24x256xi32>
      %select_n3A_1043 = arith.select %lt3A_1040, %broadcast_in_dim3A_1042, %select_n3A_1026 : vector<24x256xi1>, vector<24x256xi32>
      %min3A_1044 = arith.minimumf %min3A_1027, %select_n3A_1036 : vector<24x256xf32>
      %get3A_1045 = arith.constant 0 : index
      %get3A_1046 = arith.constant 6912 : index
      %get3A_1047 = vector.load %arg4[%get3A_1045, %get3A_1046] : memref<24x16384xf32, #tpu.memory_space<vmem>>, vector<24x256xf32>
      %eq3A_1048 = arith.constant 27 : i32
      %eq3A_1049 = vector.broadcast %eq3A_1048 : i32 to vector<24x256xi32>
      %eq3A_1050 = arith.cmpi eq, %while3A_564, %eq3A_1049 : vector<24x256xi32>
      %jit3A_1051 = arith.constant 1.000000e+30 : f32
      %broadcast_in_dim3A_1052 = vector.broadcast %jit3A_1051 : f32 to vector<24x256xf32>
      %select_n3A_1053 = arith.select %eq3A_1050, %broadcast_in_dim3A_1052, %get3A_1047 : vector<24x256xi1>, vector<24x256xf32>
      %swap3A_1054 = arith.constant 0 : index
      %swap3A_1055 = arith.constant 6912 : index
      %swap3A_1056 = vector.load %arg4[%swap3A_1054, %swap3A_1055] : memref<24x16384xf32, #tpu.memory_space<vmem>>, vector<24x256xf32>
      tpu.vector_store %arg4[%swap3A_1054, %swap3A_1055], %select_n3A_1053 {strides = array<i32>} : memref<24x16384xf32, #tpu.memory_space<vmem>>, vector<24x256xf32>,
      %lt3A_1057 = arith.cmpf olt, %select_n3A_1053, %min3A_1044 : vector<24x256xf32>
      %jit3A_1058 = arith.constant 27 : i32
      %broadcast_in_dim3A_1059 = vector.broadcast %jit3A_1058 : i32 to vector<24x256xi32>
      %select_n3A_1060 = arith.select %lt3A_1057, %broadcast_in_dim3A_1059, %select_n3A_1043 : vector<24x256xi1>, vector<24x256xi32>
      %min3A_1061 = arith.minimumf %min3A_1044, %select_n3A_1053 : vector<24x256xf32>
      %get3A_1062 = arith.constant 0 : index
      %get3A_1063 = arith.constant 7168 : index
      %get3A_1064 = vector.load %arg4[%get3A_1062, %get3A_1063] : memref<24x16384xf32, #tpu.memory_space<vmem>>, vector<24x256xf32>
      %eq3A_1065 = arith.constant 28 : i32
      %eq3A_1066 = vector.broadcast %eq3A_1065 : i32 to vector<24x256xi32>
      %eq3A_1067 = arith.cmpi eq, %while3A_564, %eq3A_1066 : vector<24x256xi32>
      %jit3A_1068 = arith.constant 1.000000e+30 : f32
      %broadcast_in_dim3A_1069 = vector.broadcast %jit3A_1068 : f32 to vector<24x256xf32>
      %select_n3A_1070 = arith.select %eq3A_1067, %broadcast_in_dim3A_1069, %get3A_1064 : vector<24x256xi1>, vector<24x256xf32>
      %swap3A_1071 = arith.constant 0 : index
      %swap3A_1072 = arith.constant 7168 : index
      %swap3A_1073 = vector.load %arg4[%swap3A_1071, %swap3A_1072] : memref<24x16384xf32, #tpu.memory_space<vmem>>, vector<24x256xf32>
      tpu.vector_store %arg4[%swap3A_1071, %swap3A_1072], %select_n3A_1070 {strides = array<i32>} : memref<24x16384xf32, #tpu.memory_space<vmem>>, vector<24x256xf32>,
      %lt3A_1074 = arith.cmpf olt, %select_n3A_1070, %min3A_1061 : vector<24x256xf32>
      %jit3A_1075 = arith.constant 28 : i32
      %broadcast_in_dim3A_1076 = vector.broadcast %jit3A_1075 : i32 to vector<24x256xi32>
      %select_n3A_1077 = arith.select %lt3A_1074, %broadcast_in_dim3A_1076, %select_n3A_1060 : vector<24x256xi1>, vector<24x256xi32>
      %min3A_1078 = arith.minimumf %min3A_1061, %select_n3A_1070 : vector<24x256xf32>
      %get3A_1079 = arith.constant 0 : index
      %get3A_1080 = arith.constant 7424 : index
      %get3A_1081 = vector.load %arg4[%get3A_1079, %get3A_1080] : memref<24x16384xf32, #tpu.memory_space<vmem>>, vector<24x256xf32>
      %eq3A_1082 = arith.constant 29 : i32
      %eq3A_1083 = vector.broadcast %eq3A_1082 : i32 to vector<24x256xi32>
      %eq3A_1084 = arith.cmpi eq, %while3A_564, %eq3A_1083 : vector<24x256xi32>
      %jit3A_1085 = arith.constant 1.000000e+30 : f32
      %broadcast_in_dim3A_1086 = vector.broadcast %jit3A_1085 : f32 to vector<24x256xf32>
      %select_n3A_1087 = arith.select %eq3A_1084, %broadcast_in_dim3A_1086, %get3A_1081 : vector<24x256xi1>, vector<24x256xf32>
      %swap3A_1088 = arith.constant 0 : index
      %swap3A_1089 = arith.constant 7424 : index
      %swap3A_1090 = vector.load %arg4[%swap3A_1088, %swap3A_1089] : memref<24x16384xf32, #tpu.memory_space<vmem>>, vector<24x256xf32>
      tpu.vector_store %arg4[%swap3A_1088, %swap3A_1089], %select_n3A_1087 {strides = array<i32>} : memref<24x16384xf32, #tpu.memory_space<vmem>>, vector<24x256xf32>,
      %lt3A_1091 = arith.cmpf olt, %select_n3A_1087, %min3A_1078 : vector<24x256xf32>
      %jit3A_1092 = arith.constant 29 : i32
      %broadcast_in_dim3A_1093 = vector.broadcast %jit3A_1092 : i32 to vector<24x256xi32>
      %select_n3A_1094 = arith.select %lt3A_1091, %broadcast_in_dim3A_1093, %select_n3A_1077 : vector<24x256xi1>, vector<24x256xi32>
      %min3A_1095 = arith.minimumf %min3A_1078, %select_n3A_1087 : vector<24x256xf32>
      %get3A_1096 = arith.constant 0 : index
      %get3A_1097 = arith.constant 7680 : index
      %get3A_1098 = vector.load %arg4[%get3A_1096, %get3A_1097] : memref<24x16384xf32, #tpu.memory_space<vmem>>, vector<24x256xf32>
      %eq3A_1099 = arith.constant 30 : i32
      %eq3A_1100 = vector.broadcast %eq3A_1099 : i32 to vector<24x256xi32>
      %eq3A_1101 = arith.cmpi eq, %while3A_564, %eq3A_1100 : vector<24x256xi32>
      %jit3A_1102 = arith.constant 1.000000e+30 : f32
      %broadcast_in_dim3A_1103 = vector.broadcast %jit3A_1102 : f32 to vector<24x256xf32>
      %select_n3A_1104 = arith.select %eq3A_1101, %broadcast_in_dim3A_1103, %get3A_1098 : vector<24x256xi1>, vector<24x256xf32>
      %swap3A_1105 = arith.constant 0 : index
      %swap3A_1106 = arith.constant 7680 : index
      %swap3A_1107 = vector.load %arg4[%swap3A_1105, %swap3A_1106] : memref<24x16384xf32, #tpu.memory_space<vmem>>, vector<24x256xf32>
      tpu.vector_store %arg4[%swap3A_1105, %swap3A_1106], %select_n3A_1104 {strides = array<i32>} : memref<24x16384xf32, #tpu.memory_space<vmem>>, vector<24x256xf32>,
      %lt3A_1108 = arith.cmpf olt, %select_n3A_1104, %min3A_1095 : vector<24x256xf32>
      %jit3A_1109 = arith.constant 30 : i32
      %broadcast_in_dim3A_1110 = vector.broadcast %jit3A_1109 : i32 to vector<24x256xi32>
      %select_n3A_1111 = arith.select %lt3A_1108, %broadcast_in_dim3A_1110, %select_n3A_1094 : vector<24x256xi1>, vector<24x256xi32>
      %min3A_1112 = arith.minimumf %min3A_1095, %select_n3A_1104 : vector<24x256xf32>
      %get3A_1113 = arith.constant 0 : index
      %get3A_1114 = arith.constant 7936 : index
      %get3A_1115 = vector.load %arg4[%get3A_1113, %get3A_1114] : memref<24x16384xf32, #tpu.memory_space<vmem>>, vector<24x256xf32>
      %eq3A_1116 = arith.constant 31 : i32
      %eq3A_1117 = vector.broadcast %eq3A_1116 : i32 to vector<24x256xi32>
      %eq3A_1118 = arith.cmpi eq, %while3A_564, %eq3A_1117 : vector<24x256xi32>
      %jit3A_1119 = arith.constant 1.000000e+30 : f32
      %broadcast_in_dim3A_1120 = vector.broadcast %jit3A_1119 : f32 to vector<24x256xf32>
      %select_n3A_1121 = arith.select %eq3A_1118, %broadcast_in_dim3A_1120, %get3A_1115 : vector<24x256xi1>, vector<24x256xf32>
      %swap3A_1122 = arith.constant 0 : index
      %swap3A_1123 = arith.constant 7936 : index
      %swap3A_1124 = vector.load %arg4[%swap3A_1122, %swap3A_1123] : memref<24x16384xf32, #tpu.memory_space<vmem>>, vector<24x256xf32>
      tpu.vector_store %arg4[%swap3A_1122, %swap3A_1123], %select_n3A_1121 {strides = array<i32>} : memref<24x16384xf32, #tpu.memory_space<vmem>>, vector<24x256xf32>,
      %lt3A_1125 = arith.cmpf olt, %select_n3A_1121, %min3A_1112 : vector<24x256xf32>
      %jit3A_1126 = arith.constant 31 : i32
      %broadcast_in_dim3A_1127 = vector.broadcast %jit3A_1126 : i32 to vector<24x256xi32>
      %select_n3A_1128 = arith.select %lt3A_1125, %broadcast_in_dim3A_1127, %select_n3A_1111 : vector<24x256xi1>, vector<24x256xi32>
      %min3A_1129 = arith.minimumf %min3A_1112, %select_n3A_1121 : vector<24x256xf32>
      %get3A_1130 = arith.constant 0 : index
      %get3A_1131 = arith.constant 8192 : index
      %get3A_1132 = vector.load %arg4[%get3A_1130, %get3A_1131] : memref<24x16384xf32, #tpu.memory_space<vmem>>, vector<24x256xf32>
      %eq3A_1133 = arith.constant 32 : i32
      %eq3A_1134 = vector.broadcast %eq3A_1133 : i32 to vector<24x256xi32>
      %eq3A_1135 = arith.cmpi eq, %while3A_564, %eq3A_1134 : vector<24x256xi32>
      %jit3A_1136 = arith.constant 1.000000e+30 : f32
      %broadcast_in_dim3A_1137 = vector.broadcast %jit3A_1136 : f32 to vector<24x256xf32>
      %select_n3A_1138 = arith.select %eq3A_1135, %broadcast_in_dim3A_1137, %get3A_1132 : vector<24x256xi1>, vector<24x256xf32>
      %swap3A_1139 = arith.constant 0 : index
      %swap3A_1140 = arith.constant 8192 : index
      %swap3A_1141 = vector.load %arg4[%swap3A_1139, %swap3A_1140] : memref<24x16384xf32, #tpu.memory_space<vmem>>, vector<24x256xf32>
      tpu.vector_store %arg4[%swap3A_1139, %swap3A_1140], %select_n3A_1138 {strides = array<i32>} : memref<24x16384xf32, #tpu.memory_space<vmem>>, vector<24x256xf32>,
      %lt3A_1142 = arith.cmpf olt, %select_n3A_1138, %min3A_1129 : vector<24x256xf32>
      %jit3A_1143 = arith.constant 32 : i32
      %broadcast_in_dim3A_1144 = vector.broadcast %jit3A_1143 : i32 to vector<24x256xi32>
      %select_n3A_1145 = arith.select %lt3A_1142, %broadcast_in_dim3A_1144, %select_n3A_1128 : vector<24x256xi1>, vector<24x256xi32>
      %min3A_1146 = arith.minimumf %min3A_1129, %select_n3A_1138 : vector<24x256xf32>
      %get3A_1147 = arith.constant 0 : index
      %get3A_1148 = arith.constant 8448 : index
      %get3A_1149 = vector.load %arg4[%get3A_1147, %get3A_1148] : memref<24x16384xf32, #tpu.memory_space<vmem>>, vector<24x256xf32>
      %eq3A_1150 = arith.constant 33 : i32
      %eq3A_1151 = vector.broadcast %eq3A_1150 : i32 to vector<24x256xi32>
      %eq3A_1152 = arith.cmpi eq, %while3A_564, %eq3A_1151 : vector<24x256xi32>
      %jit3A_1153 = arith.constant 1.000000e+30 : f32
      %broadcast_in_dim3A_1154 = vector.broadcast %jit3A_1153 : f32 to vector<24x256xf32>
      %select_n3A_1155 = arith.select %eq3A_1152, %broadcast_in_dim3A_1154, %get3A_1149 : vector<24x256xi1>, vector<24x256xf32>
      %swap3A_1156 = arith.constant 0 : index
      %swap3A_1157 = arith.constant 8448 : index
      %swap3A_1158 = vector.load %arg4[%swap3A_1156, %swap3A_1157] : memref<24x16384xf32, #tpu.memory_space<vmem>>, vector<24x256xf32>
      tpu.vector_store %arg4[%swap3A_1156, %swap3A_1157], %select_n3A_1155 {strides = array<i32>} : memref<24x16384xf32, #tpu.memory_space<vmem>>, vector<24x256xf32>,
      %lt3A_1159 = arith.cmpf olt, %select_n3A_1155, %min3A_1146 : vector<24x256xf32>
      %jit3A_1160 = arith.constant 33 : i32
      %broadcast_in_dim3A_1161 = vector.broadcast %jit3A_1160 : i32 to vector<24x256xi32>
      %select_n3A_1162 = arith.select %lt3A_1159, %broadcast_in_dim3A_1161, %select_n3A_1145 : vector<24x256xi1>, vector<24x256xi32>
      %min3A_1163 = arith.minimumf %min3A_1146, %select_n3A_1155 : vector<24x256xf32>
      %get3A_1164 = arith.constant 0 : index
      %get3A_1165 = arith.constant 8704 : index
      %get3A_1166 = vector.load %arg4[%get3A_1164, %get3A_1165] : memref<24x16384xf32, #tpu.memory_space<vmem>>, vector<24x256xf32>
      %eq3A_1167 = arith.constant 34 : i32
      %eq3A_1168 = vector.broadcast %eq3A_1167 : i32 to vector<24x256xi32>
      %eq3A_1169 = arith.cmpi eq, %while3A_564, %eq3A_1168 : vector<24x256xi32>
      %jit3A_1170 = arith.constant 1.000000e+30 : f32
      %broadcast_in_dim3A_1171 = vector.broadcast %jit3A_1170 : f32 to vector<24x256xf32>
      %select_n3A_1172 = arith.select %eq3A_1169, %broadcast_in_dim3A_1171, %get3A_1166 : vector<24x256xi1>, vector<24x256xf32>
      %swap3A_1173 = arith.constant 0 : index
      %swap3A_1174 = arith.constant 8704 : index
      %swap3A_1175 = vector.load %arg4[%swap3A_1173, %swap3A_1174] : memref<24x16384xf32, #tpu.memory_space<vmem>>, vector<24x256xf32>
      tpu.vector_store %arg4[%swap3A_1173, %swap3A_1174], %select_n3A_1172 {strides = array<i32>} : memref<24x16384xf32, #tpu.memory_space<vmem>>, vector<24x256xf32>,
      %lt3A_1176 = arith.cmpf olt, %select_n3A_1172, %min3A_1163 : vector<24x256xf32>
      %jit3A_1177 = arith.constant 34 : i32
      %broadcast_in_dim3A_1178 = vector.broadcast %jit3A_1177 : i32 to vector<24x256xi32>
      %select_n3A_1179 = arith.select %lt3A_1176, %broadcast_in_dim3A_1178, %select_n3A_1162 : vector<24x256xi1>, vector<24x256xi32>
      %min3A_1180 = arith.minimumf %min3A_1163, %select_n3A_1172 : vector<24x256xf32>
      %get3A_1181 = arith.constant 0 : index
      %get3A_1182 = arith.constant 8960 : index
      %get3A_1183 = vector.load %arg4[%get3A_1181, %get3A_1182] : memref<24x16384xf32, #tpu.memory_space<vmem>>, vector<24x256xf32>
      %eq3A_1184 = arith.constant 35 : i32
      %eq3A_1185 = vector.broadcast %eq3A_1184 : i32 to vector<24x256xi32>
      %eq3A_1186 = arith.cmpi eq, %while3A_564, %eq3A_1185 : vector<24x256xi32>
      %jit3A_1187 = arith.constant 1.000000e+30 : f32
      %broadcast_in_dim3A_1188 = vector.broadcast %jit3A_1187 : f32 to vector<24x256xf32>
      %select_n3A_1189 = arith.select %eq3A_1186, %broadcast_in_dim3A_1188, %get3A_1183 : vector<24x256xi1>, vector<24x256xf32>
      %swap3A_1190 = arith.constant 0 : index
      %swap3A_1191 = arith.constant 8960 : index
      %swap3A_1192 = vector.load %arg4[%swap3A_1190, %swap3A_1191] : memref<24x16384xf32, #tpu.memory_space<vmem>>, vector<24x256xf32>
      tpu.vector_store %arg4[%swap3A_1190, %swap3A_1191], %select_n3A_1189 {strides = array<i32>} : memref<24x16384xf32, #tpu.memory_space<vmem>>, vector<24x256xf32>,
      %lt3A_1193 = arith.cmpf olt, %select_n3A_1189, %min3A_1180 : vector<24x256xf32>
      %jit3A_1194 = arith.constant 35 : i32
      %broadcast_in_dim3A_1195 = vector.broadcast %jit3A_1194 : i32 to vector<24x256xi32>
      %select_n3A_1196 = arith.select %lt3A_1193, %broadcast_in_dim3A_1195, %select_n3A_1179 : vector<24x256xi1>, vector<24x256xi32>
      %min3A_1197 = arith.minimumf %min3A_1180, %select_n3A_1189 : vector<24x256xf32>
      %get3A_1198 = arith.constant 0 : index
      %get3A_1199 = arith.constant 9216 : index
      %get3A_1200 = vector.load %arg4[%get3A_1198, %get3A_1199] : memref<24x16384xf32, #tpu.memory_space<vmem>>, vector<24x256xf32>
      %eq3A_1201 = arith.constant 36 : i32
      %eq3A_1202 = vector.broadcast %eq3A_1201 : i32 to vector<24x256xi32>
      %eq3A_1203 = arith.cmpi eq, %while3A_564, %eq3A_1202 : vector<24x256xi32>
      %jit3A_1204 = arith.constant 1.000000e+30 : f32
      %broadcast_in_dim3A_1205 = vector.broadcast %jit3A_1204 : f32 to vector<24x256xf32>
      %select_n3A_1206 = arith.select %eq3A_1203, %broadcast_in_dim3A_1205, %get3A_1200 : vector<24x256xi1>, vector<24x256xf32>
      %swap3A_1207 = arith.constant 0 : index
      %swap3A_1208 = arith.constant 9216 : index
      %swap3A_1209 = vector.load %arg4[%swap3A_1207, %swap3A_1208] : memref<24x16384xf32, #tpu.memory_space<vmem>>, vector<24x256xf32>
      tpu.vector_store %arg4[%swap3A_1207, %swap3A_1208], %select_n3A_1206 {strides = array<i32>} : memref<24x16384xf32, #tpu.memory_space<vmem>>, vector<24x256xf32>,
      %lt3A_1210 = arith.cmpf olt, %select_n3A_1206, %min3A_1197 : vector<24x256xf32>
      %jit3A_1211 = arith.constant 36 : i32
      %broadcast_in_dim3A_1212 = vector.broadcast %jit3A_1211 : i32 to vector<24x256xi32>
      %select_n3A_1213 = arith.select %lt3A_1210, %broadcast_in_dim3A_1212, %select_n3A_1196 : vector<24x256xi1>, vector<24x256xi32>
      %min3A_1214 = arith.minimumf %min3A_1197, %select_n3A_1206 : vector<24x256xf32>
      %get3A_1215 = arith.constant 0 : index
      %get3A_1216 = arith.constant 9472 : index
      %get3A_1217 = vector.load %arg4[%get3A_1215, %get3A_1216] : memref<24x16384xf32, #tpu.memory_space<vmem>>, vector<24x256xf32>
      %eq3A_1218 = arith.constant 37 : i32
      %eq3A_1219 = vector.broadcast %eq3A_1218 : i32 to vector<24x256xi32>
      %eq3A_1220 = arith.cmpi eq, %while3A_564, %eq3A_1219 : vector<24x256xi32>
      %jit3A_1221 = arith.constant 1.000000e+30 : f32
      %broadcast_in_dim3A_1222 = vector.broadcast %jit3A_1221 : f32 to vector<24x256xf32>
      %select_n3A_1223 = arith.select %eq3A_1220, %broadcast_in_dim3A_1222, %get3A_1217 : vector<24x256xi1>, vector<24x256xf32>
      %swap3A_1224 = arith.constant 0 : index
      %swap3A_1225 = arith.constant 9472 : index
      %swap3A_1226 = vector.load %arg4[%swap3A_1224, %swap3A_1225] : memref<24x16384xf32, #tpu.memory_space<vmem>>, vector<24x256xf32>
      tpu.vector_store %arg4[%swap3A_1224, %swap3A_1225], %select_n3A_1223 {strides = array<i32>} : memref<24x16384xf32, #tpu.memory_space<vmem>>, vector<24x256xf32>,
      %lt3A_1227 = arith.cmpf olt, %select_n3A_1223, %min3A_1214 : vector<24x256xf32>
      %jit3A_1228 = arith.constant 37 : i32
      %broadcast_in_dim3A_1229 = vector.broadcast %jit3A_1228 : i32 to vector<24x256xi32>
      %select_n3A_1230 = arith.select %lt3A_1227, %broadcast_in_dim3A_1229, %select_n3A_1213 : vector<24x256xi1>, vector<24x256xi32>
      %min3A_1231 = arith.minimumf %min3A_1214, %select_n3A_1223 : vector<24x256xf32>
      %get3A_1232 = arith.constant 0 : index
      %get3A_1233 = arith.constant 9728 : index
      %get3A_1234 = vector.load %arg4[%get3A_1232, %get3A_1233] : memref<24x16384xf32, #tpu.memory_space<vmem>>, vector<24x256xf32>
      %eq3A_1235 = arith.constant 38 : i32
      %eq3A_1236 = vector.broadcast %eq3A_1235 : i32 to vector<24x256xi32>
      %eq3A_1237 = arith.cmpi eq, %while3A_564, %eq3A_1236 : vector<24x256xi32>
      %jit3A_1238 = arith.constant 1.000000e+30 : f32
      %broadcast_in_dim3A_1239 = vector.broadcast %jit3A_1238 : f32 to vector<24x256xf32>
      %select_n3A_1240 = arith.select %eq3A_1237, %broadcast_in_dim3A_1239, %get3A_1234 : vector<24x256xi1>, vector<24x256xf32>
      %swap3A_1241 = arith.constant 0 : index
      %swap3A_1242 = arith.constant 9728 : index
      %swap3A_1243 = vector.load %arg4[%swap3A_1241, %swap3A_1242] : memref<24x16384xf32, #tpu.memory_space<vmem>>, vector<24x256xf32>
      tpu.vector_store %arg4[%swap3A_1241, %swap3A_1242], %select_n3A_1240 {strides = array<i32>} : memref<24x16384xf32, #tpu.memory_space<vmem>>, vector<24x256xf32>,
      %lt3A_1244 = arith.cmpf olt, %select_n3A_1240, %min3A_1231 : vector<24x256xf32>
      %jit3A_1245 = arith.constant 38 : i32
      %broadcast_in_dim3A_1246 = vector.broadcast %jit3A_1245 : i32 to vector<24x256xi32>
      %select_n3A_1247 = arith.select %lt3A_1244, %broadcast_in_dim3A_1246, %select_n3A_1230 : vector<24x256xi1>, vector<24x256xi32>
      %min3A_1248 = arith.minimumf %min3A_1231, %select_n3A_1240 : vector<24x256xf32>
      %get3A_1249 = arith.constant 0 : index
      %get3A_1250 = arith.constant 9984 : index
      %get3A_1251 = vector.load %arg4[%get3A_1249, %get3A_1250] : memref<24x16384xf32, #tpu.memory_space<vmem>>, vector<24x256xf32>
      %eq3A_1252 = arith.constant 39 : i32
      %eq3A_1253 = vector.broadcast %eq3A_1252 : i32 to vector<24x256xi32>
      %eq3A_1254 = arith.cmpi eq, %while3A_564, %eq3A_1253 : vector<24x256xi32>
      %jit3A_1255 = arith.constant 1.000000e+30 : f32
      %broadcast_in_dim3A_1256 = vector.broadcast %jit3A_1255 : f32 to vector<24x256xf32>
      %select_n3A_1257 = arith.select %eq3A_1254, %broadcast_in_dim3A_1256, %get3A_1251 : vector<24x256xi1>, vector<24x256xf32>
      %swap3A_1258 = arith.constant 0 : index
      %swap3A_1259 = arith.constant 9984 : index
      %swap3A_1260 = vector.load %arg4[%swap3A_1258, %swap3A_1259] : memref<24x16384xf32, #tpu.memory_space<vmem>>, vector<24x256xf32>
      tpu.vector_store %arg4[%swap3A_1258, %swap3A_1259], %select_n3A_1257 {strides = array<i32>} : memref<24x16384xf32, #tpu.memory_space<vmem>>, vector<24x256xf32>,
      %lt3A_1261 = arith.cmpf olt, %select_n3A_1257, %min3A_1248 : vector<24x256xf32>
      %jit3A_1262 = arith.constant 39 : i32
      %broadcast_in_dim3A_1263 = vector.broadcast %jit3A_1262 : i32 to vector<24x256xi32>
      %select_n3A_1264 = arith.select %lt3A_1261, %broadcast_in_dim3A_1263, %select_n3A_1247 : vector<24x256xi1>, vector<24x256xi32>
      %min3A_1265 = arith.minimumf %min3A_1248, %select_n3A_1257 : vector<24x256xf32>
      %get3A_1266 = arith.constant 0 : index
      %get3A_1267 = arith.constant 10240 : index
      %get3A_1268 = vector.load %arg4[%get3A_1266, %get3A_1267] : memref<24x16384xf32, #tpu.memory_space<vmem>>, vector<24x256xf32>
      %eq3A_1269 = arith.constant 40 : i32
      %eq3A_1270 = vector.broadcast %eq3A_1269 : i32 to vector<24x256xi32>
      %eq3A_1271 = arith.cmpi eq, %while3A_564, %eq3A_1270 : vector<24x256xi32>
      %jit3A_1272 = arith.constant 1.000000e+30 : f32
      %broadcast_in_dim3A_1273 = vector.broadcast %jit3A_1272 : f32 to vector<24x256xf32>
      %select_n3A_1274 = arith.select %eq3A_1271, %broadcast_in_dim3A_1273, %get3A_1268 : vector<24x256xi1>, vector<24x256xf32>
      %swap3A_1275 = arith.constant 0 : index
      %swap3A_1276 = arith.constant 10240 : index
      %swap3A_1277 = vector.load %arg4[%swap3A_1275, %swap3A_1276] : memref<24x16384xf32, #tpu.memory_space<vmem>>, vector<24x256xf32>
      tpu.vector_store %arg4[%swap3A_1275, %swap3A_1276], %select_n3A_1274 {strides = array<i32>} : memref<24x16384xf32, #tpu.memory_space<vmem>>, vector<24x256xf32>,
      %lt3A_1278 = arith.cmpf olt, %select_n3A_1274, %min3A_1265 : vector<24x256xf32>
      %jit3A_1279 = arith.constant 40 : i32
      %broadcast_in_dim3A_1280 = vector.broadcast %jit3A_1279 : i32 to vector<24x256xi32>
      %select_n3A_1281 = arith.select %lt3A_1278, %broadcast_in_dim3A_1280, %select_n3A_1264 : vector<24x256xi1>, vector<24x256xi32>
      %min3A_1282 = arith.minimumf %min3A_1265, %select_n3A_1274 : vector<24x256xf32>
      %get3A_1283 = arith.constant 0 : index
      %get3A_1284 = arith.constant 10496 : index
      %get3A_1285 = vector.load %arg4[%get3A_1283, %get3A_1284] : memref<24x16384xf32, #tpu.memory_space<vmem>>, vector<24x256xf32>
      %eq3A_1286 = arith.constant 41 : i32
      %eq3A_1287 = vector.broadcast %eq3A_1286 : i32 to vector<24x256xi32>
      %eq3A_1288 = arith.cmpi eq, %while3A_564, %eq3A_1287 : vector<24x256xi32>
      %jit3A_1289 = arith.constant 1.000000e+30 : f32
      %broadcast_in_dim3A_1290 = vector.broadcast %jit3A_1289 : f32 to vector<24x256xf32>
      %select_n3A_1291 = arith.select %eq3A_1288, %broadcast_in_dim3A_1290, %get3A_1285 : vector<24x256xi1>, vector<24x256xf32>
      %swap3A_1292 = arith.constant 0 : index
      %swap3A_1293 = arith.constant 10496 : index
      %swap3A_1294 = vector.load %arg4[%swap3A_1292, %swap3A_1293] : memref<24x16384xf32, #tpu.memory_space<vmem>>, vector<24x256xf32>
      tpu.vector_store %arg4[%swap3A_1292, %swap3A_1293], %select_n3A_1291 {strides = array<i32>} : memref<24x16384xf32, #tpu.memory_space<vmem>>, vector<24x256xf32>,
      %lt3A_1295 = arith.cmpf olt, %select_n3A_1291, %min3A_1282 : vector<24x256xf32>
      %jit3A_1296 = arith.constant 41 : i32
      %broadcast_in_dim3A_1297 = vector.broadcast %jit3A_1296 : i32 to vector<24x256xi32>
      %select_n3A_1298 = arith.select %lt3A_1295, %broadcast_in_dim3A_1297, %select_n3A_1281 : vector<24x256xi1>, vector<24x256xi32>
      %min3A_1299 = arith.minimumf %min3A_1282, %select_n3A_1291 : vector<24x256xf32>
      %get3A_1300 = arith.constant 0 : index
      %get3A_1301 = arith.constant 10752 : index
      %get3A_1302 = vector.load %arg4[%get3A_1300, %get3A_1301] : memref<24x16384xf32, #tpu.memory_space<vmem>>, vector<24x256xf32>
      %eq3A_1303 = arith.constant 42 : i32
      %eq3A_1304 = vector.broadcast %eq3A_1303 : i32 to vector<24x256xi32>
      %eq3A_1305 = arith.cmpi eq, %while3A_564, %eq3A_1304 : vector<24x256xi32>
      %jit3A_1306 = arith.constant 1.000000e+30 : f32
      %broadcast_in_dim3A_1307 = vector.broadcast %jit3A_1306 : f32 to vector<24x256xf32>
      %select_n3A_1308 = arith.select %eq3A_1305, %broadcast_in_dim3A_1307, %get3A_1302 : vector<24x256xi1>, vector<24x256xf32>
      %swap3A_1309 = arith.constant 0 : index
      %swap3A_1310 = arith.constant 10752 : index
      %swap3A_1311 = vector.load %arg4[%swap3A_1309, %swap3A_1310] : memref<24x16384xf32, #tpu.memory_space<vmem>>, vector<24x256xf32>
      tpu.vector_store %arg4[%swap3A_1309, %swap3A_1310], %select_n3A_1308 {strides = array<i32>} : memref<24x16384xf32, #tpu.memory_space<vmem>>, vector<24x256xf32>,
      %lt3A_1312 = arith.cmpf olt, %select_n3A_1308, %min3A_1299 : vector<24x256xf32>
      %jit3A_1313 = arith.constant 42 : i32
      %broadcast_in_dim3A_1314 = vector.broadcast %jit3A_1313 : i32 to vector<24x256xi32>
      %select_n3A_1315 = arith.select %lt3A_1312, %broadcast_in_dim3A_1314, %select_n3A_1298 : vector<24x256xi1>, vector<24x256xi32>
      %min3A_1316 = arith.minimumf %min3A_1299, %select_n3A_1308 : vector<24x256xf32>
      %get3A_1317 = arith.constant 0 : index
      %get3A_1318 = arith.constant 11008 : index
      %get3A_1319 = vector.load %arg4[%get3A_1317, %get3A_1318] : memref<24x16384xf32, #tpu.memory_space<vmem>>, vector<24x256xf32>
      %eq3A_1320 = arith.constant 43 : i32
      %eq3A_1321 = vector.broadcast %eq3A_1320 : i32 to vector<24x256xi32>
      %eq3A_1322 = arith.cmpi eq, %while3A_564, %eq3A_1321 : vector<24x256xi32>
      %jit3A_1323 = arith.constant 1.000000e+30 : f32
      %broadcast_in_dim3A_1324 = vector.broadcast %jit3A_1323 : f32 to vector<24x256xf32>
      %select_n3A_1325 = arith.select %eq3A_1322, %broadcast_in_dim3A_1324, %get3A_1319 : vector<24x256xi1>, vector<24x256xf32>
      %swap3A_1326 = arith.constant 0 : index
      %swap3A_1327 = arith.constant 11008 : index
      %swap3A_1328 = vector.load %arg4[%swap3A_1326, %swap3A_1327] : memref<24x16384xf32, #tpu.memory_space<vmem>>, vector<24x256xf32>
      tpu.vector_store %arg4[%swap3A_1326, %swap3A_1327], %select_n3A_1325 {strides = array<i32>} : memref<24x16384xf32, #tpu.memory_space<vmem>>, vector<24x256xf32>,
      %lt3A_1329 = arith.cmpf olt, %select_n3A_1325, %min3A_1316 : vector<24x256xf32>
      %jit3A_1330 = arith.constant 43 : i32
      %broadcast_in_dim3A_1331 = vector.broadcast %jit3A_1330 : i32 to vector<24x256xi32>
      %select_n3A_1332 = arith.select %lt3A_1329, %broadcast_in_dim3A_1331, %select_n3A_1315 : vector<24x256xi1>, vector<24x256xi32>
      %min3A_1333 = arith.minimumf %min3A_1316, %select_n3A_1325 : vector<24x256xf32>
      %get3A_1334 = arith.constant 0 : index
      %get3A_1335 = arith.constant 11264 : index
      %get3A_1336 = vector.load %arg4[%get3A_1334, %get3A_1335] : memref<24x16384xf32, #tpu.memory_space<vmem>>, vector<24x256xf32>
      %eq3A_1337 = arith.constant 44 : i32
      %eq3A_1338 = vector.broadcast %eq3A_1337 : i32 to vector<24x256xi32>
      %eq3A_1339 = arith.cmpi eq, %while3A_564, %eq3A_1338 : vector<24x256xi32>
      %jit3A_1340 = arith.constant 1.000000e+30 : f32
      %broadcast_in_dim3A_1341 = vector.broadcast %jit3A_1340 : f32 to vector<24x256xf32>
      %select_n3A_1342 = arith.select %eq3A_1339, %broadcast_in_dim3A_1341, %get3A_1336 : vector<24x256xi1>, vector<24x256xf32>
      %swap3A_1343 = arith.constant 0 : index
      %swap3A_1344 = arith.constant 11264 : index
      %swap3A_1345 = vector.load %arg4[%swap3A_1343, %swap3A_1344] : memref<24x16384xf32, #tpu.memory_space<vmem>>, vector<24x256xf32>
      tpu.vector_store %arg4[%swap3A_1343, %swap3A_1344], %select_n3A_1342 {strides = array<i32>} : memref<24x16384xf32, #tpu.memory_space<vmem>>, vector<24x256xf32>,
      %lt3A_1346 = arith.cmpf olt, %select_n3A_1342, %min3A_1333 : vector<24x256xf32>
      %jit3A_1347 = arith.constant 44 : i32
      %broadcast_in_dim3A_1348 = vector.broadcast %jit3A_1347 : i32 to vector<24x256xi32>
      %select_n3A_1349 = arith.select %lt3A_1346, %broadcast_in_dim3A_1348, %select_n3A_1332 : vector<24x256xi1>, vector<24x256xi32>
      %min3A_1350 = arith.minimumf %min3A_1333, %select_n3A_1342 : vector<24x256xf32>
      %get3A_1351 = arith.constant 0 : index
      %get3A_1352 = arith.constant 11520 : index
      %get3A_1353 = vector.load %arg4[%get3A_1351, %get3A_1352] : memref<24x16384xf32, #tpu.memory_space<vmem>>, vector<24x256xf32>
      %eq3A_1354 = arith.constant 45 : i32
      %eq3A_1355 = vector.broadcast %eq3A_1354 : i32 to vector<24x256xi32>
      %eq3A_1356 = arith.cmpi eq, %while3A_564, %eq3A_1355 : vector<24x256xi32>
      %jit3A_1357 = arith.constant 1.000000e+30 : f32
      %broadcast_in_dim3A_1358 = vector.broadcast %jit3A_1357 : f32 to vector<24x256xf32>
      %select_n3A_1359 = arith.select %eq3A_1356, %broadcast_in_dim3A_1358, %get3A_1353 : vector<24x256xi1>, vector<24x256xf32>
      %swap3A_1360 = arith.constant 0 : index
      %swap3A_1361 = arith.constant 11520 : index
      %swap3A_1362 = vector.load %arg4[%swap3A_1360, %swap3A_1361] : memref<24x16384xf32, #tpu.memory_space<vmem>>, vector<24x256xf32>
      tpu.vector_store %arg4[%swap3A_1360, %swap3A_1361], %select_n3A_1359 {strides = array<i32>} : memref<24x16384xf32, #tpu.memory_space<vmem>>, vector<24x256xf32>,
      %lt3A_1363 = arith.cmpf olt, %select_n3A_1359, %min3A_1350 : vector<24x256xf32>
      %jit3A_1364 = arith.constant 45 : i32
      %broadcast_in_dim3A_1365 = vector.broadcast %jit3A_1364 : i32 to vector<24x256xi32>
      %select_n3A_1366 = arith.select %lt3A_1363, %broadcast_in_dim3A_1365, %select_n3A_1349 : vector<24x256xi1>, vector<24x256xi32>
      %min3A_1367 = arith.minimumf %min3A_1350, %select_n3A_1359 : vector<24x256xf32>
      %get3A_1368 = arith.constant 0 : index
      %get3A_1369 = arith.constant 11776 : index
      %get3A_1370 = vector.load %arg4[%get3A_1368, %get3A_1369] : memref<24x16384xf32, #tpu.memory_space<vmem>>, vector<24x256xf32>
      %eq3A_1371 = arith.constant 46 : i32
      %eq3A_1372 = vector.broadcast %eq3A_1371 : i32 to vector<24x256xi32>
      %eq3A_1373 = arith.cmpi eq, %while3A_564, %eq3A_1372 : vector<24x256xi32>
      %jit3A_1374 = arith.constant 1.000000e+30 : f32
      %broadcast_in_dim3A_1375 = vector.broadcast %jit3A_1374 : f32 to vector<24x256xf32>
      %select_n3A_1376 = arith.select %eq3A_1373, %broadcast_in_dim3A_1375, %get3A_1370 : vector<24x256xi1>, vector<24x256xf32>
      %swap3A_1377 = arith.constant 0 : index
      %swap3A_1378 = arith.constant 11776 : index
      %swap3A_1379 = vector.load %arg4[%swap3A_1377, %swap3A_1378] : memref<24x16384xf32, #tpu.memory_space<vmem>>, vector<24x256xf32>
      tpu.vector_store %arg4[%swap3A_1377, %swap3A_1378], %select_n3A_1376 {strides = array<i32>} : memref<24x16384xf32, #tpu.memory_space<vmem>>, vector<24x256xf32>,
      %lt3A_1380 = arith.cmpf olt, %select_n3A_1376, %min3A_1367 : vector<24x256xf32>
      %jit3A_1381 = arith.constant 46 : i32
      %broadcast_in_dim3A_1382 = vector.broadcast %jit3A_1381 : i32 to vector<24x256xi32>
      %select_n3A_1383 = arith.select %lt3A_1380, %broadcast_in_dim3A_1382, %select_n3A_1366 : vector<24x256xi1>, vector<24x256xi32>
      %min3A_1384 = arith.minimumf %min3A_1367, %select_n3A_1376 : vector<24x256xf32>
      %get3A_1385 = arith.constant 0 : index
      %get3A_1386 = arith.constant 12032 : index
      %get3A_1387 = vector.load %arg4[%get3A_1385, %get3A_1386] : memref<24x16384xf32, #tpu.memory_space<vmem>>, vector<24x256xf32>
      %eq3A_1388 = arith.constant 47 : i32
      %eq3A_1389 = vector.broadcast %eq3A_1388 : i32 to vector<24x256xi32>
      %eq3A_1390 = arith.cmpi eq, %while3A_564, %eq3A_1389 : vector<24x256xi32>
      %jit3A_1391 = arith.constant 1.000000e+30 : f32
      %broadcast_in_dim3A_1392 = vector.broadcast %jit3A_1391 : f32 to vector<24x256xf32>
      %select_n3A_1393 = arith.select %eq3A_1390, %broadcast_in_dim3A_1392, %get3A_1387 : vector<24x256xi1>, vector<24x256xf32>
      %swap3A_1394 = arith.constant 0 : index
      %swap3A_1395 = arith.constant 12032 : index
      %swap3A_1396 = vector.load %arg4[%swap3A_1394, %swap3A_1395] : memref<24x16384xf32, #tpu.memory_space<vmem>>, vector<24x256xf32>
      tpu.vector_store %arg4[%swap3A_1394, %swap3A_1395], %select_n3A_1393 {strides = array<i32>} : memref<24x16384xf32, #tpu.memory_space<vmem>>, vector<24x256xf32>,
      %lt3A_1397 = arith.cmpf olt, %select_n3A_1393, %min3A_1384 : vector<24x256xf32>
      %jit3A_1398 = arith.constant 47 : i32
      %broadcast_in_dim3A_1399 = vector.broadcast %jit3A_1398 : i32 to vector<24x256xi32>
      %select_n3A_1400 = arith.select %lt3A_1397, %broadcast_in_dim3A_1399, %select_n3A_1383 : vector<24x256xi1>, vector<24x256xi32>
      %min3A_1401 = arith.minimumf %min3A_1384, %select_n3A_1393 : vector<24x256xf32>
      %get3A_1402 = arith.constant 0 : index
      %get3A_1403 = arith.constant 12288 : index
      %get3A_1404 = vector.load %arg4[%get3A_1402, %get3A_1403] : memref<24x16384xf32, #tpu.memory_space<vmem>>, vector<24x256xf32>
      %eq3A_1405 = arith.constant 48 : i32
      %eq3A_1406 = vector.broadcast %eq3A_1405 : i32 to vector<24x256xi32>
      %eq3A_1407 = arith.cmpi eq, %while3A_564, %eq3A_1406 : vector<24x256xi32>
      %jit3A_1408 = arith.constant 1.000000e+30 : f32
      %broadcast_in_dim3A_1409 = vector.broadcast %jit3A_1408 : f32 to vector<24x256xf32>
      %select_n3A_1410 = arith.select %eq3A_1407, %broadcast_in_dim3A_1409, %get3A_1404 : vector<24x256xi1>, vector<24x256xf32>
      %swap3A_1411 = arith.constant 0 : index
      %swap3A_1412 = arith.constant 12288 : index
      %swap3A_1413 = vector.load %arg4[%swap3A_1411, %swap3A_1412] : memref<24x16384xf32, #tpu.memory_space<vmem>>, vector<24x256xf32>
      tpu.vector_store %arg4[%swap3A_1411, %swap3A_1412], %select_n3A_1410 {strides = array<i32>} : memref<24x16384xf32, #tpu.memory_space<vmem>>, vector<24x256xf32>,
      %lt3A_1414 = arith.cmpf olt, %select_n3A_1410, %min3A_1401 : vector<24x256xf32>
      %jit3A_1415 = arith.constant 48 : i32
      %broadcast_in_dim3A_1416 = vector.broadcast %jit3A_1415 : i32 to vector<24x256xi32>
      %select_n3A_1417 = arith.select %lt3A_1414, %broadcast_in_dim3A_1416, %select_n3A_1400 : vector<24x256xi1>, vector<24x256xi32>
      %min3A_1418 = arith.minimumf %min3A_1401, %select_n3A_1410 : vector<24x256xf32>
      %get3A_1419 = arith.constant 0 : index
      %get3A_1420 = arith.constant 12544 : index
      %get3A_1421 = vector.load %arg4[%get3A_1419, %get3A_1420] : memref<24x16384xf32, #tpu.memory_space<vmem>>, vector<24x256xf32>
      %eq3A_1422 = arith.constant 49 : i32
      %eq3A_1423 = vector.broadcast %eq3A_1422 : i32 to vector<24x256xi32>
      %eq3A_1424 = arith.cmpi eq, %while3A_564, %eq3A_1423 : vector<24x256xi32>
      %jit3A_1425 = arith.constant 1.000000e+30 : f32
      %broadcast_in_dim3A_1426 = vector.broadcast %jit3A_1425 : f32 to vector<24x256xf32>
      %select_n3A_1427 = arith.select %eq3A_1424, %broadcast_in_dim3A_1426, %get3A_1421 : vector<24x256xi1>, vector<24x256xf32>
      %swap3A_1428 = arith.constant 0 : index
      %swap3A_1429 = arith.constant 12544 : index
      %swap3A_1430 = vector.load %arg4[%swap3A_1428, %swap3A_1429] : memref<24x16384xf32, #tpu.memory_space<vmem>>, vector<24x256xf32>
      tpu.vector_store %arg4[%swap3A_1428, %swap3A_1429], %select_n3A_1427 {strides = array<i32>} : memref<24x16384xf32, #tpu.memory_space<vmem>>, vector<24x256xf32>,
      %lt3A_1431 = arith.cmpf olt, %select_n3A_1427, %min3A_1418 : vector<24x256xf32>
      %jit3A_1432 = arith.constant 49 : i32
      %broadcast_in_dim3A_1433 = vector.broadcast %jit3A_1432 : i32 to vector<24x256xi32>
      %select_n3A_1434 = arith.select %lt3A_1431, %broadcast_in_dim3A_1433, %select_n3A_1417 : vector<24x256xi1>, vector<24x256xi32>
      %min3A_1435 = arith.minimumf %min3A_1418, %select_n3A_1427 : vector<24x256xf32>
      %get3A_1436 = arith.constant 0 : index
      %get3A_1437 = arith.constant 12800 : index
      %get3A_1438 = vector.load %arg4[%get3A_1436, %get3A_1437] : memref<24x16384xf32, #tpu.memory_space<vmem>>, vector<24x256xf32>
      %eq3A_1439 = arith.constant 50 : i32
      %eq3A_1440 = vector.broadcast %eq3A_1439 : i32 to vector<24x256xi32>
      %eq3A_1441 = arith.cmpi eq, %while3A_564, %eq3A_1440 : vector<24x256xi32>
      %jit3A_1442 = arith.constant 1.000000e+30 : f32
      %broadcast_in_dim3A_1443 = vector.broadcast %jit3A_1442 : f32 to vector<24x256xf32>
      %select_n3A_1444 = arith.select %eq3A_1441, %broadcast_in_dim3A_1443, %get3A_1438 : vector<24x256xi1>, vector<24x256xf32>
      %swap3A_1445 = arith.constant 0 : index
      %swap3A_1446 = arith.constant 12800 : index
      %swap3A_1447 = vector.load %arg4[%swap3A_1445, %swap3A_1446] : memref<24x16384xf32, #tpu.memory_space<vmem>>, vector<24x256xf32>
      tpu.vector_store %arg4[%swap3A_1445, %swap3A_1446], %select_n3A_1444 {strides = array<i32>} : memref<24x16384xf32, #tpu.memory_space<vmem>>, vector<24x256xf32>,
      %lt3A_1448 = arith.cmpf olt, %select_n3A_1444, %min3A_1435 : vector<24x256xf32>
      %jit3A_1449 = arith.constant 50 : i32
      %broadcast_in_dim3A_1450 = vector.broadcast %jit3A_1449 : i32 to vector<24x256xi32>
      %select_n3A_1451 = arith.select %lt3A_1448, %broadcast_in_dim3A_1450, %select_n3A_1434 : vector<24x256xi1>, vector<24x256xi32>
      %min3A_1452 = arith.minimumf %min3A_1435, %select_n3A_1444 : vector<24x256xf32>
      %get3A_1453 = arith.constant 0 : index
      %get3A_1454 = arith.constant 13056 : index
      %get3A_1455 = vector.load %arg4[%get3A_1453, %get3A_1454] : memref<24x16384xf32, #tpu.memory_space<vmem>>, vector<24x256xf32>
      %eq3A_1456 = arith.constant 51 : i32
      %eq3A_1457 = vector.broadcast %eq3A_1456 : i32 to vector<24x256xi32>
      %eq3A_1458 = arith.cmpi eq, %while3A_564, %eq3A_1457 : vector<24x256xi32>
      %jit3A_1459 = arith.constant 1.000000e+30 : f32
      %broadcast_in_dim3A_1460 = vector.broadcast %jit3A_1459 : f32 to vector<24x256xf32>
      %select_n3A_1461 = arith.select %eq3A_1458, %broadcast_in_dim3A_1460, %get3A_1455 : vector<24x256xi1>, vector<24x256xf32>
      %swap3A_1462 = arith.constant 0 : index
      %swap3A_1463 = arith.constant 13056 : index
      %swap3A_1464 = vector.load %arg4[%swap3A_1462, %swap3A_1463] : memref<24x16384xf32, #tpu.memory_space<vmem>>, vector<24x256xf32>
      tpu.vector_store %arg4[%swap3A_1462, %swap3A_1463], %select_n3A_1461 {strides = array<i32>} : memref<24x16384xf32, #tpu.memory_space<vmem>>, vector<24x256xf32>,
      %lt3A_1465 = arith.cmpf olt, %select_n3A_1461, %min3A_1452 : vector<24x256xf32>
      %jit3A_1466 = arith.constant 51 : i32
      %broadcast_in_dim3A_1467 = vector.broadcast %jit3A_1466 : i32 to vector<24x256xi32>
      %select_n3A_1468 = arith.select %lt3A_1465, %broadcast_in_dim3A_1467, %select_n3A_1451 : vector<24x256xi1>, vector<24x256xi32>
      %min3A_1469 = arith.minimumf %min3A_1452, %select_n3A_1461 : vector<24x256xf32>
      %get3A_1470 = arith.constant 0 : index
      %get3A_1471 = arith.constant 13312 : index
      %get3A_1472 = vector.load %arg4[%get3A_1470, %get3A_1471] : memref<24x16384xf32, #tpu.memory_space<vmem>>, vector<24x256xf32>
      %eq3A_1473 = arith.constant 52 : i32
      %eq3A_1474 = vector.broadcast %eq3A_1473 : i32 to vector<24x256xi32>
      %eq3A_1475 = arith.cmpi eq, %while3A_564, %eq3A_1474 : vector<24x256xi32>
      %jit3A_1476 = arith.constant 1.000000e+30 : f32
      %broadcast_in_dim3A_1477 = vector.broadcast %jit3A_1476 : f32 to vector<24x256xf32>
      %select_n3A_1478 = arith.select %eq3A_1475, %broadcast_in_dim3A_1477, %get3A_1472 : vector<24x256xi1>, vector<24x256xf32>
      %swap3A_1479 = arith.constant 0 : index
      %swap3A_1480 = arith.constant 13312 : index
      %swap3A_1481 = vector.load %arg4[%swap3A_1479, %swap3A_1480] : memref<24x16384xf32, #tpu.memory_space<vmem>>, vector<24x256xf32>
      tpu.vector_store %arg4[%swap3A_1479, %swap3A_1480], %select_n3A_1478 {strides = array<i32>} : memref<24x16384xf32, #tpu.memory_space<vmem>>, vector<24x256xf32>,
      %lt3A_1482 = arith.cmpf olt, %select_n3A_1478, %min3A_1469 : vector<24x256xf32>
      %jit3A_1483 = arith.constant 52 : i32
      %broadcast_in_dim3A_1484 = vector.broadcast %jit3A_1483 : i32 to vector<24x256xi32>
      %select_n3A_1485 = arith.select %lt3A_1482, %broadcast_in_dim3A_1484, %select_n3A_1468 : vector<24x256xi1>, vector<24x256xi32>
      %min3A_1486 = arith.minimumf %min3A_1469, %select_n3A_1478 : vector<24x256xf32>
      %get3A_1487 = arith.constant 0 : index
      %get3A_1488 = arith.constant 13568 : index
      %get3A_1489 = vector.load %arg4[%get3A_1487, %get3A_1488] : memref<24x16384xf32, #tpu.memory_space<vmem>>, vector<24x256xf32>
      %eq3A_1490 = arith.constant 53 : i32
      %eq3A_1491 = vector.broadcast %eq3A_1490 : i32 to vector<24x256xi32>
      %eq3A_1492 = arith.cmpi eq, %while3A_564, %eq3A_1491 : vector<24x256xi32>
      %jit3A_1493 = arith.constant 1.000000e+30 : f32
      %broadcast_in_dim3A_1494 = vector.broadcast %jit3A_1493 : f32 to vector<24x256xf32>
      %select_n3A_1495 = arith.select %eq3A_1492, %broadcast_in_dim3A_1494, %get3A_1489 : vector<24x256xi1>, vector<24x256xf32>
      %swap3A_1496 = arith.constant 0 : index
      %swap3A_1497 = arith.constant 13568 : index
      %swap3A_1498 = vector.load %arg4[%swap3A_1496, %swap3A_1497] : memref<24x16384xf32, #tpu.memory_space<vmem>>, vector<24x256xf32>
      tpu.vector_store %arg4[%swap3A_1496, %swap3A_1497], %select_n3A_1495 {strides = array<i32>} : memref<24x16384xf32, #tpu.memory_space<vmem>>, vector<24x256xf32>,
      %lt3A_1499 = arith.cmpf olt, %select_n3A_1495, %min3A_1486 : vector<24x256xf32>
      %jit3A_1500 = arith.constant 53 : i32
      %broadcast_in_dim3A_1501 = vector.broadcast %jit3A_1500 : i32 to vector<24x256xi32>
      %select_n3A_1502 = arith.select %lt3A_1499, %broadcast_in_dim3A_1501, %select_n3A_1485 : vector<24x256xi1>, vector<24x256xi32>
      %min3A_1503 = arith.minimumf %min3A_1486, %select_n3A_1495 : vector<24x256xf32>
      %get3A_1504 = arith.constant 0 : index
      %get3A_1505 = arith.constant 13824 : index
      %get3A_1506 = vector.load %arg4[%get3A_1504, %get3A_1505] : memref<24x16384xf32, #tpu.memory_space<vmem>>, vector<24x256xf32>
      %eq3A_1507 = arith.constant 54 : i32
      %eq3A_1508 = vector.broadcast %eq3A_1507 : i32 to vector<24x256xi32>
      %eq3A_1509 = arith.cmpi eq, %while3A_564, %eq3A_1508 : vector<24x256xi32>
      %jit3A_1510 = arith.constant 1.000000e+30 : f32
      %broadcast_in_dim3A_1511 = vector.broadcast %jit3A_1510 : f32 to vector<24x256xf32>
      %select_n3A_1512 = arith.select %eq3A_1509, %broadcast_in_dim3A_1511, %get3A_1506 : vector<24x256xi1>, vector<24x256xf32>
      %swap3A_1513 = arith.constant 0 : index
      %swap3A_1514 = arith.constant 13824 : index
      %swap3A_1515 = vector.load %arg4[%swap3A_1513, %swap3A_1514] : memref<24x16384xf32, #tpu.memory_space<vmem>>, vector<24x256xf32>
      tpu.vector_store %arg4[%swap3A_1513, %swap3A_1514], %select_n3A_1512 {strides = array<i32>} : memref<24x16384xf32, #tpu.memory_space<vmem>>, vector<24x256xf32>,
      %lt3A_1516 = arith.cmpf olt, %select_n3A_1512, %min3A_1503 : vector<24x256xf32>
      %jit3A_1517 = arith.constant 54 : i32
      %broadcast_in_dim3A_1518 = vector.broadcast %jit3A_1517 : i32 to vector<24x256xi32>
      %select_n3A_1519 = arith.select %lt3A_1516, %broadcast_in_dim3A_1518, %select_n3A_1502 : vector<24x256xi1>, vector<24x256xi32>
      %min3A_1520 = arith.minimumf %min3A_1503, %select_n3A_1512 : vector<24x256xf32>
      %get3A_1521 = arith.constant 0 : index
      %get3A_1522 = arith.constant 14080 : index
      %get3A_1523 = vector.load %arg4[%get3A_1521, %get3A_1522] : memref<24x16384xf32, #tpu.memory_space<vmem>>, vector<24x256xf32>
      %eq3A_1524 = arith.constant 55 : i32
      %eq3A_1525 = vector.broadcast %eq3A_1524 : i32 to vector<24x256xi32>
      %eq3A_1526 = arith.cmpi eq, %while3A_564, %eq3A_1525 : vector<24x256xi32>
      %jit3A_1527 = arith.constant 1.000000e+30 : f32
      %broadcast_in_dim3A_1528 = vector.broadcast %jit3A_1527 : f32 to vector<24x256xf32>
      %select_n3A_1529 = arith.select %eq3A_1526, %broadcast_in_dim3A_1528, %get3A_1523 : vector<24x256xi1>, vector<24x256xf32>
      %swap3A_1530 = arith.constant 0 : index
      %swap3A_1531 = arith.constant 14080 : index
      %swap3A_1532 = vector.load %arg4[%swap3A_1530, %swap3A_1531] : memref<24x16384xf32, #tpu.memory_space<vmem>>, vector<24x256xf32>
      tpu.vector_store %arg4[%swap3A_1530, %swap3A_1531], %select_n3A_1529 {strides = array<i32>} : memref<24x16384xf32, #tpu.memory_space<vmem>>, vector<24x256xf32>,
      %lt3A_1533 = arith.cmpf olt, %select_n3A_1529, %min3A_1520 : vector<24x256xf32>
      %jit3A_1534 = arith.constant 55 : i32
      %broadcast_in_dim3A_1535 = vector.broadcast %jit3A_1534 : i32 to vector<24x256xi32>
      %select_n3A_1536 = arith.select %lt3A_1533, %broadcast_in_dim3A_1535, %select_n3A_1519 : vector<24x256xi1>, vector<24x256xi32>
      %min3A_1537 = arith.minimumf %min3A_1520, %select_n3A_1529 : vector<24x256xf32>
      %get3A_1538 = arith.constant 0 : index
      %get3A_1539 = arith.constant 14336 : index
      %get3A_1540 = vector.load %arg4[%get3A_1538, %get3A_1539] : memref<24x16384xf32, #tpu.memory_space<vmem>>, vector<24x256xf32>
      %eq3A_1541 = arith.constant 56 : i32
      %eq3A_1542 = vector.broadcast %eq3A_1541 : i32 to vector<24x256xi32>
      %eq3A_1543 = arith.cmpi eq, %while3A_564, %eq3A_1542 : vector<24x256xi32>
      %jit3A_1544 = arith.constant 1.000000e+30 : f32
      %broadcast_in_dim3A_1545 = vector.broadcast %jit3A_1544 : f32 to vector<24x256xf32>
      %select_n3A_1546 = arith.select %eq3A_1543, %broadcast_in_dim3A_1545, %get3A_1540 : vector<24x256xi1>, vector<24x256xf32>
      %swap3A_1547 = arith.constant 0 : index
      %swap3A_1548 = arith.constant 14336 : index
      %swap3A_1549 = vector.load %arg4[%swap3A_1547, %swap3A_1548] : memref<24x16384xf32, #tpu.memory_space<vmem>>, vector<24x256xf32>
      tpu.vector_store %arg4[%swap3A_1547, %swap3A_1548], %select_n3A_1546 {strides = array<i32>} : memref<24x16384xf32, #tpu.memory_space<vmem>>, vector<24x256xf32>,
      %lt3A_1550 = arith.cmpf olt, %select_n3A_1546, %min3A_1537 : vector<24x256xf32>
      %jit3A_1551 = arith.constant 56 : i32
      %broadcast_in_dim3A_1552 = vector.broadcast %jit3A_1551 : i32 to vector<24x256xi32>
      %select_n3A_1553 = arith.select %lt3A_1550, %broadcast_in_dim3A_1552, %select_n3A_1536 : vector<24x256xi1>, vector<24x256xi32>
      %min3A_1554 = arith.minimumf %min3A_1537, %select_n3A_1546 : vector<24x256xf32>
      %get3A_1555 = arith.constant 0 : index
      %get3A_1556 = arith.constant 14592 : index
      %get3A_1557 = vector.load %arg4[%get3A_1555, %get3A_1556] : memref<24x16384xf32, #tpu.memory_space<vmem>>, vector<24x256xf32>
      %eq3A_1558 = arith.constant 57 : i32
      %eq3A_1559 = vector.broadcast %eq3A_1558 : i32 to vector<24x256xi32>
      %eq3A_1560 = arith.cmpi eq, %while3A_564, %eq3A_1559 : vector<24x256xi32>
      %jit3A_1561 = arith.constant 1.000000e+30 : f32
      %broadcast_in_dim3A_1562 = vector.broadcast %jit3A_1561 : f32 to vector<24x256xf32>
      %select_n3A_1563 = arith.select %eq3A_1560, %broadcast_in_dim3A_1562, %get3A_1557 : vector<24x256xi1>, vector<24x256xf32>
      %swap3A_1564 = arith.constant 0 : index
      %swap3A_1565 = arith.constant 14592 : index
      %swap3A_1566 = vector.load %arg4[%swap3A_1564, %swap3A_1565] : memref<24x16384xf32, #tpu.memory_space<vmem>>, vector<24x256xf32>
      tpu.vector_store %arg4[%swap3A_1564, %swap3A_1565], %select_n3A_1563 {strides = array<i32>} : memref<24x16384xf32, #tpu.memory_space<vmem>>, vector<24x256xf32>,
      %lt3A_1567 = arith.cmpf olt, %select_n3A_1563, %min3A_1554 : vector<24x256xf32>
      %jit3A_1568 = arith.constant 57 : i32
      %broadcast_in_dim3A_1569 = vector.broadcast %jit3A_1568 : i32 to vector<24x256xi32>
      %select_n3A_1570 = arith.select %lt3A_1567, %broadcast_in_dim3A_1569, %select_n3A_1553 : vector<24x256xi1>, vector<24x256xi32>
      %min3A_1571 = arith.minimumf %min3A_1554, %select_n3A_1563 : vector<24x256xf32>
      %get3A_1572 = arith.constant 0 : index
      %get3A_1573 = arith.constant 14848 : index
      %get3A_1574 = vector.load %arg4[%get3A_1572, %get3A_1573] : memref<24x16384xf32, #tpu.memory_space<vmem>>, vector<24x256xf32>
      %eq3A_1575 = arith.constant 58 : i32
      %eq3A_1576 = vector.broadcast %eq3A_1575 : i32 to vector<24x256xi32>
      %eq3A_1577 = arith.cmpi eq, %while3A_564, %eq3A_1576 : vector<24x256xi32>
      %jit3A_1578 = arith.constant 1.000000e+30 : f32
      %broadcast_in_dim3A_1579 = vector.broadcast %jit3A_1578 : f32 to vector<24x256xf32>
      %select_n3A_1580 = arith.select %eq3A_1577, %broadcast_in_dim3A_1579, %get3A_1574 : vector<24x256xi1>, vector<24x256xf32>
      %swap3A_1581 = arith.constant 0 : index
      %swap3A_1582 = arith.constant 14848 : index
      %swap3A_1583 = vector.load %arg4[%swap3A_1581, %swap3A_1582] : memref<24x16384xf32, #tpu.memory_space<vmem>>, vector<24x256xf32>
      tpu.vector_store %arg4[%swap3A_1581, %swap3A_1582], %select_n3A_1580 {strides = array<i32>} : memref<24x16384xf32, #tpu.memory_space<vmem>>, vector<24x256xf32>,
      %lt3A_1584 = arith.cmpf olt, %select_n3A_1580, %min3A_1571 : vector<24x256xf32>
      %jit3A_1585 = arith.constant 58 : i32
      %broadcast_in_dim3A_1586 = vector.broadcast %jit3A_1585 : i32 to vector<24x256xi32>
      %select_n3A_1587 = arith.select %lt3A_1584, %broadcast_in_dim3A_1586, %select_n3A_1570 : vector<24x256xi1>, vector<24x256xi32>
      %min3A_1588 = arith.minimumf %min3A_1571, %select_n3A_1580 : vector<24x256xf32>
      %get3A_1589 = arith.constant 0 : index
      %get3A_1590 = arith.constant 15104 : index
      %get3A_1591 = vector.load %arg4[%get3A_1589, %get3A_1590] : memref<24x16384xf32, #tpu.memory_space<vmem>>, vector<24x256xf32>
      %eq3A_1592 = arith.constant 59 : i32
      %eq3A_1593 = vector.broadcast %eq3A_1592 : i32 to vector<24x256xi32>
      %eq3A_1594 = arith.cmpi eq, %while3A_564, %eq3A_1593 : vector<24x256xi32>
      %jit3A_1595 = arith.constant 1.000000e+30 : f32
      %broadcast_in_dim3A_1596 = vector.broadcast %jit3A_1595 : f32 to vector<24x256xf32>
      %select_n3A_1597 = arith.select %eq3A_1594, %broadcast_in_dim3A_1596, %get3A_1591 : vector<24x256xi1>, vector<24x256xf32>
      %swap3A_1598 = arith.constant 0 : index
      %swap3A_1599 = arith.constant 15104 : index
      %swap3A_1600 = vector.load %arg4[%swap3A_1598, %swap3A_1599] : memref<24x16384xf32, #tpu.memory_space<vmem>>, vector<24x256xf32>
      tpu.vector_store %arg4[%swap3A_1598, %swap3A_1599], %select_n3A_1597 {strides = array<i32>} : memref<24x16384xf32, #tpu.memory_space<vmem>>, vector<24x256xf32>,
      %lt3A_1601 = arith.cmpf olt, %select_n3A_1597, %min3A_1588 : vector<24x256xf32>
      %jit3A_1602 = arith.constant 59 : i32
      %broadcast_in_dim3A_1603 = vector.broadcast %jit3A_1602 : i32 to vector<24x256xi32>
      %select_n3A_1604 = arith.select %lt3A_1601, %broadcast_in_dim3A_1603, %select_n3A_1587 : vector<24x256xi1>, vector<24x256xi32>
      %min3A_1605 = arith.minimumf %min3A_1588, %select_n3A_1597 : vector<24x256xf32>
      %get3A_1606 = arith.constant 0 : index
      %get3A_1607 = arith.constant 15360 : index
      %get3A_1608 = vector.load %arg4[%get3A_1606, %get3A_1607] : memref<24x16384xf32, #tpu.memory_space<vmem>>, vector<24x256xf32>
      %eq3A_1609 = arith.constant 60 : i32
      %eq3A_1610 = vector.broadcast %eq3A_1609 : i32 to vector<24x256xi32>
      %eq3A_1611 = arith.cmpi eq, %while3A_564, %eq3A_1610 : vector<24x256xi32>
      %jit3A_1612 = arith.constant 1.000000e+30 : f32
      %broadcast_in_dim3A_1613 = vector.broadcast %jit3A_1612 : f32 to vector<24x256xf32>
      %select_n3A_1614 = arith.select %eq3A_1611, %broadcast_in_dim3A_1613, %get3A_1608 : vector<24x256xi1>, vector<24x256xf32>
      %swap3A_1615 = arith.constant 0 : index
      %swap3A_1616 = arith.constant 15360 : index
      %swap3A_1617 = vector.load %arg4[%swap3A_1615, %swap3A_1616] : memref<24x16384xf32, #tpu.memory_space<vmem>>, vector<24x256xf32>
      tpu.vector_store %arg4[%swap3A_1615, %swap3A_1616], %select_n3A_1614 {strides = array<i32>} : memref<24x16384xf32, #tpu.memory_space<vmem>>, vector<24x256xf32>,
      %lt3A_1618 = arith.cmpf olt, %select_n3A_1614, %min3A_1605 : vector<24x256xf32>
      %jit3A_1619 = arith.constant 60 : i32
      %broadcast_in_dim3A_1620 = vector.broadcast %jit3A_1619 : i32 to vector<24x256xi32>
      %select_n3A_1621 = arith.select %lt3A_1618, %broadcast_in_dim3A_1620, %select_n3A_1604 : vector<24x256xi1>, vector<24x256xi32>
      %min3A_1622 = arith.minimumf %min3A_1605, %select_n3A_1614 : vector<24x256xf32>
      %get3A_1623 = arith.constant 0 : index
      %get3A_1624 = arith.constant 15616 : index
      %get3A_1625 = vector.load %arg4[%get3A_1623, %get3A_1624] : memref<24x16384xf32, #tpu.memory_space<vmem>>, vector<24x256xf32>
      %eq3A_1626 = arith.constant 61 : i32
      %eq3A_1627 = vector.broadcast %eq3A_1626 : i32 to vector<24x256xi32>
      %eq3A_1628 = arith.cmpi eq, %while3A_564, %eq3A_1627 : vector<24x256xi32>
      %jit3A_1629 = arith.constant 1.000000e+30 : f32
      %broadcast_in_dim3A_1630 = vector.broadcast %jit3A_1629 : f32 to vector<24x256xf32>
      %select_n3A_1631 = arith.select %eq3A_1628, %broadcast_in_dim3A_1630, %get3A_1625 : vector<24x256xi1>, vector<24x256xf32>
      %swap3A_1632 = arith.constant 0 : index
      %swap3A_1633 = arith.constant 15616 : index
      %swap3A_1634 = vector.load %arg4[%swap3A_1632, %swap3A_1633] : memref<24x16384xf32, #tpu.memory_space<vmem>>, vector<24x256xf32>
      tpu.vector_store %arg4[%swap3A_1632, %swap3A_1633], %select_n3A_1631 {strides = array<i32>} : memref<24x16384xf32, #tpu.memory_space<vmem>>, vector<24x256xf32>,
      %lt3A_1635 = arith.cmpf olt, %select_n3A_1631, %min3A_1622 : vector<24x256xf32>
      %jit3A_1636 = arith.constant 61 : i32
      %broadcast_in_dim3A_1637 = vector.broadcast %jit3A_1636 : i32 to vector<24x256xi32>
      %select_n3A_1638 = arith.select %lt3A_1635, %broadcast_in_dim3A_1637, %select_n3A_1621 : vector<24x256xi1>, vector<24x256xi32>
      %min3A_1639 = arith.minimumf %min3A_1622, %select_n3A_1631 : vector<24x256xf32>
      %get3A_1640 = arith.constant 0 : index
      %get3A_1641 = arith.constant 15872 : index
      %get3A_1642 = vector.load %arg4[%get3A_1640, %get3A_1641] : memref<24x16384xf32, #tpu.memory_space<vmem>>, vector<24x256xf32>
      %eq3A_1643 = arith.constant 62 : i32
      %eq3A_1644 = vector.broadcast %eq3A_1643 : i32 to vector<24x256xi32>
      %eq3A_1645 = arith.cmpi eq, %while3A_564, %eq3A_1644 : vector<24x256xi32>
      %jit3A_1646 = arith.constant 1.000000e+30 : f32
      %broadcast_in_dim3A_1647 = vector.broadcast %jit3A_1646 : f32 to vector<24x256xf32>
      %select_n3A_1648 = arith.select %eq3A_1645, %broadcast_in_dim3A_1647, %get3A_1642 : vector<24x256xi1>, vector<24x256xf32>
      %swap3A_1649 = arith.constant 0 : index
      %swap3A_1650 = arith.constant 15872 : index
      %swap3A_1651 = vector.load %arg4[%swap3A_1649, %swap3A_1650] : memref<24x16384xf32, #tpu.memory_space<vmem>>, vector<24x256xf32>
      tpu.vector_store %arg4[%swap3A_1649, %swap3A_1650], %select_n3A_1648 {strides = array<i32>} : memref<24x16384xf32, #tpu.memory_space<vmem>>, vector<24x256xf32>,
      %lt3A_1652 = arith.cmpf olt, %select_n3A_1648, %min3A_1639 : vector<24x256xf32>
      %jit3A_1653 = arith.constant 62 : i32
      %broadcast_in_dim3A_1654 = vector.broadcast %jit3A_1653 : i32 to vector<24x256xi32>
      %select_n3A_1655 = arith.select %lt3A_1652, %broadcast_in_dim3A_1654, %select_n3A_1638 : vector<24x256xi1>, vector<24x256xi32>
      %min3A_1656 = arith.minimumf %min3A_1639, %select_n3A_1648 : vector<24x256xf32>
      %get3A_1657 = arith.constant 0 : index
      %get3A_1658 = arith.constant 16128 : index
      %get3A_1659 = vector.load %arg4[%get3A_1657, %get3A_1658] : memref<24x16384xf32, #tpu.memory_space<vmem>>, vector<24x256xf32>
      %eq3A_1660 = arith.constant 63 : i32
      %eq3A_1661 = vector.broadcast %eq3A_1660 : i32 to vector<24x256xi32>
      %eq3A_1662 = arith.cmpi eq, %while3A_564, %eq3A_1661 : vector<24x256xi32>
      %jit3A_1663 = arith.constant 1.000000e+30 : f32
      %broadcast_in_dim3A_1664 = vector.broadcast %jit3A_1663 : f32 to vector<24x256xf32>
      %select_n3A_1665 = arith.select %eq3A_1662, %broadcast_in_dim3A_1664, %get3A_1659 : vector<24x256xi1>, vector<24x256xf32>
      %swap3A_1666 = arith.constant 0 : index
      %swap3A_1667 = arith.constant 16128 : index
      %swap3A_1668 = vector.load %arg4[%swap3A_1666, %swap3A_1667] : memref<24x16384xf32, #tpu.memory_space<vmem>>, vector<24x256xf32>
      tpu.vector_store %arg4[%swap3A_1666, %swap3A_1667], %select_n3A_1665 {strides = array<i32>} : memref<24x16384xf32, #tpu.memory_space<vmem>>, vector<24x256xf32>,
      %lt3A_1669 = arith.cmpf olt, %select_n3A_1665, %min3A_1656 : vector<24x256xf32>
      %jit3A_1670 = arith.constant 63 : i32
      %broadcast_in_dim3A_1671 = vector.broadcast %jit3A_1670 : i32 to vector<24x256xi32>
      %select_n3A_1672 = arith.select %lt3A_1669, %broadcast_in_dim3A_1671, %select_n3A_1655 : vector<24x256xi1>, vector<24x256xi32>
      %min3A_1673 = arith.minimumf %min3A_1656, %select_n3A_1665 : vector<24x256xf32>
      %reduce_min3A = arith.constant dense<0x7F800000> : vector<24xf32>
      %reduce_min3A_1674 = vector.multi_reduction <minimumf>, %min3A_1673, %reduce_min3A [1] : vector<24x256xf32> to vector<24xf32>
      %broadcast_in_dim3A_1675 = vector.shape_cast %reduce_min3A_1674 : vector<24xf32> to vector<24x1xf32>
      %get3A_1676 = arith.constant 0 : index
      %get3A_1677 = arith.constant 0 : index
      %get3A_1678 = arith.constant 0 : index
      %get3A_1679 = vector.load %arg5[%get3A_1676, %get3A_1677, %get3A_1678] : memref<6x24x256xf32, #tpu.memory_space<vmem>>, vector<6x24x256xf32>
      %broadcast_in_dim3A_1680 = vector.shape_cast %broadcast_in_dim3A_1675 : vector<24x1xf32> to vector<1x24x1xf32>
      %lt3A_1681 = vector.broadcast %broadcast_in_dim3A_1680 : vector<1x24x1xf32> to vector<6x24x256xf32>
      %lt3A_1682 = arith.cmpf olt, %get3A_1679, %lt3A_1681 : vector<6x24x256xf32>
      %convert_element_type3A_1683 = arith.extui %lt3A_1682 : vector<6x24x256xi1> to vector<6x24x256xi32>
      %convert_element_type3A_1684 = arith.sitofp %convert_element_type3A_1683 : vector<6x24x256xi32> to vector<6x24x256xf32>
      %reduce_sum3A_1685 = arith.constant dense<0.000000e+00> : vector<24x256xf32>
      %reduce_sum3A_1686 = vector.multi_reduction <add>, %convert_element_type3A_1684, %reduce_sum3A_1685 [0] : vector<6x24x256xf32> to vector<24x256xf32>
      %reduce_sum3A_1687 = arith.constant dense<0.000000e+00> : vector<24xf32>
      %reduce_sum3A_1688 = vector.multi_reduction <add>, %reduce_sum3A_1686, %reduce_sum3A_1687 [1] : vector<24x256xf32> to vector<24xf32>
      %add3A_1689 = arith.constant 1 : i32
      %add3A_1690 = arith.addi %while3A_562, %add3A_1689 : i32
      %reduce_min3A_1691 = vector.shape_cast %reduce_sum3A_1688 : vector<24xf32> to vector<1x24xf32>
      %reduce_min3A_1692 = arith.constant dense<0x7F800000> : vector<1xf32>
      %reduce_min3A_1693 = vector.multi_reduction <minimumf>, %reduce_min3A_1691, %reduce_min3A_1692 [1] : vector<1x24xf32> to vector<1xf32>
      %reduce_min3A_1694 = vector.shape_cast %reduce_min3A_1693 : vector<1xf32> to vector<1x1xf32>
      %reduce_min3A_1695 = vector.extract %reduce_min3A_1694[0, 0] : f32 from vector<1x1xf32>
      %ge3A = arith.constant 3.200000e+01 : f32
      %ge3A_1696 = arith.cmpf oge, %reduce_min3A_1695, %ge3A : f32
      scf.yield %add3A_1690, %min3A_1673, %select_n3A_1672, %ge3A_1696 : i32, vector<24x256xf32>, vector<24x256xi32>, i1
    }
    %convert_element_type3A = arith.extui %while3A_549#3 : i1 to i32
    %cond3A = arith.constant 0 : i32
    %cond3A_550 = arith.cmpi ne, %convert_element_type3A, %cond3A : i32
    %cond3A_551 = scf.if %cond3A_550 -> (vector<24x32xi32>) {
      %get3A_562 = arith.constant 0 : index
      %get3A_563 = arith.constant 0 : index
      %get3A_564 = arith.constant 0 : index
      %get3A_565 = vector.load %arg5[%get3A_562, %get3A_563, %get3A_564] : memref<6x24x256xf32, #tpu.memory_space<vmem>>, vector<6x24x256xf32>
      %broadcast_in_dim3A_566 = arith.constant 0 : i32
      %broadcast_in_dim3A_567 = vector.broadcast %broadcast_in_dim3A_566 : i32 to vector<24x32xi32>
      %scan3A = arith.constant 0 : i32
      %scan3A_568 = arith.constant 32 : i32
      %scan3A_569 = arith.addi %scan3A, %scan3A_568 : i32
      %scan3A_570 = arith.constant 1 : i32
      %scan3A_571:2 = scf.for %scan3A_573 = %scan3A to %scan3A_569 step %scan3A_570 iter_args(%scan3A_574 = %get3A_565, %scan3A_575 = %broadcast_in_dim3A_567) -> (vector<6x24x256xf32>, vector<24x32xi32>)  : i32 {
        %reduce_min3A = arith.constant dense<0x7F800000> : vector<24x256xf32>
        %reduce_min3A_576 = vector.multi_reduction <minimumf>, %scan3A_574, %reduce_min3A [0] : vector<6x24x256xf32> to vector<24x256xf32>
        %reduce_min3A_577 = arith.constant dense<0x7F800000> : vector<24xf32>
        %reduce_min3A_578 = vector.multi_reduction <minimumf>, %reduce_min3A_576, %reduce_min3A_577 [1] : vector<24x256xf32> to vector<24xf32>
        %broadcast_in_dim3A_579 = vector.shape_cast %reduce_min3A_578 : vector<24xf32> to vector<24x1xf32>
        %broadcast_in_dim3A_580 = vector.shape_cast %broadcast_in_dim3A_579 : vector<24x1xf32> to vector<1x24x1xf32>
        %eq3A = vector.broadcast %broadcast_in_dim3A_580 : vector<1x24x1xf32> to vector<6x24x256xf32>
        %eq3A_581 = arith.cmpf oeq, %scan3A_574, %eq3A : vector<6x24x256xf32>
        %get3A_582 = arith.constant 0 : index
        %get3A_583 = arith.constant 0 : index
        %get3A_584 = arith.constant 0 : index
        %get3A_585 = vector.load %arg6[%get3A_582, %get3A_583, %get3A_584] : memref<6x24x256xf32, #tpu.memory_space<vmem>>, vector<6x24x256xf32>
        %jit3A_586 = arith.constant 4.000000e+30 : f32
        %broadcast_in_dim3A_587 = vector.broadcast %jit3A_586 : f32 to vector<6x24x256xf32>
        %select_n3A_588 = arith.select %eq3A_581, %get3A_585, %broadcast_in_dim3A_587 : vector<6x24x256xi1>, vector<6x24x256xf32>
        %reduce_min3A_589 = arith.constant dense<0x7F800000> : vector<24x256xf32>
        %reduce_min3A_590 = vector.multi_reduction <minimumf>, %select_n3A_588, %reduce_min3A_589 [0] : vector<6x24x256xf32> to vector<24x256xf32>
        %reduce_min3A_591 = arith.constant dense<0x7F800000> : vector<24xf32>
        %reduce_min3A_592 = vector.multi_reduction <minimumf>, %reduce_min3A_590, %reduce_min3A_591 [1] : vector<24x256xf32> to vector<24xf32>
        %broadcast_in_dim3A_593 = vector.shape_cast %reduce_min3A_592 : vector<24xf32> to vector<24x1xf32>
        %get3A_594 = arith.constant 0 : index
        %get3A_595 = arith.constant 0 : index
        %get3A_596 = arith.constant 0 : index
        %get3A_597 = vector.load %arg6[%get3A_594, %get3A_595, %get3A_596] : memref<6x24x256xf32, #tpu.memory_space<vmem>>, vector<6x24x256xf32>
        %broadcast_in_dim3A_598 = vector.shape_cast %broadcast_in_dim3A_593 : vector<24x1xf32> to vector<1x24x1xf32>
        %eq3A_599 = vector.broadcast %broadcast_in_dim3A_598 : vector<1x24x1xf32> to vector<6x24x256xf32>
        %eq3A_600 = arith.cmpf oeq, %get3A_597, %eq3A_599 : vector<6x24x256xf32>
        %and3A = arith.andi %eq3A_581, %eq3A_600 : vector<6x24x256xi1>
        %jit3A_601 = arith.constant 1.000000e+30 : f32
        %broadcast_in_dim3A_602 = vector.broadcast %jit3A_601 : f32 to vector<6x24x256xf32>
        %select_n3A_603 = arith.select %and3A, %broadcast_in_dim3A_602, %scan3A_574 : vector<6x24x256xi1>, vector<6x24x256xf32>
        %eq3A_604 = vector.broadcast %scan3A_573 : i32 to vector<24x32xi32>
        %eq3A_605 = arith.cmpi eq, %iota3A_23, %eq3A_604 : vector<24x32xi32>
        %convert_element_type3A_606 = arith.fptosi %broadcast_in_dim3A_593 : vector<24x1xf32> to vector<24x1xi32>
        %broadcast_in_dim3A_607 = vector.shape_cast %convert_element_type3A_606 : vector<24x1xi32> to vector<24x1xi32>
        %broadcast_in_dim3A_608 = vector.broadcast %broadcast_in_dim3A_607 : vector<24x1xi32> to vector<24x32xi32>
        %select_n3A_609 = arith.select %eq3A_605, %broadcast_in_dim3A_608, %scan3A_575 : vector<24x32xi1>, vector<24x32xi32>
        scf.yield %select_n3A_603, %select_n3A_609 : vector<6x24x256xf32>, vector<24x32xi32>
      }
      %scan3A_572 = arith.constant 32 : i32
      scf.yield %scan3A_571#1 : vector<24x32xi32>
    } else {
      %mul3A_562 = arith.constant -2.000000e+00 : f32
      %mul3A_563 = vector.broadcast %mul3A_562 : f32 to vector<24x16384xf32>
      %mul3A_564 = arith.mulf %mul3A_563, %dot_general3A_9 : vector<24x16384xf32>
      %add3A_565 = vector.broadcast %broadcast_in_dim3A : vector<24x1xf32> to vector<24x16384xf32>
      %add3A_566 = arith.addf %mul3A_564, %add3A_565 : vector<24x16384xf32>
      %add3A_567 = vector.broadcast %broadcast_in_dim3A_14 : vector<1x16384xf32> to vector<24x16384xf32>
      %add3A_568 = arith.addf %add3A_566, %add3A_567 : vector<24x16384xf32>
      %swap3A_569 = arith.constant 0 : index
      %swap3A_570 = arith.constant 0 : index
      %swap3A_571 = vector.load %arg4[%swap3A_569, %swap3A_570] : memref<24x16384xf32, #tpu.memory_space<vmem>>, vector<24x16384xf32>
      tpu.vector_store %arg4[%swap3A_569, %swap3A_570], %add3A_568 {strides = array<i32>} : memref<24x16384xf32, #tpu.memory_space<vmem>>, vector<24x16384xf32>,
      %iota3A_572 = tpu.iota {dimensions = array<i32: 1>} : vector<24x16384xi32>
      %broadcast_in_dim3A_573 = arith.constant 0 : i32
      %broadcast_in_dim3A_574 = vector.broadcast %broadcast_in_dim3A_573 : i32 to vector<24x32xi32>
      %scan3A = arith.constant 0 : i32
      %scan3A_575 = arith.constant 32 : i32
      %scan3A_576 = arith.addi %scan3A, %scan3A_575 : i32
      %scan3A_577 = arith.constant 1 : i32
      %scan3A_578 = scf.for %scan3A_580 = %scan3A to %scan3A_576 step %scan3A_577 iter_args(%scan3A_581 = %broadcast_in_dim3A_574) -> (vector<24x32xi32>)  : i32 {
        %get3A_582 = arith.constant 0 : index
        %get3A_583 = arith.constant 0 : index
        %get3A_584 = vector.load %arg4[%get3A_582, %get3A_583] : memref<24x16384xf32, #tpu.memory_space<vmem>>, vector<24x16384xf32>
        %argmin3A = tpu.reduce_index %get3A_584 {axis = 1 : i32, kind = #tpu.reduction_kind<arg_min>} : vector<24x16384xf32> -> vector<24xi32>
        %broadcast_in_dim3A_585 = vector.shape_cast %argmin3A : vector<24xi32> to vector<24x1xi32>
        %eq3A = vector.broadcast %broadcast_in_dim3A_585 : vector<24x1xi32> to vector<24x16384xi32>
        %eq3A_586 = arith.cmpi eq, %iota3A_572, %eq3A : vector<24x16384xi32>
        %jit3A_587 = arith.constant 1.000000e+30 : f32
        %broadcast_in_dim3A_588 = vector.broadcast %jit3A_587 : f32 to vector<24x16384xf32>
        %select_n3A_589 = arith.select %eq3A_586, %broadcast_in_dim3A_588, %get3A_584 : vector<24x16384xi1>, vector<24x16384xf32>
        %swap3A_590 = arith.constant 0 : index
        %swap3A_591 = arith.constant 0 : index
        %swap3A_592 = vector.load %arg4[%swap3A_590, %swap3A_591] : memref<24x16384xf32, #tpu.memory_space<vmem>>, vector<24x16384xf32>
        tpu.vector_store %arg4[%swap3A_590, %swap3A_591], %select_n3A_589 {strides = array<i32>} : memref<24x16384xf32, #tpu.memory_space<vmem>>, vector<24x16384xf32>,
        %eq3A_593 = vector.broadcast %scan3A_580 : i32 to vector<24x32xi32>
        %eq3A_594 = arith.cmpi eq, %iota3A_23, %eq3A_593 : vector<24x32xi32>
        %broadcast_in_dim3A_595 = vector.shape_cast %broadcast_in_dim3A_585 : vector<24x1xi32> to vector<24x1xi32>
        %broadcast_in_dim3A_596 = vector.broadcast %broadcast_in_dim3A_595 : vector<24x1xi32> to vector<24x32xi32>
        %select_n3A_597 = arith.select %eq3A_594, %broadcast_in_dim3A_596, %scan3A_581 : vector<24x32xi1>, vector<24x32xi32>
        scf.yield %select_n3A_597 : vector<24x32xi32>
      }
      %scan3A_579 = arith.constant 32 : i32
      scf.yield %scan3A_578 : vector<24x32xi32>
    }
    %mul3A_552 = arith.constant 16384 : i32
    %mul3A_553 = arith.muli %arg0, %mul3A_552 : i32
    %add3A_554 = vector.broadcast %mul3A_553 : i32 to vector<24x32xi32>
    %add3A_555 = arith.addi %cond3A_551, %add3A_554 : vector<24x32xi32>
    %swap3A_556 = arith.constant 0 : index
    %swap3A_557 = arith.constant 0 : index
    %swap3A_558 = arith.constant 0 : index
    %swap3A_559 = vector.load %arg3[%swap3A_556, %swap3A_557, %swap3A_558] : memref<1x24x32xi32, #tpu.memory_space<vmem>>, vector<1x24x32xi32>
    %swap3A_560 = vector.shape_cast %swap3A_559 : vector<1x24x32xi32> to vector<24x32xi32>
    %swap3A_561 = vector.shape_cast %add3A_555 : vector<24x32xi32> to vector<1x24x32xi32>
    tpu.vector_store %arg3[%swap3A_556, %swap3A_557, %swap3A_558], %swap3A_561 {strides = array<i32>} : memref<1x24x32xi32, #tpu.memory_space<vmem>>, vector<1x24x32xi32>,
    return
  }
  func.func @transform_0(%arg0: i32) -> (i32, i32, i32) {
    %c0_i32 = arith.constant 0 : i32
    %c0_i32_0 = arith.constant 0 : i32
    %c0_i32_1 = arith.constant 0 : i32
    return %arg0, %c0_i32, %c0_i32_0 : i32, i32, i32
  }
  func.func @transform_1(%arg0: i32) -> (i32, i32, i32) {
    %c0_i32 = arith.constant 0 : i32
    %c0_i32_0 = arith.constant 0 : i32
    %c0_i32_1 = arith.constant 0 : i32
    return %arg0, %c0_i32, %c0_i32_0 : i32, i32, i32
  }
  func.func @transform_2(%arg0: i32) -> (i32, i32, i32) {
    %c0_i32 = arith.constant 0 : i32
    %c0_i32_0 = arith.constant 0 : i32
    %c0_i32_1 = arith.constant 0 : i32
    return %arg0, %c0_i32, %c0_i32_0 : i32, i32, i32
  }
}

module attributes {stable_mosaic.version = 14 : i64} {
  func.func @_p1conv_body(%arg0: memref<768x512xf32, #tpu.memory_space<vmem>>, %arg1: memref<512x256xf32, #tpu.memory_space<vmem>>, %arg2: memref<768x256xf32, #tpu.memory_space<vmem>>, %arg3: memref<1x256xf32, #tpu.memory_space<vmem>>, %arg4: memref<1x256xf32, #tpu.memory_space<vmem>>, %arg5: memref<256x256xf32, #tpu.memory_space<vmem>>, %arg6: memref<768x256xf32, #tpu.memory_space<vmem>>, %arg7: memref<1x256xf32, #tpu.memory_space<vmem>>, %arg8: memref<1x256xf32, #tpu.memory_space<vmem>>, %arg9: memref<256x256xf32, #tpu.memory_space<vmem>>, %arg10: memref<768x256xf32, #tpu.memory_space<vmem>>, %arg11: memref<1x256xf32, #tpu.memory_space<vmem>>, %arg12: memref<1x256xf32, #tpu.memory_space<vmem>>, %arg13: memref<768x256xf32, #tpu.memory_space<vmem>>) attributes {dimension_semantics = [], scalar_prefetch = 0 : i64, scratch_operands = 0 : i64, tpu.core_type = #tpu.core_type<tc>} {
    %get3A = arith.constant 0 : index
    %get3A_0 = arith.constant 0 : index
    %get3A_1 = vector.load %arg0[%get3A, %get3A_0] : memref<768x512xf32, #tpu.memory_space<vmem>>, vector<768x512xf32>
    %get3A_2 = arith.constant 0 : index
    %get3A_3 = arith.constant 0 : index
    %get3A_4 = vector.load %arg1[%get3A_2, %get3A_3] : memref<512x256xf32, #tpu.memory_space<vmem>>, vector<512x256xf32>
    %dot_general3A = arith.constant dense<0.000000e+00> : vector<768x256xf32>
    %dot_general3A_5 = tpu.matmul %get3A_1, %get3A_4, %dot_general3A {dimension_numbers = #tpu.dot_dimension_numbers<[1], [0], [0], [1], [0, 0, 1, 1], [], []>, transpose_lhs_hint = false} : vector<768x512xf32>, vector<512x256xf32>, vector<768x256xf32> -> vector<768x256xf32>
    %get3A_6 = arith.constant 0 : index
    %get3A_7 = arith.constant 0 : index
    %get3A_8 = vector.load %arg2[%get3A_6, %get3A_7] : memref<768x256xf32, #tpu.memory_space<vmem>>, vector<768x256xf32>
    %add3A = arith.addf %dot_general3A_5, %get3A_8 : vector<768x256xf32>
    %reduce_sum3A = arith.constant dense<0.000000e+00> : vector<256xf32>
    %reduce_sum3A_9 = vector.multi_reduction <add>, %add3A, %reduce_sum3A [0] : vector<768x256xf32> to vector<256xf32>
    %broadcast_in_dim3A = vector.shape_cast %reduce_sum3A_9 : vector<256xf32> to vector<1x256xf32>
    %div3A = arith.constant 7.680000e+02 : f32
    %div3A_10 = vector.broadcast %div3A : f32 to vector<1x256xf32>
    %div3A_11 = arith.divf %broadcast_in_dim3A, %div3A_10 : vector<1x256xf32>
    %sub3A = vector.broadcast %div3A_11 : vector<1x256xf32> to vector<768x256xf32>
    %sub3A_12 = arith.subf %add3A, %sub3A : vector<768x256xf32>
    %integer_pow3A = arith.mulf %sub3A_12, %sub3A_12 : vector<768x256xf32>
    %reduce_sum3A_13 = arith.constant dense<0.000000e+00> : vector<256xf32>
    %reduce_sum3A_14 = vector.multi_reduction <add>, %integer_pow3A, %reduce_sum3A_13 [0] : vector<768x256xf32> to vector<256xf32>
    %broadcast_in_dim3A_15 = vector.shape_cast %reduce_sum3A_14 : vector<256xf32> to vector<1x256xf32>
    %div3A_16 = arith.constant 7.680000e+02 : f32
    %div3A_17 = vector.broadcast %div3A_16 : f32 to vector<1x256xf32>
    %div3A_18 = arith.divf %broadcast_in_dim3A_15, %div3A_17 : vector<1x256xf32>
    %get3A_19 = arith.constant 0 : index
    %get3A_20 = arith.constant 0 : index
    %get3A_21 = vector.load %arg3[%get3A_19, %get3A_20] : memref<1x256xf32, #tpu.memory_space<vmem>>, vector<1x256xf32>
    %sub3A_22 = vector.broadcast %div3A_11 : vector<1x256xf32> to vector<768x256xf32>
    %sub3A_23 = arith.subf %add3A, %sub3A_22 : vector<768x256xf32>
    %mul3A = vector.broadcast %get3A_21 : vector<1x256xf32> to vector<768x256xf32>
    %mul3A_24 = arith.mulf %mul3A, %sub3A_23 : vector<768x256xf32>
    %add3A_25 = arith.constant 9.99999974E-6 : f32
    %add3A_26 = vector.broadcast %add3A_25 : f32 to vector<1x256xf32>
    %add3A_27 = arith.addf %div3A_18, %add3A_26 : vector<1x256xf32>
    %sqrt3A = math.sqrt %add3A_27 : vector<1x256xf32>
    %div3A_28 = vector.broadcast %sqrt3A : vector<1x256xf32> to vector<768x256xf32>
    %div3A_29 = arith.divf %mul3A_24, %div3A_28 : vector<768x256xf32>
    %get3A_30 = arith.constant 0 : index
    %get3A_31 = arith.constant 0 : index
    %get3A_32 = vector.load %arg4[%get3A_30, %get3A_31] : memref<1x256xf32, #tpu.memory_space<vmem>>, vector<1x256xf32>
    %add3A_33 = vector.broadcast %get3A_32 : vector<1x256xf32> to vector<768x256xf32>
    %add3A_34 = arith.addf %div3A_29, %add3A_33 : vector<768x256xf32>
    %gt3A = arith.constant 0.000000e+00 : f32
    %gt3A_35 = vector.broadcast %gt3A : f32 to vector<768x256xf32>
    %gt3A_36 = arith.cmpf ogt, %add3A_34, %gt3A_35 : vector<768x256xf32>
    %mul3A_37 = arith.constant 1.000000e-01 : f32
    %mul3A_38 = vector.broadcast %mul3A_37 : f32 to vector<768x256xf32>
    %mul3A_39 = arith.mulf %mul3A_38, %add3A_34 : vector<768x256xf32>
    %select_n3A = arith.select %gt3A_36, %add3A_34, %mul3A_39 : vector<768x256xi1>, vector<768x256xf32>
    %get3A_40 = arith.constant 0 : index
    %get3A_41 = arith.constant 0 : index
    %get3A_42 = vector.load %arg5[%get3A_40, %get3A_41] : memref<256x256xf32, #tpu.memory_space<vmem>>, vector<256x256xf32>
    %dot_general3A_43 = arith.constant dense<0.000000e+00> : vector<768x256xf32>
    %dot_general3A_44 = tpu.matmul %select_n3A, %get3A_42, %dot_general3A_43 {dimension_numbers = #tpu.dot_dimension_numbers<[1], [0], [0], [1], [0, 0, 1, 1], [], []>, transpose_lhs_hint = false} : vector<768x256xf32>, vector<256x256xf32>, vector<768x256xf32> -> vector<768x256xf32>
    %get3A_45 = arith.constant 0 : index
    %get3A_46 = arith.constant 0 : index
    %get3A_47 = vector.load %arg6[%get3A_45, %get3A_46] : memref<768x256xf32, #tpu.memory_space<vmem>>, vector<768x256xf32>
    %add3A_48 = arith.addf %dot_general3A_44, %get3A_47 : vector<768x256xf32>
    %reduce_sum3A_49 = arith.constant dense<0.000000e+00> : vector<256xf32>
    %reduce_sum3A_50 = vector.multi_reduction <add>, %add3A_48, %reduce_sum3A_49 [0] : vector<768x256xf32> to vector<256xf32>
    %broadcast_in_dim3A_51 = vector.shape_cast %reduce_sum3A_50 : vector<256xf32> to vector<1x256xf32>
    %div3A_52 = arith.constant 7.680000e+02 : f32
    %div3A_53 = vector.broadcast %div3A_52 : f32 to vector<1x256xf32>
    %div3A_54 = arith.divf %broadcast_in_dim3A_51, %div3A_53 : vector<1x256xf32>
    %sub3A_55 = vector.broadcast %div3A_54 : vector<1x256xf32> to vector<768x256xf32>
    %sub3A_56 = arith.subf %add3A_48, %sub3A_55 : vector<768x256xf32>
    %integer_pow3A_57 = arith.mulf %sub3A_56, %sub3A_56 : vector<768x256xf32>
    %reduce_sum3A_58 = arith.constant dense<0.000000e+00> : vector<256xf32>
    %reduce_sum3A_59 = vector.multi_reduction <add>, %integer_pow3A_57, %reduce_sum3A_58 [0] : vector<768x256xf32> to vector<256xf32>
    %broadcast_in_dim3A_60 = vector.shape_cast %reduce_sum3A_59 : vector<256xf32> to vector<1x256xf32>
    %div3A_61 = arith.constant 7.680000e+02 : f32
    %div3A_62 = vector.broadcast %div3A_61 : f32 to vector<1x256xf32>
    %div3A_63 = arith.divf %broadcast_in_dim3A_60, %div3A_62 : vector<1x256xf32>
    %get3A_64 = arith.constant 0 : index
    %get3A_65 = arith.constant 0 : index
    %get3A_66 = vector.load %arg7[%get3A_64, %get3A_65] : memref<1x256xf32, #tpu.memory_space<vmem>>, vector<1x256xf32>
    %sub3A_67 = vector.broadcast %div3A_54 : vector<1x256xf32> to vector<768x256xf32>
    %sub3A_68 = arith.subf %add3A_48, %sub3A_67 : vector<768x256xf32>
    %mul3A_69 = vector.broadcast %get3A_66 : vector<1x256xf32> to vector<768x256xf32>
    %mul3A_70 = arith.mulf %mul3A_69, %sub3A_68 : vector<768x256xf32>
    %add3A_71 = arith.constant 9.99999974E-6 : f32
    %add3A_72 = vector.broadcast %add3A_71 : f32 to vector<1x256xf32>
    %add3A_73 = arith.addf %div3A_63, %add3A_72 : vector<1x256xf32>
    %sqrt3A_74 = math.sqrt %add3A_73 : vector<1x256xf32>
    %div3A_75 = vector.broadcast %sqrt3A_74 : vector<1x256xf32> to vector<768x256xf32>
    %div3A_76 = arith.divf %mul3A_70, %div3A_75 : vector<768x256xf32>
    %get3A_77 = arith.constant 0 : index
    %get3A_78 = arith.constant 0 : index
    %get3A_79 = vector.load %arg8[%get3A_77, %get3A_78] : memref<1x256xf32, #tpu.memory_space<vmem>>, vector<1x256xf32>
    %add3A_80 = vector.broadcast %get3A_79 : vector<1x256xf32> to vector<768x256xf32>
    %add3A_81 = arith.addf %div3A_76, %add3A_80 : vector<768x256xf32>
    %gt3A_82 = arith.constant 0.000000e+00 : f32
    %gt3A_83 = vector.broadcast %gt3A_82 : f32 to vector<768x256xf32>
    %gt3A_84 = arith.cmpf ogt, %add3A_81, %gt3A_83 : vector<768x256xf32>
    %mul3A_85 = arith.constant 1.000000e-01 : f32
    %mul3A_86 = vector.broadcast %mul3A_85 : f32 to vector<768x256xf32>
    %mul3A_87 = arith.mulf %mul3A_86, %add3A_81 : vector<768x256xf32>
    %select_n3A_88 = arith.select %gt3A_84, %add3A_81, %mul3A_87 : vector<768x256xi1>, vector<768x256xf32>
    %get3A_89 = arith.constant 0 : index
    %get3A_90 = arith.constant 0 : index
    %get3A_91 = vector.load %arg9[%get3A_89, %get3A_90] : memref<256x256xf32, #tpu.memory_space<vmem>>, vector<256x256xf32>
    %dot_general3A_92 = arith.constant dense<0.000000e+00> : vector<768x256xf32>
    %dot_general3A_93 = tpu.matmul %select_n3A_88, %get3A_91, %dot_general3A_92 {dimension_numbers = #tpu.dot_dimension_numbers<[1], [0], [0], [1], [0, 0, 1, 1], [], []>, transpose_lhs_hint = false} : vector<768x256xf32>, vector<256x256xf32>, vector<768x256xf32> -> vector<768x256xf32>
    %get3A_94 = arith.constant 0 : index
    %get3A_95 = arith.constant 0 : index
    %get3A_96 = vector.load %arg10[%get3A_94, %get3A_95] : memref<768x256xf32, #tpu.memory_space<vmem>>, vector<768x256xf32>
    %add3A_97 = arith.addf %dot_general3A_93, %get3A_96 : vector<768x256xf32>
    %reduce_sum3A_98 = arith.constant dense<0.000000e+00> : vector<256xf32>
    %reduce_sum3A_99 = vector.multi_reduction <add>, %add3A_97, %reduce_sum3A_98 [0] : vector<768x256xf32> to vector<256xf32>
    %broadcast_in_dim3A_100 = vector.shape_cast %reduce_sum3A_99 : vector<256xf32> to vector<1x256xf32>
    %div3A_101 = arith.constant 7.680000e+02 : f32
    %div3A_102 = vector.broadcast %div3A_101 : f32 to vector<1x256xf32>
    %div3A_103 = arith.divf %broadcast_in_dim3A_100, %div3A_102 : vector<1x256xf32>
    %sub3A_104 = vector.broadcast %div3A_103 : vector<1x256xf32> to vector<768x256xf32>
    %sub3A_105 = arith.subf %add3A_97, %sub3A_104 : vector<768x256xf32>
    %integer_pow3A_106 = arith.mulf %sub3A_105, %sub3A_105 : vector<768x256xf32>
    %reduce_sum3A_107 = arith.constant dense<0.000000e+00> : vector<256xf32>
    %reduce_sum3A_108 = vector.multi_reduction <add>, %integer_pow3A_106, %reduce_sum3A_107 [0] : vector<768x256xf32> to vector<256xf32>
    %broadcast_in_dim3A_109 = vector.shape_cast %reduce_sum3A_108 : vector<256xf32> to vector<1x256xf32>
    %div3A_110 = arith.constant 7.680000e+02 : f32
    %div3A_111 = vector.broadcast %div3A_110 : f32 to vector<1x256xf32>
    %div3A_112 = arith.divf %broadcast_in_dim3A_109, %div3A_111 : vector<1x256xf32>
    %get3A_113 = arith.constant 0 : index
    %get3A_114 = arith.constant 0 : index
    %get3A_115 = vector.load %arg11[%get3A_113, %get3A_114] : memref<1x256xf32, #tpu.memory_space<vmem>>, vector<1x256xf32>
    %sub3A_116 = vector.broadcast %div3A_103 : vector<1x256xf32> to vector<768x256xf32>
    %sub3A_117 = arith.subf %add3A_97, %sub3A_116 : vector<768x256xf32>
    %mul3A_118 = vector.broadcast %get3A_115 : vector<1x256xf32> to vector<768x256xf32>
    %mul3A_119 = arith.mulf %mul3A_118, %sub3A_117 : vector<768x256xf32>
    %add3A_120 = arith.constant 9.99999974E-6 : f32
    %add3A_121 = vector.broadcast %add3A_120 : f32 to vector<1x256xf32>
    %add3A_122 = arith.addf %div3A_112, %add3A_121 : vector<1x256xf32>
    %sqrt3A_123 = math.sqrt %add3A_122 : vector<1x256xf32>
    %div3A_124 = vector.broadcast %sqrt3A_123 : vector<1x256xf32> to vector<768x256xf32>
    %div3A_125 = arith.divf %mul3A_119, %div3A_124 : vector<768x256xf32>
    %get3A_126 = arith.constant 0 : index
    %get3A_127 = arith.constant 0 : index
    %get3A_128 = vector.load %arg12[%get3A_126, %get3A_127] : memref<1x256xf32, #tpu.memory_space<vmem>>, vector<1x256xf32>
    %add3A_129 = vector.broadcast %get3A_128 : vector<1x256xf32> to vector<768x256xf32>
    %add3A_130 = arith.addf %div3A_125, %add3A_129 : vector<768x256xf32>
    %gt3A_131 = arith.constant 0.000000e+00 : f32
    %gt3A_132 = vector.broadcast %gt3A_131 : f32 to vector<768x256xf32>
    %gt3A_133 = arith.cmpf ogt, %add3A_130, %gt3A_132 : vector<768x256xf32>
    %mul3A_134 = arith.constant 1.000000e-01 : f32
    %mul3A_135 = vector.broadcast %mul3A_134 : f32 to vector<768x256xf32>
    %mul3A_136 = arith.mulf %mul3A_135, %add3A_130 : vector<768x256xf32>
    %select_n3A_137 = arith.select %gt3A_133, %add3A_130, %mul3A_136 : vector<768x256xi1>, vector<768x256xf32>
    %swap3A = arith.constant 0 : index
    %swap3A_138 = arith.constant 0 : index
    %swap3A_139 = vector.load %arg13[%swap3A, %swap3A_138] : memref<768x256xf32, #tpu.memory_space<vmem>>, vector<768x256xf32>
    tpu.vector_store %arg13[%swap3A, %swap3A_138], %select_n3A_137 {strides = array<i32>} : memref<768x256xf32, #tpu.memory_space<vmem>>, vector<768x256xf32>,
    return
  }
}

module attributes {stable_mosaic.version = 14 : i64} {
  func.func @_mlp_body(%arg0: i32, %arg1: memref<768x256xi32, #tpu.memory_space<vmem>>, %arg2: memref<24x256xf32, #tpu.memory_space<vmem>>, %arg3: memref<1x3x24xf32, #tpu.memory_space<vmem>>, %arg4: memref<256x512xf32, #tpu.memory_space<vmem>>, %arg5: memref<128x512xf32, #tpu.memory_space<vmem>>, %arg6: memref<128x512xf32, #tpu.memory_space<vmem>>, %arg7: memref<3x512xf32, #tpu.memory_space<vmem>>, %arg8: memref<1x512xf32, #tpu.memory_space<vmem>>, %arg9: memref<512x512xbf16, #tpu.memory_space<vmem>>, %arg10: memref<1x512xf32, #tpu.memory_space<vmem>>, %arg11: memref<512x512xf32, #tpu.memory_space<vmem>>, %arg12: memref<512x512xf32, #tpu.memory_space<vmem>>, %arg13: memref<512x3xf32, #tpu.memory_space<vmem>>, %arg14: memref<1x3xf32, #tpu.memory_space<vmem>>, %arg15: memref<1x24x3xf32, #tpu.memory_space<vmem>>) attributes {dimension_semantics = [#tpu.dimension_semantics<arbitrary>], iteration_bounds = array<i64: 32>, scalar_prefetch = 0 : i64, scratch_operands = 0 : i64, tpu.core_type = #tpu.core_type<tc>, window_params = [{transform_indices = @transform_0, window_bounds = array<i64: 768, 256>}, {transform_indices = @transform_1, window_bounds = array<i64: 24, 256>}, {transform_indices = @transform_2, window_bounds = array<i64: 1, 3, 24>}, {pipeline_mode = #tpu.pipeline_mode<synchronous>, transform_indices = @transform_3, window_bounds = array<i64: 256, 512>}, {pipeline_mode = #tpu.pipeline_mode<synchronous>, transform_indices = @transform_4, window_bounds = array<i64: 128, 512>}, {pipeline_mode = #tpu.pipeline_mode<synchronous>, transform_indices = @transform_5, window_bounds = array<i64: 128, 512>}, {pipeline_mode = #tpu.pipeline_mode<synchronous>, transform_indices = @transform_6, window_bounds = array<i64: 3, 512>}, {pipeline_mode = #tpu.pipeline_mode<synchronous>, transform_indices = @transform_7, window_bounds = array<i64: 1, 512>}, {pipeline_mode = #tpu.pipeline_mode<synchronous>, transform_indices = @transform_8, window_bounds = array<i64: 512, 512>}, {pipeline_mode = #tpu.pipeline_mode<synchronous>, transform_indices = @transform_9, window_bounds = array<i64: 1, 512>}, {pipeline_mode = #tpu.pipeline_mode<synchronous>, transform_indices = @transform_10, window_bounds = array<i64: 512, 512>}, {pipeline_mode = #tpu.pipeline_mode<synchronous>, transform_indices = @transform_11, window_bounds = array<i64: 512, 512>}, {pipeline_mode = #tpu.pipeline_mode<synchronous>, transform_indices = @transform_12, window_bounds = array<i64: 512, 3>}, {pipeline_mode = #tpu.pipeline_mode<synchronous>, transform_indices = @transform_13, window_bounds = array<i64: 1, 3>}, {transform_indices = @transform_14, window_bounds = array<i64: 1, 24, 3>}]} {
    %get3A = arith.constant 0 : index
    %get3A_0 = arith.constant 0 : index
    %get3A_1 = vector.load %arg1[%get3A, %get3A_0] : memref<768x256xi32, #tpu.memory_space<vmem>>, vector<768x128xi32>
    %shift_left3A = arith.constant 16 : i32
    %shift_left3A_2 = vector.broadcast %shift_left3A : i32 to vector<768x128xi32>
    %shift_left3A_3 = arith.shli %get3A_1, %shift_left3A_2 : vector<768x128xi32>
    %bitcast_convert_type3A = tpu.bitcast %shift_left3A_3 : vector<768x128xi32> -> vector<768x128xf32>
    %and3A = arith.constant -65536 : i32
    %and3A_4 = vector.broadcast %and3A : i32 to vector<768x128xi32>
    %and3A_5 = arith.andi %get3A_1, %and3A_4 : vector<768x128xi32>
    %bitcast_convert_type3A_6 = tpu.bitcast %and3A_5 : vector<768x128xi32> -> vector<768x128xf32>
    %get3A_7 = arith.constant 0 : index
    %get3A_8 = arith.constant 128 : index
    %get3A_9 = vector.load %arg1[%get3A_7, %get3A_8] : memref<768x256xi32, #tpu.memory_space<vmem>>, vector<768x3xi32>
    %bitcast_convert_type3A_10 = tpu.bitcast %get3A_9 : vector<768x3xi32> -> vector<768x3xf32>
    %get3A_11 = arith.constant 0 : index
    %get3A_12 = arith.constant 0 : index
    %get3A_13 = arith.constant 0 : index
    %get3A_14 = vector.load %arg3[%get3A_11, %get3A_12, %get3A_13] : memref<1x3x24xf32, #tpu.memory_space<vmem>>, vector<1x3x24xf32>
    %get3A_15 = vector.shape_cast %get3A_14 : vector<1x3x24xf32> to vector<3x24xf32>
    %transpose3A = tpu.transpose %get3A_15, [1, 0] : vector<3x24xf32> -> vector<24x3xf32>
    %broadcast_in_dim3A = vector.shape_cast %transpose3A : vector<24x3xf32> to vector<24x1x3xf32>
    %broadcast_in_dim3A_16 = vector.shape_cast %broadcast_in_dim3A : vector<24x1x3xf32> to vector<24x1x3xf32>
    %broadcast_in_dim3A_17 = vector.broadcast %broadcast_in_dim3A_16 : vector<24x1x3xf32> to vector<24x32x3xf32>
    %reshape3A = vector.shape_cast %broadcast_in_dim3A_17 : vector<24x32x3xf32> to vector<768x3xf32>
    %sub3A = arith.subf %bitcast_convert_type3A_10, %reshape3A : vector<768x3xf32>
    %get3A_18 = arith.constant 0 : index
    %get3A_19 = arith.constant 0 : index
    %get3A_20 = vector.load %arg2[%get3A_18, %get3A_19] : memref<24x256xf32, #tpu.memory_space<vmem>>, vector<24x256xf32>
    %get3A_21 = arith.constant 0 : index
    %get3A_22 = arith.constant 0 : index
    %get3A_23 = vector.load %arg4[%get3A_21, %get3A_22] : memref<256x512xf32, #tpu.memory_space<vmem>>, vector<256x512xf32>
    %dot_general3A = arith.constant dense<0.000000e+00> : vector<24x512xf32>
    %dot_general3A_24 = tpu.matmul %get3A_20, %get3A_23, %dot_general3A {dimension_numbers = #tpu.dot_dimension_numbers<[1], [0], [0], [1], [0, 0, 1, 1], [], []>, transpose_lhs_hint = false} : vector<24x256xf32>, vector<256x512xf32>, vector<24x512xf32> -> vector<24x512xf32>
    %broadcast_in_dim3A_25 = vector.shape_cast %dot_general3A_24 : vector<24x512xf32> to vector<24x1x512xf32>
    %broadcast_in_dim3A_26 = vector.shape_cast %broadcast_in_dim3A_25 : vector<24x1x512xf32> to vector<24x1x512xf32>
    %broadcast_in_dim3A_27 = vector.broadcast %broadcast_in_dim3A_26 : vector<24x1x512xf32> to vector<24x32x512xf32>
    %reshape3A_28 = vector.shape_cast %broadcast_in_dim3A_27 : vector<24x32x512xf32> to vector<768x512xf32>
    %get3A_29 = arith.constant 0 : index
    %get3A_30 = arith.constant 0 : index
    %get3A_31 = vector.load %arg5[%get3A_29, %get3A_30] : memref<128x512xf32, #tpu.memory_space<vmem>>, vector<128x512xf32>
    %dot_general3A_32 = arith.constant dense<0.000000e+00> : vector<768x512xf32>
    %dot_general3A_33 = tpu.matmul %bitcast_convert_type3A, %get3A_31, %dot_general3A_32 {dimension_numbers = #tpu.dot_dimension_numbers<[1], [0], [0], [1], [0, 0, 1, 1], [], []>, transpose_lhs_hint = false} : vector<768x128xf32>, vector<128x512xf32>, vector<768x512xf32> -> vector<768x512xf32>
    %get3A_34 = arith.constant 0 : index
    %get3A_35 = arith.constant 0 : index
    %get3A_36 = vector.load %arg6[%get3A_34, %get3A_35] : memref<128x512xf32, #tpu.memory_space<vmem>>, vector<128x512xf32>
    %dot_general3A_37 = arith.constant dense<0.000000e+00> : vector<768x512xf32>
    %dot_general3A_38 = tpu.matmul %bitcast_convert_type3A_6, %get3A_36, %dot_general3A_37 {dimension_numbers = #tpu.dot_dimension_numbers<[1], [0], [0], [1], [0, 0, 1, 1], [], []>, transpose_lhs_hint = false} : vector<768x128xf32>, vector<128x512xf32>, vector<768x512xf32> -> vector<768x512xf32>
    %add3A = arith.addf %dot_general3A_33, %dot_general3A_38 : vector<768x512xf32>
    %get3A_39 = arith.constant 0 : index
    %get3A_40 = arith.constant 0 : index
    %get3A_41 = vector.load %arg7[%get3A_39, %get3A_40] : memref<3x512xf32, #tpu.memory_space<vmem>>, vector<3x512xf32>
    %dot_general3A_42 = arith.constant dense<0.000000e+00> : vector<768x512xf32>
    %dot_general3A_43 = tpu.matmul %sub3A, %get3A_41, %dot_general3A_42 {dimension_numbers = #tpu.dot_dimension_numbers<[1], [0], [0], [1], [0, 0, 1, 1], [], []>, transpose_lhs_hint = false} : vector<768x3xf32>, vector<3x512xf32>, vector<768x512xf32> -> vector<768x512xf32>
    %add3A_44 = arith.addf %add3A, %dot_general3A_43 : vector<768x512xf32>
    %add3A_45 = arith.addf %add3A_44, %reshape3A_28 : vector<768x512xf32>
    %get3A_46 = arith.constant 0 : index
    %get3A_47 = arith.constant 0 : index
    %get3A_48 = vector.load %arg8[%get3A_46, %get3A_47] : memref<1x512xf32, #tpu.memory_space<vmem>>, vector<1x512xf32>
    %add3A_49 = vector.broadcast %get3A_48 : vector<1x512xf32> to vector<768x512xf32>
    %add3A_50 = arith.addf %add3A_45, %add3A_49 : vector<768x512xf32>
    %gt3A = arith.constant 0.000000e+00 : f32
    %gt3A_51 = vector.broadcast %gt3A : f32 to vector<768x512xf32>
    %gt3A_52 = arith.cmpf ogt, %add3A_50, %gt3A_51 : vector<768x512xf32>
    %mul3A = arith.constant 1.000000e-01 : f32
    %mul3A_53 = vector.broadcast %mul3A : f32 to vector<768x512xf32>
    %mul3A_54 = arith.mulf %mul3A_53, %add3A_50 : vector<768x512xf32>
    %select_n3A = arith.select %gt3A_52, %add3A_50, %mul3A_54 : vector<768x512xi1>, vector<768x512xf32>
    %convert_element_type3A = arith.truncf %select_n3A : vector<768x512xf32> to vector<768x512xbf16>
    %get3A_55 = arith.constant 0 : index
    %get3A_56 = arith.constant 0 : index
    %get3A_57 = vector.load %arg9[%get3A_55, %get3A_56] : memref<512x512xbf16, #tpu.memory_space<vmem>>, vector<512x512xbf16>
    %dot_general3A_58 = arith.constant dense<0.000000e+00> : vector<768x512xf32>
    %dot_general3A_59 = tpu.matmul %convert_element_type3A, %get3A_57, %dot_general3A_58 {dimension_numbers = #tpu.dot_dimension_numbers<[1], [0], [0], [1], [0, 0, 1, 1], [], []>, transpose_lhs_hint = false} : vector<768x512xbf16>, vector<512x512xbf16>, vector<768x512xf32> -> vector<768x512xf32>
    %get3A_60 = arith.constant 0 : index
    %get3A_61 = arith.constant 0 : index
    %get3A_62 = vector.load %arg10[%get3A_60, %get3A_61] : memref<1x512xf32, #tpu.memory_space<vmem>>, vector<1x512xf32>
    %add3A_63 = vector.broadcast %get3A_62 : vector<1x512xf32> to vector<768x512xf32>
    %add3A_64 = arith.addf %dot_general3A_59, %add3A_63 : vector<768x512xf32>
    %gt3A_65 = arith.constant 0.000000e+00 : f32
    %gt3A_66 = vector.broadcast %gt3A_65 : f32 to vector<768x512xf32>
    %gt3A_67 = arith.cmpf ogt, %add3A_64, %gt3A_66 : vector<768x512xf32>
    %mul3A_68 = arith.constant 1.000000e-01 : f32
    %mul3A_69 = vector.broadcast %mul3A_68 : f32 to vector<768x512xf32>
    %mul3A_70 = arith.mulf %mul3A_69, %add3A_64 : vector<768x512xf32>
    %select_n3A_71 = arith.select %gt3A_67, %add3A_64, %mul3A_70 : vector<768x512xi1>, vector<768x512xf32>
    %reshape3A_72 = vector.shape_cast %select_n3A_71 : vector<768x512xf32> to vector<24x32x512xf32>
    %reduce_max3A = arith.constant dense<0xFF800000> : vector<24x512xf32>
    %reduce_max3A_73 = vector.multi_reduction <maximumf>, %reshape3A_72, %reduce_max3A [1] : vector<24x32x512xf32> to vector<24x512xf32>
    %get3A_74 = arith.constant 0 : index
    %get3A_75 = arith.constant 0 : index
    %get3A_76 = vector.load %arg11[%get3A_74, %get3A_75] : memref<512x512xf32, #tpu.memory_space<vmem>>, vector<512x512xf32>
    %dot_general3A_77 = arith.constant dense<0.000000e+00> : vector<24x512xf32>
    %dot_general3A_78 = tpu.matmul %reduce_max3A_73, %get3A_76, %dot_general3A_77 {dimension_numbers = #tpu.dot_dimension_numbers<[1], [0], [0], [1], [0, 0, 1, 1], [], []>, transpose_lhs_hint = false} : vector<24x512xf32>, vector<512x512xf32>, vector<24x512xf32> -> vector<24x512xf32>
    %gt3A_79 = arith.constant 0.000000e+00 : f32
    %gt3A_80 = vector.broadcast %gt3A_79 : f32 to vector<24x512xf32>
    %gt3A_81 = arith.cmpf ogt, %dot_general3A_78, %gt3A_80 : vector<24x512xf32>
    %mul3A_82 = arith.constant 1.000000e-01 : f32
    %mul3A_83 = vector.broadcast %mul3A_82 : f32 to vector<24x512xf32>
    %mul3A_84 = arith.mulf %mul3A_83, %dot_general3A_78 : vector<24x512xf32>
    %select_n3A_85 = arith.select %gt3A_81, %dot_general3A_78, %mul3A_84 : vector<24x512xi1>, vector<24x512xf32>
    %get3A_86 = arith.constant 0 : index
    %get3A_87 = arith.constant 0 : index
    %get3A_88 = vector.load %arg12[%get3A_86, %get3A_87] : memref<512x512xf32, #tpu.memory_space<vmem>>, vector<512x512xf32>
    %dot_general3A_89 = arith.constant dense<0.000000e+00> : vector<24x512xf32>
    %dot_general3A_90 = tpu.matmul %select_n3A_85, %get3A_88, %dot_general3A_89 {dimension_numbers = #tpu.dot_dimension_numbers<[1], [0], [0], [1], [0, 0, 1, 1], [], []>, transpose_lhs_hint = false} : vector<24x512xf32>, vector<512x512xf32>, vector<24x512xf32> -> vector<24x512xf32>
    %gt3A_91 = arith.constant 0.000000e+00 : f32
    %gt3A_92 = vector.broadcast %gt3A_91 : f32 to vector<24x512xf32>
    %gt3A_93 = arith.cmpf ogt, %dot_general3A_90, %gt3A_92 : vector<24x512xf32>
    %mul3A_94 = arith.constant 1.000000e-01 : f32
    %mul3A_95 = vector.broadcast %mul3A_94 : f32 to vector<24x512xf32>
    %mul3A_96 = arith.mulf %mul3A_95, %dot_general3A_90 : vector<24x512xf32>
    %select_n3A_97 = arith.select %gt3A_93, %dot_general3A_90, %mul3A_96 : vector<24x512xi1>, vector<24x512xf32>
    %get3A_98 = arith.constant 0 : index
    %get3A_99 = arith.constant 0 : index
    %get3A_100 = vector.load %arg13[%get3A_98, %get3A_99] : memref<512x3xf32, #tpu.memory_space<vmem>>, vector<512x3xf32>
    %dot_general3A_101 = arith.constant dense<0.000000e+00> : vector<24x3xf32>
    %dot_general3A_102 = tpu.matmul %select_n3A_97, %get3A_100, %dot_general3A_101 {dimension_numbers = #tpu.dot_dimension_numbers<[1], [0], [0], [1], [0, 0, 1, 1], [], []>, transpose_lhs_hint = false} : vector<24x512xf32>, vector<512x3xf32>, vector<24x3xf32> -> vector<24x3xf32>
    %get3A_103 = arith.constant 0 : index
    %get3A_104 = arith.constant 0 : index
    %get3A_105 = vector.load %arg14[%get3A_103, %get3A_104] : memref<1x3xf32, #tpu.memory_space<vmem>>, vector<1x3xf32>
    %add3A_106 = vector.broadcast %get3A_105 : vector<1x3xf32> to vector<24x3xf32>
    %add3A_107 = arith.addf %dot_general3A_102, %add3A_106 : vector<24x3xf32>
    %swap3A = arith.constant 0 : index
    %swap3A_108 = arith.constant 0 : index
    %swap3A_109 = arith.constant 0 : index
    %swap3A_110 = vector.load %arg15[%swap3A, %swap3A_108, %swap3A_109] : memref<1x24x3xf32, #tpu.memory_space<vmem>>, vector<1x24x3xf32>
    %swap3A_111 = vector.shape_cast %swap3A_110 : vector<1x24x3xf32> to vector<24x3xf32>
    %swap3A_112 = vector.shape_cast %add3A_107 : vector<24x3xf32> to vector<1x24x3xf32>
    tpu.vector_store %arg15[%swap3A, %swap3A_108, %swap3A_109], %swap3A_112 {strides = array<i32>} : memref<1x24x3xf32, #tpu.memory_space<vmem>>, vector<1x24x3xf32>,
    return
  }
  func.func @transform_0(%arg0: i32) -> (i32, i32) {
    %c0_i32 = arith.constant 0 : i32
    %c0_i32_0 = arith.constant 0 : i32
    return %arg0, %c0_i32 : i32, i32
  }
  func.func @transform_1(%arg0: i32) -> (i32, i32) {
    %c0_i32 = arith.constant 0 : i32
    %c0_i32_0 = arith.constant 0 : i32
    return %arg0, %c0_i32 : i32, i32
  }
  func.func @transform_2(%arg0: i32) -> (i32, i32, i32) {
    %c0_i32 = arith.constant 0 : i32
    %c0_i32_0 = arith.constant 0 : i32
    %c0_i32_1 = arith.constant 0 : i32
    return %arg0, %c0_i32, %c0_i32_0 : i32, i32, i32
  }
  func.func @transform_3(%arg0: i32) -> (i32, i32) {
    %c0_i32 = arith.constant 0 : i32
    %c0_i32_0 = arith.constant 0 : i32
    %c0_i32_1 = arith.constant 0 : i32
    return %c0_i32, %c0_i32_0 : i32, i32
  }
  func.func @transform_4(%arg0: i32) -> (i32, i32) {
    %c0_i32 = arith.constant 0 : i32
    %c0_i32_0 = arith.constant 0 : i32
    %c0_i32_1 = arith.constant 0 : i32
    return %c0_i32, %c0_i32_0 : i32, i32
  }
  func.func @transform_5(%arg0: i32) -> (i32, i32) {
    %c0_i32 = arith.constant 0 : i32
    %c0_i32_0 = arith.constant 0 : i32
    %c0_i32_1 = arith.constant 0 : i32
    return %c0_i32, %c0_i32_0 : i32, i32
  }
  func.func @transform_6(%arg0: i32) -> (i32, i32) {
    %c0_i32 = arith.constant 0 : i32
    %c0_i32_0 = arith.constant 0 : i32
    %c0_i32_1 = arith.constant 0 : i32
    return %c0_i32, %c0_i32_0 : i32, i32
  }
  func.func @transform_7(%arg0: i32) -> (i32, i32) {
    %c0_i32 = arith.constant 0 : i32
    %c0_i32_0 = arith.constant 0 : i32
    %c0_i32_1 = arith.constant 0 : i32
    return %c0_i32, %c0_i32_0 : i32, i32
  }
  func.func @transform_8(%arg0: i32) -> (i32, i32) {
    %c0_i32 = arith.constant 0 : i32
    %c0_i32_0 = arith.constant 0 : i32
    %c0_i32_1 = arith.constant 0 : i32
    return %c0_i32, %c0_i32_0 : i32, i32
  }
  func.func @transform_9(%arg0: i32) -> (i32, i32) {
    %c0_i32 = arith.constant 0 : i32
    %c0_i32_0 = arith.constant 0 : i32
    %c0_i32_1 = arith.constant 0 : i32
    return %c0_i32, %c0_i32_0 : i32, i32
  }
  func.func @transform_10(%arg0: i32) -> (i32, i32) {
    %c0_i32 = arith.constant 0 : i32
    %c0_i32_0 = arith.constant 0 : i32
    %c0_i32_1 = arith.constant 0 : i32
    return %c0_i32, %c0_i32_0 : i32, i32
  }
  func.func @transform_11(%arg0: i32) -> (i32, i32) {
    %c0_i32 = arith.constant 0 : i32
    %c0_i32_0 = arith.constant 0 : i32
    %c0_i32_1 = arith.constant 0 : i32
    return %c0_i32, %c0_i32_0 : i32, i32
  }
  func.func @transform_12(%arg0: i32) -> (i32, i32) {
    %c0_i32 = arith.constant 0 : i32
    %c0_i32_0 = arith.constant 0 : i32
    %c0_i32_1 = arith.constant 0 : i32
    return %c0_i32, %c0_i32_0 : i32, i32
  }
  func.func @transform_13(%arg0: i32) -> (i32, i32) {
    %c0_i32 = arith.constant 0 : i32
    %c0_i32_0 = arith.constant 0 : i32
    %c0_i32_1 = arith.constant 0 : i32
    return %c0_i32, %c0_i32_0 : i32, i32
  }
  func.func @transform_14(%arg0: i32) -> (i32, i32, i32) {
    %c0_i32 = arith.constant 0 : i32
    %c0_i32_0 = arith.constant 0 : i32
    %c0_i32_1 = arith.constant 0 : i32
    return %arg0, %c0_i32, %c0_i32_0 : i32, i32, i32
  }
}

</mosaic_0001>

<sc_bundles>
// kernel: kernel.7.cloned.1.call-start
scs
__scs_entry_jumppad:
0x0: {  	(pc) =	sbr.rel $0x88, $3  }
0x1: {  	(tag) =	ssettag $0x0;
	lr =	simm.s32 $0x1  }
0x2: {  	[smem:$0x3F89] =	sst lr;
	_ =	strace $0xD0000000  }
0x3: {  	_ = 	snop  }
0x4: {  	_ = 	snop  }
0x5: {  	_ = 	snop  }
0x6: {  	_ = 	snop  }
0x7: {  	_ = 	snop  }
__scs_overlays_trampoline_lowered:
0x8: {  	[smem:$0x3F98] =	sst s0  }
0x9: {  	[smem:$0x3F99] =	sst s1  }
0xa: {  	[smem:$0x3F9A] =	sst s2  }
0xb: {  	[smem:$0x3F9B] =	sst s3  }
0xc: {  	[smem:$0x3F9C] =	sst s4  }
0xd: {  	[smem:$0x3F9D] =	sst s5  }
0xe: {  	[smem:$0x3F9E] =	sst s6  }
0xf: {  	[smem:$0x3F9F] =	sst s7  }
0x10: {  	[smem:$0x3FA0] =	sst s8  }
0x11: {  	[smem:$0x3FA1] =	sst s9;
	s0 =	simm.s32 @!p0 $0x0  }
0x12: {  	s1 =	sld [smem:$0x3F87];
	s0 =	simm.s32 @p0 $0x1  }
0x13: {  	[smem:$0x3FA2] =	sst s0;
	s0 =	simm.s32 @!p1 $0x0  }
0x14: {  	s2 =	sld [smem:$0x3F86];
	s0 =	simm.s32 @p1 $0x1  }
0x15: {  	[smem:$0x3FA3] =	sst s0;
	s0 =	simm.s32 @!p2 $0x0  }
0x16: {  	s3 =	sld [smem:$0x3FDB];
	s0 =	simm.s32 @p2 $0x1  }
0x17: {  	s4 =	simm.s32 $0x1BF5;
	[smem:$0x3FA5] =	sst s0  }
0x18: {  	s0 =	sld [smem:$0x3F88];
	_ =	swait.ge [sflag:s4], $0x0  }
0x19: {  	s7 =	sld [smem:$0x3F89]  }
0x1a: {  	s8 =	sadd.s32 $0xFFFFE003, lr  }
0x1b: {  	s9 =	sadd.s32 $0xFFFFFEF7, lr;
	s5 =	simm.s32 $0xFFFFFFFF;
	p2 =	slt.u32 s8, $0xFFFFF086  }
0x1c: {  	p1 =	slt.u32 s9, $0xF7A;
	s5 =	simm.s32 @!p2 $0x0  }
0x1d: {  	s5 =	simm.s32 @p1 $0x1;
	p0 =	seq.s32 s7, s2  }
0x1e: {  	s7 =	smul.u32 @!p0 $0xF7A, s2;
	p2 =	seq.s32 @!p0 s5, $0x0  }
0x1f: {  	s9 =	smul.u32 $0xF7A, s1;
	s8 =	simm.s32 @!p0 $0x1BF5;
	p2 =	por !p2, p0  }
0x20: {  	[sflag:s8] =	ssyncset.s32 @!p0 $0xFFFFF086;
	s6 =	sadd.s32 @!p0 s3, s7;
	s7 =	simm.s32 @!p0 $0x108  }
0x21: {  	s3 =	sadd.s32 s3, s9;
	s6 =	sadd.s32 @!p0 $0x88, s6;
	s7 =	simm.s32 @p2 $0x1082  }
0x22: {  	[simem:s7], [sflag:s8] =	dma.local @!p0 [hbm:s6], $0xF7A  }
0x23: {  	s9 =	sor.u32 $0xD0000000, s2;
	s6 =	simm.s32 $0x108;
	_ =	swait.ge @!p0 [sflag:s8], $0x0  }
0x24: {  	s3 =	sadd.s32 $0x88, s3;
	s6 =	simm.s32 @!p1 $0x1082;
	[sflag:s4] =	ssyncset.s32 $0xFFFFF086  }
0x25: {  	[simem:s6], [sflag:s4] =	dma.local [hbm:s3], $0xF7A  }
0x26: {  	[smem:$0x3F89] =	sst s1;
	(tag) =	ssettag s2;
	_ =	strace s9  }
0x27: {  	s1 =	sld [smem:$0x3F99]  }
0x28: {  	s2 =	sld [smem:$0x3F9A]  }
0x29: {  	s4 =	sld [smem:$0x3F9C]  }
0x2a: {  	p0 =	seq.s32 s5, $0x0;
	s5 =	sld [smem:$0x3F9D]  }
0x2b: {  	s6 =	sld [smem:$0x3F9E]  }
0x2c: {  	s7 =	sld [smem:$0x3F9F]  }
0x2d: {  	s3 =	simm.s32 $0x108;
	s8 =	sld [smem:$0x3FA0]  }
0x2e: {  	s3 =	simm.s32 @!p0 $0x1082;
	s9 =	sld [smem:$0x3FA1]  }
0x2f: {  	lr =	sadd.s32 s0, s3;
	s0 =	sld [smem:$0x3F98]  }
0x30: {  	s3 =	sld [smem:$0x3F9B]  }
0x31: {  	[smem:$0x3FA4] =	sst s10  }
0x32: {  	s10 =	sld [smem:$0x3FA2];
	_ =	sdelay $0x3  }
0x33: {  	p0 =	seq.s32 s10, $0x1;
	s10 =	sld [smem:$0x3FA4];
	_ =	sdelay $0x3  }
0x34: {  	[smem:$0x3FA4] =	sst s10  }
0x35: {  	s10 =	sld [smem:$0x3FA3];
	_ =	sdelay $0x3  }
0x36: {  	p1 =	seq.s32 s10, $0x1;
	s10 =	sld [smem:$0x3FA4];
	_ =	sdelay $0x3  }
0x37: {  	[smem:$0x3FA4] =	sst s10  }
0x38: {  	s10 =	sld [smem:$0x3FA5]  }
0x39: {  	_ = 	snop;
	(pc) =	sbr.ind lr, $3  }
0x3a: {  	_ = 	snop  }
0x3b: {  	_ = 	snop  }
0x3c: {  	p2 =	seq.s32 s10, $0x1;
	s10 =	sld [smem:$0x3FA4]  }
0x3d: {  	_ =	shalt  }
0x3e: {  	_ =	shalt  }
0x3f: {  	_ =	shalt  }
0x40: {  	_ =	shalt  }
0x41: {  	_ =	shalt  }
0x42: {  	_ =	shalt  }
0x43: {  	_ =	shalt  }
0x44: {  	_ =	shalt  }
0x45: {  	_ =	shalt  }
0x46: {  	_ =	shalt  }
0x47: {  	_ =	shalt  }
0x48: {  	_ =	shalt  }
0x49: {  	_ =	shalt  }
0x4a: {  	_ =	shalt  }
0x4b: {  	_ =	shalt  }
0x4c: {  	_ =	shalt  }
0x4d: {  	_ =	shalt  }
0x4e: {  	_ =	shalt  }
0x4f: {  	_ =	shalt  }
0x50: {  	_ =	shalt  }
0x51: {  	_ =	shalt  }
0x52: {  	_ =	shalt  }
0x53: {  	_ =	shalt  }
0x54: {  	_ =	shalt  }
0x55: {  	_ =	shalt  }
0x56: {  	_ =	shalt  }
0x57: {  	_ =	shalt  }
0x58: {  	_ =	shalt  }
0x59: {  	_ =	shalt  }
0x5a: {  	_ =	shalt  }
0x5b: {  	_ =	shalt  }
0x5c: {  	_ =	shalt  }
0x5d: {  	_ =	shalt  }
0x5e: {  	_ =	shalt  }
0x5f: {  	_ =	shalt  }
0x60: {  	_ =	shalt  }
0x61: {  	_ =	shalt  }
0x62: {  	_ =	shalt  }
0x63: {  	_ =	shalt  }
0x64: {  	_ =	shalt  }
0x65: {  	_ =	shalt  }
0x66: {  	_ =	shalt  }
0x67: {  	_ =	shalt  }
0x68: {  	_ =	shalt  }
0x69: {  	_ =	shalt  }
0x6a: {  	_ =	shalt  }
0x6b: {  	_ =	shalt  }
0x6c: {  	_ =	shalt  }
0x6d: {  	_ =	shalt  }
0x6e: {  	_ =	shalt  }
0x6f: {  	_ =	shalt  }
0x70: {  	_ =	shalt  }
0x71: {  	_ =	shalt  }
0x72: {  	_ =	shalt  }
0x73: {  	_ =	shalt  }
0x74: {  	_ =	shalt  }
0x75: {  	_ =	shalt  }
0x76: {  	_ =	shalt  }
0x77: {  	_ =	shalt  }
0x78: {  	_ =	shalt  }
0x79: {  	_ =	shalt  }
0x7a: {  	_ =	shalt  }
0x7b: {  	_ =	shalt  }
0x7c: {  	_ =	shalt  }
0x7d: {  	_ =	shalt  }
0x7e: {  	_ =	shalt  }
0x7f: {  	_ =	shalt  }
0x80: {  	_ =	shalt  }
0x81: {  	_ =	shalt  }
0x82: {  	_ =	shalt  }
0x83: {  	_ =	shalt  }
0x84: {  	_ =	shalt  }
0x85: {  	_ =	shalt  }
0x86: {  	_ =	shalt  }
0x87: {  	_ =	shalt  }
.Lfunc_end0:
.L_simem_size_0:
called_computation_lowered:
.L_overlay_start_0:
0x88: {  	s2 =	sld [smem:$0x3FD9]  }
0x89: {  	s3 =	sld [smem:$0x3FFE];
	_ =	sdelay $0x1  }
0x8a: {  	s1 =	srdreg.scid  }
0x8b: {  	s0 =	sand.u32 $0x1, s1  }
0x8c: {  	s16 =	sshll.u32 s0, $0xA;
	s2 =	sadd.s32 s3, s2  }
0x8d: {  	s2 =	sadd.s32 s2, s16  }
0x8e: {  	[smem:$0x3FB0] =	sst s2  }
0x8f: {  	_ = 	snop  }
0x90: {  	(tm) =	ssettm $0x1  }
0x91: {  	s17 =	sld [smem:$0x3FFB];
	_ =	sdelay $0x3  }
0x92: {  	_ =	strace s17  }
0x93: {  	s2 =	sld [smem:$0x3FFC];
	_ =	sdelay $0x3  }
0x94: {  	_ =	strace s2  }
0x95: {  	s2 =	sld [smem:$0x3FFD];
	_ =	sdelay $0x3  }
0x96: {  	_ =	strace s2  }
0x97: {  	_ =	strace $0x8FFFFFFF  }
0x98: {  	s18 =	sld [smem:$0x3FDB];
	_ =	sdelay $0x1  }
0x99: {  	s19 =	simm.s32 $_scs_section_size  }
0x9a: {  	s4 =	simm.s32 $_size__tile_overlayer_lowered;
	s5 =	simm.s32 $_tile_overlayer_lowered  }
0x9b: {  	s22 =	simm.s32 $0x1BFF;
	s21 =	sshll.u32 s5, $0x1;
	s2 =	sadd.s32 s19, s18  }
0x9c: {  	s6 =	simm.s32 $0x0;
	s20 =	sshll.u32 s4, $0x1;
	s4 =	sadd.s32 s21, s2  }
0x9d: {  	[timem:s6], [sflag:s22] =	dma.local [hbm:s4], s20  }
0x9e: {  	_ =	swait.ge [sflag:s22], s20  }
0x9f: {  	s3 =	ssub.s32 $0x0, s20;
	[sflag:s22] =	ssyncset.done $0x0  }
0xa0: {  	[sflag:s22] =	ssyncadd.s32 s3;
	_ =	sdelay $0x1  }
0xa1: {  	s23 =	simm.s32 $0x1B8B  }
0xa2: {  	_ =	swait.ge [sflag:s23], $0x1  }
0xa3: {  	[sflag:s23] =	ssyncset.done $0x0  }
0xa4: {  	s25 =	simm.s32 $0x1B8E;
	s24 =	sld [smem:$0x3FFE];
	[sflag:s23] =	ssyncadd.s32 $0xFFFFFFFF  }
0xa5: {  	s26 =	simm.s32 $execute0_lowered;
	[smem:$0x3FD2] =	sst s25  }
0xa6: {  	s4 =	sshll.u32 s26, $0x1;
	_ =	strace $0x80000046;
	[dreg:$0x1] =	wrdreg $0xFFFFFFFF  }
0xa7: {  	s28 =	simm.s32 $_size_execute0_lowered;
	s2 =	sadd.s32 s2, s4;
	[dreg:$0x0] =	wrdreg $0x0  }
0xa8: {  	s4 =	sshll.u32 s28, $0x1;
	[dreg:$0x2] =	wrdreg s2  }
0xa9: {  	[dreg:$0x3] =	wrdreg s4  }
0xaa: {  	[dreg:$0x4] =	wrdreg $0xC0  }
0xab: {  	_ =	task [dreg:s6], $0x5FFFF  }
0xac: {  	[dreg:$0x1] =	wrdreg $0xFFFFFFFF  }
0xad: {  	[dreg:$0x0] =	wrdreg $0x60  }
0xae: {  	[dreg:$0x2] =	wrdreg s24  }
0xaf: {  	[dreg:$0x3] =	wrdreg $0x9  }
0xb0: {  	_ =	task.clear_ibuf [dreg:s6], $0x4FFFF;
	_ =	strace $0x90000046  }
0xb1: {  	s29 =	simm.s32 $0x9;
	_ =	strace $0x8000004F  }
0xb2: {  	_ =	swait.ge [sflag:s29], $0x1  }
0xb3: {  	[sflag:s29] =	ssyncadd.s32 $0xFFFFFFFF  }
0xb4: {  	_ =	strace $0x9000004F  }
0xb5: {  	_ =	sfence  }
0xb6: {  	s30 =	sld [smem:$0x0];
	_ =	sdelay $0x2  }
0xb7: {  	s31 =	sshll.u32 s1, $0xD;
	s1 =	sshrl.u32 s1, $0x2  }
0xb8: {  	s3 =	sand.u32 $0x4000, s31;
	s1 =	sadd.s32 s1, s30  }
0xb9: {  	s0 =	sor.u32 s3, s0;
	s1 =	sshll.u32 s1, $0x11  }
0xba: {  	s0 =	sor.u32 s1, s0  }
0xbb: {  	s0 =	sadd.s32 $0x8F2B, s0  }
0xbc: {  	[sflag:s0] =	ssyncadd.remote.s32 $0x1  }
0xbd: {  	_ =	sfence.sel $0xFFFF  }
0xbe: {  	[dreg:$0x0] =	wrdreg $0xFFFFFFFF;
	(pc) =	sbr.abs _section_cstart, $3  }
0xbf: {  	[dreg:$0x1] =	wrdreg $0xFFFFFFFF  }
0xc0: {  	_ =	task.clear_ibuf [dreg:s6], $0x2FFFF;
	_ =	strace $0x9FFFFFFF  }
0xc1: {  	(tm) =	ssettm $0x7FFFFFFF  }
tec
execute0_lowered:
.L_overlay_start_1:
0x0: {  	(tag) =	ssettag $0x1  }
0x1: {  	s4 =	rddreg [dreg:$0x0]  }
0x2: {  	s0 =	rddreg [dreg:$0x1];
	s1 =	simm.s32 $0x0  }
0x3: {  	s2 =	srdreg.scid;
	s10 =	simm.s32 $0x0;
	[smem:$0x7FF] =	sst s1  }
0x4: {  	s5 =	sand.u32 $0x1, s2;
	s2 =	stileid.u32;
	s3 =	sadd.s32 $0x1003E00, s4  }
0x5: {  	s7 =	sadd.s32 $0x4200, s4;
	s4 =	sadd.s32 $0x3600, s4;
	s6 =	sshll.u32 s5, $0x4  }
0x6: {  	_ =	strace $0x80000047;
	s5 =	ssub.s32 $0x2, s5;
	s6 =	sor.u32 s2, s6  }
0x7: {  	v2 =	vlaneseq.u32;
	[dreg:$0x2] =	wrdreg s7;
	s8 =	sshrl.u32 s5, $0x1;
	s9 =	smul.u32 $0x60, s6  }
0x8: {  	vm0 =	vmmov $0xffff;
	v1 =	vshrl.u32 v2, $0x3;
	s31 =	ssub.s32 s5, s8;
	s5 =	smul.u32 $0x6, s6;
	s8 =	simm.s32 $0x5  }
0x9: {  	v0 =	vand.u32 $0x7, v2;
	v2 =	vor.u32 $0x8, v2;
	v1 =	vmul.u32 $0x8, v1;
	s7 =	smax.u32 s31, $0x1;
	s6 =	sadd.s32 s4, s9;
	s9 =	simm.s32 $0x4  }
.LBB2_1:
0xa: {  	_ =	strace $0x80000048;
	s11 =	simm.s32 $0x6  }
0xb: {  	s12 =	simm.s32 $0x0;
	s13 =	simm.s32 $0x0;
	s14 =	simm.s32 $0x0  }
0xc: {  	[tilespmem:s1], [sflag:$0x1] =	stream.linear.gather [hbm4b:s6+s1], $0x80, $0x200038;
	[tilespmem:$0x10100] =	vst v63  }
0xd: {  	s15 =	simm.s32 $0x0;
	s16 =	simm.s32 $0x1;
	_ =	strace $0x90000048  }
.LBB2_2:
0xe: {  	s17 =	smov.u32 s12;
	s12 =	sadd.s32 $0x1, s12  }
0xf: {  	p0 =	seq.s32 s12, $0x6  }
0x10: {  	s12 =	simm.s32 @p0 $0x0  }
0x11: {  	p6 =	sne.s32 s11, $0x1;
	p1 =	sne.s32 s17, s12  }
0x12: {  	p0 =	por !p6, !p1  }
0x13: {  	p0 =	por !p0, !p0  }
0x14: {  	s18 =	sadd.s32 @p0 s5, s12  }
0x15: {  	s19 =	sand.u32 @p0 $0x1, s16;
	s18 =	sshll.u32 @p0 s18, $0x4  }
0x16: {  	_ =	strace @p0 $0x80000049;
	s21 =	simm.s32 @p0 $0x0;
	s18 =	sand.u32 @p0 $0x1FFFFFF0, s18  }
0x17: {  	s20 =	sshll.u32 @p0 s19, $0x7;
	s19 =	sadd.s32 @p0 $0x1, s19;
	s18 =	sadd.s32 @p0 s4, s18  }
0x18: {  	[tilespmem:s20], [sflag:s19] =	stream.linear.gather @p0 [hbm4b:s18+s21], $0x80, $0x200038;
	[tilespmem:$0x10100] =	vst v63  }
0x19: {  	s24 =	sand.u32 $0x1, s15;
	_ =	strace @p0 $0x90000049  }
0x1a: {  	s18 =	sadd.s32 $0x1, s24;
	_ =	strace $0x8000004A  }
0x1b: {  	_ =	swait.ge [sflag:s18], $0x80  }
0x1c: {  	[sflag:s18] =	ssyncset.done $0x0  }
0x1d: {  	[sflag:s18] =	ssyncadd.s32 $0xFFFFFF80  }
0x1e: {  	s25 =	sshll.u32 s15, $0x7;
	_ =	strace $0x9000004A  }
0x1f: {  	s21 =	sand.u32 $0x80, s25;
	_ =	strace $0x8000004B  }
0x20: {  	v3 =	vld [tilespmem:s21+$0x0];
	_ =	sdelay $0x4  }
0x21: {  	v4 =	vshll.u32 v3, $0x1  }
0x22: {  	v3 =	vand.u32 $0x7, v3;
	v4 =	vand.u32 $0xFFFFFFF0, v4  }
0x23: {  	v3 =	vor.u32 v3, v4  }
0x24: {  	v4 =	vperm.xlane v3, v0;
	_ =	sdelay $0x1  }
0x25: {  	v3 =	vperm.xlane v3, v2;
	v4 =	vadd.s32 v1, v4;
	_ =	sdelay $0x1  }
0x26: {  	s18 =	sand.u32 $0x1, s14;
	v3 =	vadd.s32 v1, v3  }
0x27: {  	s20 =	sshll.u32 s18, $0xF  }
0x28: {  	s19 =	sor.u32 $0x100, s20  }
0x29: {  	[tilespmem:s19], [sflag:$0x5] =	stream.indirect_vreg.gather [hbm4b:s3+s1], $0x80, v4, vm0, $0x2000b8;
	[tilespmem:$0x10100] =	vst v63  }
0x2a: {  	s22 =	sor.u32 $0x900, s20  }
0x2b: {  	[tilespmem:s22], [sflag:$0x5] =	stream.indirect_vreg.gather [hbm4b:s3+s1], $0x80, v3, vm0, $0x2000b8;
	[tilespmem:$0x10100] =	vst v63  }
0x2c: {  	v3 =	vld [tilespmem:s21+$0x10];
	_ =	sdelay $0x4  }
0x2d: {  	v57 =	vshll.u32 v3, $0x1  }
0x2e: {  	v3 =	vand.u32 $0x7, v3;
	v4 =	vand.u32 $0xFFFFFFF0, v57  }
0x2f: {  	v3 =	vor.u32 v3, v4  }
0x30: {  	v4 =	vperm.xlane v3, v0;
	_ =	sdelay $0x1  }
0x31: {  	v3 =	vperm.xlane v3, v2;
	v4 =	vadd.s32 v1, v4;
	_ =	sdelay $0x1  }
0x32: {  	v3 =	vadd.s32 v1, v3;
	_ =	sdelay $0x1  }
0x33: {  	s26 =	sor.u32 $0x1100, s20  }
0x34: {  	[tilespmem:s26], [sflag:$0x5] =	stream.indirect_vreg.gather [hbm4b:s3+s1], $0x80, v4, vm0, $0x2000b8;
	[tilespmem:$0x10100] =	vst v63  }
0x35: {  	s28 =	sor.u32 $0x1900, s20  }
0x36: {  	[tilespmem:s28], [sflag:$0x5] =	stream.indirect_vreg.gather [hbm4b:s3+s1], $0x80, v3, vm0, $0x2000b8;
	[tilespmem:$0x10100] =	vst v63  }
0x37: {  	v3 =	vld [tilespmem:s21+$0x20];
	_ =	sdelay $0x4  }
0x38: {  	v58 =	vshll.u32 v3, $0x1  }
0x39: {  	v3 =	vand.u32 $0x7, v3;
	v4 =	vand.u32 $0xFFFFFFF0, v58  }
0x3a: {  	v3 =	vor.u32 v3, v4  }
0x3b: {  	v4 =	vperm.xlane v3, v0;
	_ =	sdelay $0x1  }
0x3c: {  	v3 =	vperm.xlane v3, v2;
	v4 =	vadd.s32 v1, v4;
	_ =	sdelay $0x1  }
0x3d: {  	v3 =	vadd.s32 v1, v3;
	_ =	sdelay $0x1  }
0x3e: {  	s29 =	sor.u32 $0x2100, s20  }
0x3f: {  	[tilespmem:s29], [sflag:$0x5] =	stream.indirect_vreg.gather [hbm4b:s3+s1], $0x80, v4, vm0, $0x2000b8;
	[tilespmem:$0x10100] =	vst v63  }
0x40: {  	s30 =	sor.u32 $0x2900, s20  }
0x41: {  	[tilespmem:s30], [sflag:$0x5] =	stream.indirect_vreg.gather [hbm4b:s3+s1], $0x80, v3, vm0, $0x2000b8;
	[tilespmem:$0x10100] =	vst v63  }
0x42: {  	v3 =	vld [tilespmem:s21+$0x30];
	_ =	sdelay $0x4  }
0x43: {  	v59 =	vshll.u32 v3, $0x1  }
0x44: {  	v3 =	vand.u32 $0x7, v3;
	v4 =	vand.u32 $0xFFFFFFF0, v59  }
0x45: {  	v3 =	vor.u32 v3, v4  }
0x46: {  	v4 =	vperm.xlane v3, v0;
	_ =	sdelay $0x1  }
0x47: {  	v3 =	vperm.xlane v3, v2;
	v4 =	vadd.s32 v1, v4;
	_ =	sdelay $0x1  }
0x48: {  	v3 =	vadd.s32 v1, v3;
	_ =	sdelay $0x1  }
0x49: {  	s31 =	sor.u32 $0x3100, s20  }
0x4a: {  	[tilespmem:s31], [sflag:$0x5] =	stream.indirect_vreg.gather [hbm4b:s3+s1], $0x80, v4, vm0, $0x2000b8;
	[tilespmem:$0x10100] =	vst v63  }
0x4b: {  	s23 =	sor.u32 $0x3900, s20  }
0x4c: {  	[tilespmem:s23], [sflag:$0x5] =	stream.indirect_vreg.gather [hbm4b:s3+s1], $0x80, v3, vm0, $0x2000b8;
	[tilespmem:$0x10100] =	vst v63  }
0x4d: {  	v3 =	vld [tilespmem:s21+$0x40];
	_ =	sdelay $0x4  }
0x4e: {  	v60 =	vshll.u32 v3, $0x1  }
0x4f: {  	v3 =	vand.u32 $0x7, v3;
	v4 =	vand.u32 $0xFFFFFFF0, v60  }
0x50: {  	v3 =	vor.u32 v3, v4  }
0x51: {  	v4 =	vperm.xlane v3, v0;
	_ =	sdelay $0x1  }
0x52: {  	v3 =	vperm.xlane v3, v2;
	v4 =	vadd.s32 v1, v4;
	_ =	sdelay $0x1  }
0x53: {  	v3 =	vadd.s32 v1, v3;
	_ =	sdelay $0x1  }
0x54: {  	s24 =	sor.u32 $0x4100, s20  }
0x55: {  	[tilespmem:s24], [sflag:$0x5] =	stream.indirect_vreg.gather [hbm4b:s3+s1], $0x80, v4, vm0, $0x2000b8;
	[tilespmem:$0x10100] =	vst v63  }
0x56: {  	s25 =	sor.u32 $0x4900, s20  }
0x57: {  	[tilespmem:s25], [sflag:$0x5] =	stream.indirect_vreg.gather [hbm4b:s3+s1], $0x80, v3, vm0, $0x2000b8;
	[tilespmem:$0x10100] =	vst v63  }
0x58: {  	v3 =	vld [tilespmem:s21+$0x50];
	_ =	sdelay $0x4  }
0x59: {  	v61 =	vshll.u32 v3, $0x1  }
0x5a: {  	v3 =	vand.u32 $0x7, v3;
	v4 =	vand.u32 $0xFFFFFFF0, v61  }
0x5b: {  	v3 =	vor.u32 v3, v4  }
0x5c: {  	v4 =	vperm.xlane v3, v0;
	_ =	sdelay $0x1  }
0x5d: {  	v3 =	vperm.xlane v3, v2;
	v4 =	vadd.s32 v1, v4;
	_ =	sdelay $0x1  }
0x5e: {  	v3 =	vadd.s32 v1, v3;
	_ =	sdelay $0x1  }
0x5f: {  	s26 =	sor.u32 $0x5100, s20  }
0x60: {  	[tilespmem:s26], [sflag:$0x5] =	stream.indirect_vreg.gather [hbm4b:s3+s1], $0x80, v4, vm0, $0x2000b8;
	[tilespmem:$0x10100] =	vst v63  }
0x61: {  	s28 =	sor.u32 $0x5900, s20  }
0x62: {  	[tilespmem:s28], [sflag:$0x5] =	stream.indirect_vreg.gather [hbm4b:s3+s1], $0x80, v3, vm0, $0x2000b8;
	[tilespmem:$0x10100] =	vst v63  }
0x63: {  	v3 =	vld [tilespmem:s21+$0x60];
	_ =	sdelay $0x4  }
0x64: {  	v62 =	vshll.u32 v3, $0x1  }
0x65: {  	v3 =	vand.u32 $0x7, v3;
	v4 =	vand.u32 $0xFFFFFFF0, v62  }
0x66: {  	v3 =	vor.u32 v3, v4  }
0x67: {  	v4 =	vperm.xlane v3, v0;
	_ =	sdelay $0x1  }
0x68: {  	v3 =	vperm.xlane v3, v2;
	v4 =	vadd.s32 v1, v4;
	_ =	sdelay $0x1  }
0x69: {  	v3 =	vadd.s32 v1, v3;
	_ =	sdelay $0x1  }
0x6a: {  	s29 =	sor.u32 $0x6100, s20  }
0x6b: {  	[tilespmem:s29], [sflag:$0x5] =	stream.indirect_vreg.gather [hbm4b:s3+s1], $0x80, v4, vm0, $0x2000b8;
	[tilespmem:$0x10100] =	vst v63  }
0x6c: {  	s30 =	sor.u32 $0x6900, s20  }
0x6d: {  	[tilespmem:s30], [sflag:$0x5] =	stream.indirect_vreg.gather [hbm4b:s3+s1], $0x80, v3, vm0, $0x2000b8;
	[tilespmem:$0x10100] =	vst v63  }
0x6e: {  	v3 =	vld [tilespmem:s21+$0x70];
	_ =	sdelay $0x4  }
0x6f: {  	v63 =	vshll.u32 v3, $0x1  }
0x70: {  	v3 =	vand.u32 $0x7, v3;
	v4 =	vand.u32 $0xFFFFFFF0, v63  }
0x71: {  	v3 =	vor.u32 v3, v4  }
0x72: {  	v4 =	vperm.xlane v3, v0;
	_ =	sdelay $0x1  }
0x73: {  	v3 =	vperm.xlane v3, v2;
	v4 =	vadd.s32 v1, v4;
	_ =	sdelay $0x1  }
0x74: {  	v3 =	vadd.s32 v1, v3;
	_ =	sdelay $0x1  }
0x75: {  	s31 =	sor.u32 $0x7100, s20  }
0x76: {  	[tilespmem:s31], [sflag:$0x5] =	stream.indirect_vreg.gather [hbm4b:s3+s1], $0x80, v4, vm0, $0x2000b8;
	[tilespmem:$0x10100] =	vst v63  }
0x77: {  	s20 =	sor.u32 $0x7900, s20  }
0x78: {  	[tilespmem:s20], [sflag:$0x5] =	stream.indirect_vreg.gather [hbm4b:s3+s1], $0x80, v3, vm0, $0x2000b8;
	[tilespmem:$0x10100] =	vst v63  }
0x79: {  	_ =	swait.ge [sflag:s8], $0x8000  }
0x7a: {  	p2 =	seq.s32 s11, $0x1;
	[sflag:s8] =	ssyncset.done $0x0  }
0x7b: {  	s17 =	sadd.s32 s5, s17;
	p1 =	por p2, p1;
	[sflag:s8] =	ssyncadd.s32 $0xFFFF8000  }
0x7c: {  	s17 =	sshll.u32 @p1 s17, $0xC;
	_ =	strace $0x9000004B  }
0x7d: {  	s17 =	sand.u32 @p1 $0x1FFFF000, s17;
	s21 =	simm.s32 $0x1;
	_ =	strace @p1 $0x8000004C  }
0x7e: {  	s18 =	sadd.s32 @p1 $0x3, s18;
	s21 =	simm.s32 @!p0 $0x0;
	s20 =	rddreg [dreg:$0x2]  }
0x7f: {  	p0 =	seq.s32 s11, $0x6;
	s17 =	sadd.s32 @p1 s20, s17;
	s20 =	simm.s32 @p1 $0x0  }
0x80: {  	[hbm4b:s17+s20] =	stream.linear.scatter @p1 [tilespmem:s19], [sflag:s18], $0x8000, $0x200038;
	[tilespmem:$0x10100] =	vst v63  }
0x81: {  	s17 =	simm.s32 $0x1;
	s19 =	simm.s32 $0x1;
	_ =	strace @p1 $0x9000004C  }
0x82: {  	s17 =	simm.s32 @!p1 $0x0;
	p1 =	sne.s32 s11, $0x6;
	s11 =	sadd.s32 $0xFFFFFFFF, s11  }
0x83: {  	s18 =	sand.u32 @!p0 $0x1, s13;
	s19 =	simm.s32 @!p1 $0x0;
	p1 =	sne.s32 s11, $0x0  }
.Ltmp0:
0x84: {  	s18 =	sadd.s32 @!p0 $0x3, s18;
	_ =	strace @!p0 $0x8000004D;
	(pc) =	sbr.rel @p1 .LBB2_2-.Ltmp0, $4  }
0x85: {  	_ =	swait.ge @!p0 [sflag:s18], $0x8000  }
0x86: {  	[sflag:s18] =	ssyncset.done @!p0 $0x0  }
0x87: {  	s16 =	sadd.s32 s21, s16;
	s14 =	sadd.s32 s17, s14;
	[sflag:s18] =	ssyncadd.s32 @!p0 $0xFFFF8000  }
0x88: {  	s15 =	sadd.s32 s17, s15;
	s13 =	sadd.s32 s19, s13;
	_ =	strace @!p0 $0x9000004D  }
0x89: {  	s10 =	sadd.s32 $0x1, s10  }
0x8a: {  	p0 =	sne.s32 s10, s7  }
.Ltmp1:
0x8b: {  	_ =	strace $0x8000004E;
	(pc) =	sbr.rel @p0 .LBB2_1-.Ltmp1, $4  }
0x8c: {  	_ =	swait.ge [sflag:s9], $0x8000  }
0x8d: {  	[sflag:s9] =	ssyncset.done $0x0  }
0x8e: {  	[sflag:s9] =	ssyncadd.s32 $0xFFFF8000  }
0x8f: {  	_ =	strace $0x9000004E  }
0x90: {  	_ =	sfence.sel $0x180000  }
0x91: {  	[bflag:$0x0] =	sbarrier.arrive $0xFFFF  }
0x92: {  	p0 =	sne.s32 s2, $0x0;
	_ =	strace $0x90000047  }
0x93: {  	s0 =	sadd.s32 @!p0 $0x100000, s0;
	[bflag:$0x2] =	sbarrier.arrive $0xFFFF  }
0x94: {  	[sflag:s0] =	ssyncadd.tile.s32 @!p0 $0x1;
	_ =	shalt  }
.Lfunc_end2:
_tile_overlayer_lowered:
.L_overlay_start_2:
0x95: {  	(tag) =	ssettag $0x2  }
0x96: {  	s0 =	rddreg [dreg:$0x0];
	s2 =	stileid.u32  }
0x97: {  	s1 =	rddreg [dreg:$0x1];
	p0 =	sne.s32 s2, $0x0  }
0x98: {  	s3 =	rddreg [dreg:$0x2];
	[bflag:$0x3] =	sbarrier.arrive $0xFFFF;
	s2 =	simm.s32 @!p0 $0x1C01  }
0x99: {  	[timem:s3], [sflag:s2] =	dma.local @!p0 [hbm:s0], s1  }
0x9a: {  	s0 =	simm.s32 @!p0 $0x1  }
0x9b: {  	_ =	swait.ge @!p0 [sflag:s0], s1  }
0x9c: {  	s1 =	ssub.s32 @!p0 $0x0, s1;
	[sflag:s0] =	ssyncset.done @!p0 $0x0  }
0x9d: {  	[sflag:s0] =	ssyncadd.s32 @!p0 s1  }
0x9e: {  	[bflag:$0x3] =	sbarrier.arrive $0xFFFF  }
0x9f: {  	_ =	shalt  }

</sc_bundles>
